<compile_context>
chip_gen: v7x
topology: tpu7x:2x2x1
jax: 0.10.2.dev20260603
libtpu: 0.0.44.dev20260713+nightly
codegen_flags: <defaults>
</compile_context>

<pallas_src>
import functools

import jax
import jax.numpy as jnp
from jax import lax
from jax.experimental import pallas as pl
from jax.experimental.pallas import tpu as pltpu
from jax.experimental.pallas import tpu_sc as plsc



def _lse_body(table_ref, lse_ref):
    t = table_ref[...]
    m = jnp.max(t, axis=1)
    s = jnp.sum(jnp.exp(t - m[:, None]), axis=1)
    lse_ref[...] = m + jnp.log(s)


def _compute_lse(table):
    V = table.shape[0]
    return pl.pallas_call(
        _lse_body,
        out_shape=jax.ShapeDtypeStruct((V,), jnp.float32),
    )(table)



@functools.lru_cache(maxsize=None)
def _make_sc_gather(N, V, C):
    NC, NS = 2, 16
    NW = NC * NS
    assert N % NW == 0
    BPW = N // NW
    CH = 32
    assert BPW % CH == 0 and CH % 16 == 0 and NCHUNK_EVEN(BPW, CH)
    NCHUNK = BPW // CH
    G = CH // 16
    NT = (C + 127) // 128
    FULLT = C // 128
    TAILC = C - FULLT * 128
    FULLG = TAILC // 16
    REM = TAILC - FULLG * 16

    mesh = plsc.VectorSubcoreMesh(core_axis_name="c", subcore_axis_name="s")

    @functools.partial(
        pl.kernel,
        mesh=mesh,
        compiler_params=pltpu.CompilerParams(needs_layout_passes=False),
        out_type=(
            jax.ShapeDtypeStruct((N, C), jnp.float32),
            jax.ShapeDtypeStruct((NW, 16), jnp.float32),
        ),
        scratch_types=[
            pltpu.VMEM((BPW,), jnp.int32),
            pltpu.VMEM((BPW,), jnp.int32),
            pltpu.VMEM((V,), jnp.float32),
            pltpu.VMEM((CH, NT, 128), jnp.float32),
            pltpu.VMEM((CH, NT, 128), jnp.float32),
            pltpu.VMEM((CH, TAILC), jnp.float32),
            pltpu.VMEM((16,), jnp.float32),
            pltpu.SemaphoreType.DMA,
            pltpu.SemaphoreType.DMA,
        ],
    )
    def sc_kernel(t4_hbm, idx_hbm, tgt_hbm, lse_hbm, out_hbm, part_hbm,
                  idx_v, tgt_v, lse_v, rows_a, rows_b, tail_v, acc_v,
                  gsem, ssem):
        wid = lax.axis_index("s") * NC + lax.axis_index("c")
        base = wid * BPW
        pltpu.sync_copy(idx_hbm.at[pl.ds(base, BPW)], idx_v)
        pltpu.sync_copy(tgt_hbm.at[pl.ds(base, BPW)], tgt_v)
        pltpu.sync_copy(lse_hbm, lse_v)
        acc_v[...] = jnp.zeros((16,), jnp.float32)
        lanes = lax.broadcasted_iota(jnp.int32, (16,), 0)

        pltpu.async_copy(t4_hbm.at[idx_v.at[pl.ds(0, CH)]], rows_a, gsem)

        @pl.loop(0, NCHUNK, step=2)
        def _outer(ci):
            for b, (buf, obuf) in enumerate(((rows_a, rows_b),
                                             (rows_b, rows_a))):
                c = ci + b
                off = c * CH
                row0 = base + off
                pltpu.make_async_copy(
                    t4_hbm.at[idx_v.at[pl.ds(0, CH)]], buf, gsem
                ).wait()

                def _drain_prev():
                    for t in range(FULLT):
                        pltpu.make_async_copy(
                            obuf.at[:, t],
                            out_hbm.at[pl.ds(row0, CH), pl.ds(t * 128, 128)],
                            ssem).wait()
                    pltpu.make_async_copy(
                        tail_v,
                        out_hbm.at[pl.ds(row0, CH),
                                   pl.ds(FULLT * 128, TAILC)],
                        ssem).wait()
                if b == 0:
                    pl.when(ci > 0)(_drain_prev)
                else:
                    _drain_prev()

                def _issue_next():
                    pltpu.async_copy(
                        t4_hbm.at[idx_v.at[pl.ds(off + CH, CH)]], obuf, gsem
                    )
                if b == 0:
                    _issue_next()
                else:
                    pl.when(ci + 2 < NCHUNK)(_issue_next)

                for t in range(FULLT):
                    pltpu.async_copy(
                        buf.at[:, t],
                        out_hbm.at[pl.ds(row0, CH), pl.ds(t * 128, 128)],
                        ssem)

                @pl.loop(0, CH)
                def _row(j):
                    for g in range(FULLG):
                        tail_v[j, pl.ds(g * 16, 16)] = (
                            buf[j, FULLT, pl.ds(g * 16, 16)]
                        )
                    if REM:
                        colv = FULLG * 16 + lanes
                        v = buf[j, FULLT, pl.ds(FULLG * 16, 16)]
                        jv = jnp.zeros((16,), jnp.int32) + j
                        plsc.store_scatter(tail_v, [jv, colv],
                                           v, mask=colv < TAILC)

                pltpu.async_copy(
                    tail_v,
                    out_hbm.at[pl.ds(row0, CH), pl.ds(FULLT * 128, TAILC)],
                    ssem)

                for g in range(G):
                    j0 = off + g * 16
                    ivec = idx_v[pl.ds(j0, 16)]
                    tvec = tgt_v[pl.ds(j0, 16)]
                    lsev = plsc.load_gather(lse_v, [ivec])
                    lrow = lanes + g * 16
                    tval = plsc.load_gather(
                        buf, [lrow, tvec // 128, tvec % 128])
                    acc_v[...] = acc_v[...] + (lsev - tval)

        for t in range(FULLT):
            pltpu.make_async_copy(
                rows_b.at[:, t],
                out_hbm.at[pl.ds(base, CH), pl.ds(t * 128, 128)],
                ssem).wait()
        pltpu.make_async_copy(
            tail_v,
            out_hbm.at[pl.ds(base, CH), pl.ds(FULLT * 128, TAILC)],
            ssem).wait()

        pltpu.sync_copy(acc_v, part_hbm.at[wid])

    return sc_kernel


def NCHUNK_EVEN(BPW, CH):
    return (BPW // CH) % 2 == 0



def _make_fin(N):
    def _fin_body(part_ref, loss_ref):
        loss_ref[...] = (jnp.sum(part_ref[...]) / N).reshape(1, 1)

    return pl.pallas_call(
        _fin_body,
        out_shape=jax.ShapeDtypeStruct((1, 1), jnp.float32),
    )


def kernel(idx, targets, table):
    B, T = idx.shape
    V, C = table.shape
    N = B * T
    NT = (C + 127) // 128
    idx_flat = idx.reshape(N).astype(jnp.int32)
    tgt_flat = targets.reshape(N).astype(jnp.int32)
    table = table.astype(jnp.float32)
    table4 = jnp.pad(table, ((0, 0), (0, NT * 128 - C))).reshape(V, NT, 128)

    lse = _compute_lse(table)
    logits, partials = _make_sc_gather(N, V, C)(
        table4, idx_flat, tgt_flat, lse
    )
    loss = _make_fin(N)(partials).reshape(())
    return (logits, loss)

# --- scband reference (transcript-rebuilt; emitter-appended) ---
"""Pipeline reference for scband-bigram-language-model-59210419143123 (READ-ONLY COPY).

The authoritative reference and input builder live on the scoring server;
editing this copy changes nothing except your own understanding.
"""

import jax, jax.numpy as jnp
import numpy as np

VOCAB = 1000
B, T = 1024, 50

def setup_inputs(seed: int = 0) -> dict:
    key = jax.random.key(seed)
    k1, k2, k3 = jax.random.split(key, 3)
    idx = jax.random.randint(k1, (B, T), 0, VOCAB, dtype=jnp.int64 if jax.config.jax_enable_x64 else jnp.int32)
    targets = jax.random.randint(k2, (B, T), 0, VOCAB, dtype=jnp.int64 if jax.config.jax_enable_x64 else jnp.int32)
    table = jax.random.normal(k3, (VOCAB, VOCAB), dtype=jnp.float32)
    return {"idx": idx, "targets": targets, "table": table}

def reference(idx, targets, table):
    # logits = token_embedding_table(idx) : gather rows of [vocab, vocab] table
    logits = jnp.take(table, idx, axis=0)  # [B, T, C]
    Bv, Tv, Cv = logits.shape
    logits = logits.reshape(Bv * Tv, Cv)
    tgt = targets.reshape(Bv * Tv)
    # F.cross_entropy: mean over rows of -log_softmax(logits)[row, target]
    logp = jax.nn.log_softmax(logits, axis=-1)
    nll = -jnp.take_along_axis(logp, tgt[:, None], axis=1)[:, 0]
    loss = jnp.mean(nll)
    return (logits, loss)

if False:  # reference __main__ guard neutralized (emitter)
    out = reference(**setup_inputs())
    print(out[0].shape, out[1])

if __name__ == "__main__":
    import jax
    _d = setup_inputs()
    print(jax.jit(kernel)(*tuple(_d.values())))

</pallas_src>

<mosaic_0001>
#map = affine_map<(d0, d1) -> (0, 0, 0)>
#map1 = affine_map<(d0, d1) -> (0)>
#map2 = affine_map<(d0, d1) -> (0, 0)>
module attributes {stable_mosaic.version = 14 : i64} {
  func.func @sc_kernel(%arg0: i32, %arg1: i32, %arg2: memref<1000x8x128xf32, #tpu.memory_space<hbm>>, %arg3: memref<51200xi32, #tpu.memory_space<hbm>>, %arg4: memref<51200xi32, #tpu.memory_space<hbm>>, %arg5: memref<1000xf32, #tpu.memory_space<hbm>>, %arg6: memref<51200x1000xf32, #tpu.memory_space<hbm>>, %arg7: memref<32x16xf32, #tpu.memory_space<hbm>>, %arg8: memref<1600xi32, #tpu.memory_space<vmem>>, %arg9: memref<1600xi32, #tpu.memory_space<vmem>>, %arg10: memref<1000xf32, #tpu.memory_space<vmem>>, %arg11: memref<32x8x128xf32, #tpu.memory_space<vmem>>, %arg12: memref<32x8x128xf32, #tpu.memory_space<vmem>>, %arg13: memref<32x104xf32, #tpu.memory_space<vmem>>, %arg14: memref<16xf32, #tpu.memory_space<vmem>>, %arg15: memref<!tpu.dma_semaphore, #tpu.memory_space<semaphore_mem>>, %arg16: memref<!tpu.dma_semaphore, #tpu.memory_space<semaphore_mem>>) attributes {dimension_semantics = [#tpu.dimension_semantics<core_parallel>, #tpu.dimension_semantics<subcore_parallel>], iteration_bounds = array<i64: 2, 16>, scalar_prefetch = 0 : i64, scratch_operands = 9 : i64, tpu.core_type = #tpu.core_type<sc_vector_subcore>, window_params = [{transform_indices = #map}, {transform_indices = #map1}, {transform_indices = #map1}, {transform_indices = #map1}, {transform_indices = #map2}, {transform_indices = #map2}]} {
    %mul3A = arith.constant 2 : i32
    %mul3A_0 = arith.muli %arg1, %mul3A : i32
    %add3A = arith.addi %mul3A_0, %arg0 : i32
    %mul3A_1 = arith.constant 1600 : i32
    %mul3A_2 = arith.muli %add3A, %mul3A_1 : i32
    "tpu.region"() ({
      %run_scoped3A = tpu.sem_alloc : memref<!tpu.dma_semaphore, #tpu.memory_space<semaphore_mem>>
      %dma_start3A_108 = tpu.memref_slice %arg3[%mul3A_2] : memref<51200xi32, #tpu.memory_space<hbm>> -> memref<1600xi32, #tpu.memory_space<hbm>>
      %dma_start3A_109 = tpu.memref_slice %arg3[%mul3A_2] : memref<51200xi32, #tpu.memory_space<hbm>> -> memref<1600xi32, #tpu.memory_space<hbm>>
      tpu.enqueue_dma source(%dma_start3A_109 : memref<1600xi32, #tpu.memory_space<hbm>>) target(%arg8 : memref<1600xi32, #tpu.memory_space<vmem>>) target_semaphore(%run_scoped3A : memref<!tpu.dma_semaphore, #tpu.memory_space<semaphore_mem>>)
      %dma_wait3A_110 = tpu.memref_slice %arg3[%mul3A_2] : memref<51200xi32, #tpu.memory_space<hbm>> -> memref<1600xi32, #tpu.memory_space<hbm>>
      %dma_wait3A_111 = tpu.memref_slice %arg3[%mul3A_2] : memref<51200xi32, #tpu.memory_space<hbm>> -> memref<1600xi32, #tpu.memory_space<hbm>>
      tpu.wait_dma2 semaphore(%run_scoped3A : memref<!tpu.dma_semaphore, #tpu.memory_space<semaphore_mem>>) src(%dma_wait3A_111 : memref<1600xi32, #tpu.memory_space<hbm>>) dst(%arg8 : memref<1600xi32, #tpu.memory_space<vmem>>)
      tpu.yield
    }) : () -> ()
    "tpu.region"() ({
      %run_scoped3A = tpu.sem_alloc : memref<!tpu.dma_semaphore, #tpu.memory_space<semaphore_mem>>
      %dma_start3A_108 = tpu.memref_slice %arg4[%mul3A_2] : memref<51200xi32, #tpu.memory_space<hbm>> -> memref<1600xi32, #tpu.memory_space<hbm>>
      %dma_start3A_109 = tpu.memref_slice %arg4[%mul3A_2] : memref<51200xi32, #tpu.memory_space<hbm>> -> memref<1600xi32, #tpu.memory_space<hbm>>
      tpu.enqueue_dma source(%dma_start3A_109 : memref<1600xi32, #tpu.memory_space<hbm>>) target(%arg9 : memref<1600xi32, #tpu.memory_space<vmem>>) target_semaphore(%run_scoped3A : memref<!tpu.dma_semaphore, #tpu.memory_space<semaphore_mem>>)
      %dma_wait3A_110 = tpu.memref_slice %arg4[%mul3A_2] : memref<51200xi32, #tpu.memory_space<hbm>> -> memref<1600xi32, #tpu.memory_space<hbm>>
      %dma_wait3A_111 = tpu.memref_slice %arg4[%mul3A_2] : memref<51200xi32, #tpu.memory_space<hbm>> -> memref<1600xi32, #tpu.memory_space<hbm>>
      tpu.wait_dma2 semaphore(%run_scoped3A : memref<!tpu.dma_semaphore, #tpu.memory_space<semaphore_mem>>) src(%dma_wait3A_111 : memref<1600xi32, #tpu.memory_space<hbm>>) dst(%arg9 : memref<1600xi32, #tpu.memory_space<vmem>>)
      tpu.yield
    }) : () -> ()
    "tpu.region"() ({
      %run_scoped3A = tpu.sem_alloc : memref<!tpu.dma_semaphore, #tpu.memory_space<semaphore_mem>>
      tpu.enqueue_dma source(%arg5 : memref<1000xf32, #tpu.memory_space<hbm>>) target(%arg10 : memref<1000xf32, #tpu.memory_space<vmem>>) target_semaphore(%run_scoped3A : memref<!tpu.dma_semaphore, #tpu.memory_space<semaphore_mem>>)
      tpu.wait_dma2 semaphore(%run_scoped3A : memref<!tpu.dma_semaphore, #tpu.memory_space<semaphore_mem>>) src(%arg5 : memref<1000xf32, #tpu.memory_space<hbm>>) dst(%arg10 : memref<1000xf32, #tpu.memory_space<vmem>>)
      tpu.yield
    }) : () -> ()
    %broadcast_in_dim3A = arith.constant 0.000000e+00 : f32
    %broadcast_in_dim3A_3 = vector.broadcast %broadcast_in_dim3A : f32 to vector<16xf32>
    %swap3A = arith.constant 0 : index
    %swap3A_4 = tpu.vector_load %arg14[%swap3A] {strides = array<i32>} : memref<16xf32, #tpu.memory_space<vmem>>, vector<16xf32>,
    tpu.vector_store %arg14[%swap3A], %broadcast_in_dim3A_3 {strides = array<i32>} : memref<16xf32, #tpu.memory_space<vmem>>, vector<16xf32>,
    %iota3A = tpu.iota {dimensions = array<i32: 0>} : vector<16xi32>
    %dma_start3A = arith.constant 0 : i32
    %dma_start3A_5 = tpu.memref_slice %arg8[%dma_start3A] : memref<1600xi32, #tpu.memory_space<vmem>> -> memref<32xi32, #tpu.memory_space<vmem>>
    %dma_start3A_6 = arith.constant 0 : i32
    %dma_start3A_7 = arith.constant 0 : i32
    %dma_start3A_8 = arith.constant 0 : i32
    %dma_start3A_9 = tpu.memref_slice %arg2[%dma_start3A_6, %dma_start3A_7, %dma_start3A_8] : memref<1000x8x128xf32, #tpu.memory_space<hbm>> -> memref<1000x8x128xf32, #tpu.memory_space<hbm>>
    tpu.enqueue_indirect_dma source(%dma_start3A_9 : memref<1000x8x128xf32, #tpu.memory_space<hbm>>) target(%arg11 : memref<32x8x128xf32, #tpu.memory_space<vmem>>) offsets(%dma_start3A_5 : memref<32xi32, #tpu.memory_space<vmem>>) semaphore(%arg15 : memref<!tpu.dma_semaphore, #tpu.memory_space<semaphore_mem>>)
    %scan3A = arith.constant 0 : i32
    %scan3A_10 = arith.constant 25 : i32
    %scan3A_11 = arith.addi %scan3A, %scan3A_10 : i32
    %scan3A_12 = arith.constant 1 : i32
    scf.for %scan3A_108 = %scan3A to %scan3A_11 step %scan3A_12  : i32 {
      %mul3A_109 = arith.constant 2 : i32
      %mul3A_110 = arith.muli %scan3A_108, %mul3A_109 : i32
      %add3A_111 = arith.constant 0 : i32
      %add3A_112 = arith.addi %add3A_111, %mul3A_110 : i32
      %add3A_113 = arith.constant 0 : i32
      %add3A_114 = arith.addi %add3A_112, %add3A_113 : i32
      %mul3A_115 = arith.constant 32 : i32
      %mul3A_116 = arith.muli %add3A_114, %mul3A_115 : i32
      %add3A_117 = arith.addi %mul3A_2, %mul3A_116 : i32
      %dma_wait3A_118 = arith.constant 0 : i32
      %dma_wait3A_119 = tpu.memref_slice %arg8[%dma_wait3A_118] : memref<1600xi32, #tpu.memory_space<vmem>> -> memref<32xi32, #tpu.memory_space<vmem>>
      %dma_wait3A_120 = arith.constant 0 : i32
      %dma_wait3A_121 = arith.constant 0 : i32
      %dma_wait3A_122 = arith.constant 0 : i32
      %dma_wait3A_123 = tpu.memref_slice %arg2[%dma_wait3A_120, %dma_wait3A_121, %dma_wait3A_122] : memref<1000x8x128xf32, #tpu.memory_space<hbm>> -> memref<1000x8x128xf32, #tpu.memory_space<hbm>>
      tpu.wait_indirect_dma semaphore(%arg15 : memref<!tpu.dma_semaphore, #tpu.memory_space<semaphore_mem>>) src(%dma_wait3A_123 : memref<1000x8x128xf32, #tpu.memory_space<hbm>>) dst(%arg11 : memref<32x8x128xf32, #tpu.memory_space<vmem>>)
      %gt3A = arith.constant 0 : i32
      %gt3A_124 = arith.cmpi sgt, %add3A_112, %gt3A : i32
      %convert_element_type3A = arith.extui %gt3A_124 : i1 to i32
      %cond3A = arith.constant 0 : i32
      %cond3A_125 = arith.cmpi ne, %convert_element_type3A, %cond3A : i32
      scf.if %cond3A_125 {
        %dma_wait3A_714 = arith.constant 0 : i32
        %dma_wait3A_715 = arith.constant 0 : i32
        %dma_wait3A_716 = arith.constant 0 : i32
        %dma_wait3A_717 = tpu.memref_slice %arg12[%dma_wait3A_715, %dma_wait3A_714, %dma_wait3A_716] : memref<32x8x128xf32, #tpu.memory_space<vmem>> -> memref<32x1x128xf32, #tpu.memory_space<vmem>>
        %dma_wait3A_718 = tpu.memref_squeeze %dma_wait3A_717 : memref<32x1x128xf32, #tpu.memory_space<vmem>> -> memref<32x128xf32, #tpu.memory_space<vmem>>
        %dma_wait3A_719 = arith.constant 0 : i32
        %dma_wait3A_720 = tpu.memref_slice %arg6[%add3A_117, %dma_wait3A_719] : memref<51200x1000xf32, #tpu.memory_space<hbm>> -> memref<32x128xf32, #tpu.memory_space<hbm>>
        %dma_wait3A_721 = arith.constant 0 : i32
        %dma_wait3A_722 = tpu.memref_slice %arg6[%add3A_117, %dma_wait3A_721] : memref<51200x1000xf32, #tpu.memory_space<hbm>> -> memref<32x128xf32, #tpu.memory_space<hbm>>
        %dma_wait3A_723 = arith.constant 0 : i32
        %dma_wait3A_724 = arith.constant 0 : i32
        %dma_wait3A_725 = tpu.memref_slice %arg12[%dma_wait3A_723, %dma_wait3A_714, %dma_wait3A_724] : memref<32x8x128xf32, #tpu.memory_space<vmem>> -> memref<32x1x128xf32, #tpu.memory_space<vmem>>
        %dma_wait3A_726 = tpu.memref_squeeze %dma_wait3A_725 : memref<32x1x128xf32, #tpu.memory_space<vmem>> -> memref<32x128xf32, #tpu.memory_space<vmem>>
        tpu.wait_dma2 semaphore(%arg16 : memref<!tpu.dma_semaphore, #tpu.memory_space<semaphore_mem>>) src(%dma_wait3A_726 : memref<32x128xf32, #tpu.memory_space<vmem>>) dst(%dma_wait3A_722 : memref<32x128xf32, #tpu.memory_space<hbm>>)
        %dma_wait3A_727 = arith.constant 1 : i32
        %dma_wait3A_728 = arith.constant 0 : i32
        %dma_wait3A_729 = arith.constant 0 : i32
        %dma_wait3A_730 = tpu.memref_slice %arg12[%dma_wait3A_728, %dma_wait3A_727, %dma_wait3A_729] : memref<32x8x128xf32, #tpu.memory_space<vmem>> -> memref<32x1x128xf32, #tpu.memory_space<vmem>>
        %dma_wait3A_731 = tpu.memref_squeeze %dma_wait3A_730 : memref<32x1x128xf32, #tpu.memory_space<vmem>> -> memref<32x128xf32, #tpu.memory_space<vmem>>
        %dma_wait3A_732 = arith.constant 128 : i32
        %dma_wait3A_733 = tpu.memref_slice %arg6[%add3A_117, %dma_wait3A_732] : memref<51200x1000xf32, #tpu.memory_space<hbm>> -> memref<32x128xf32, #tpu.memory_space<hbm>>
        %dma_wait3A_734 = arith.constant 128 : i32
        %dma_wait3A_735 = tpu.memref_slice %arg6[%add3A_117, %dma_wait3A_734] : memref<51200x1000xf32, #tpu.memory_space<hbm>> -> memref<32x128xf32, #tpu.memory_space<hbm>>
        %dma_wait3A_736 = arith.constant 0 : i32
        %dma_wait3A_737 = arith.constant 0 : i32
        %dma_wait3A_738 = tpu.memref_slice %arg12[%dma_wait3A_736, %dma_wait3A_727, %dma_wait3A_737] : memref<32x8x128xf32, #tpu.memory_space<vmem>> -> memref<32x1x128xf32, #tpu.memory_space<vmem>>
        %dma_wait3A_739 = tpu.memref_squeeze %dma_wait3A_738 : memref<32x1x128xf32, #tpu.memory_space<vmem>> -> memref<32x128xf32, #tpu.memory_space<vmem>>
        tpu.wait_dma2 semaphore(%arg16 : memref<!tpu.dma_semaphore, #tpu.memory_space<semaphore_mem>>) src(%dma_wait3A_739 : memref<32x128xf32, #tpu.memory_space<vmem>>) dst(%dma_wait3A_735 : memref<32x128xf32, #tpu.memory_space<hbm>>)
        %dma_wait3A_740 = arith.constant 2 : i32
        %dma_wait3A_741 = arith.constant 0 : i32
        %dma_wait3A_742 = arith.constant 0 : i32
        %dma_wait3A_743 = tpu.memref_slice %arg12[%dma_wait3A_741, %dma_wait3A_740, %dma_wait3A_742] : memref<32x8x128xf32, #tpu.memory_space<vmem>> -> memref<32x1x128xf32, #tpu.memory_space<vmem>>
        %dma_wait3A_744 = tpu.memref_squeeze %dma_wait3A_743 : memref<32x1x128xf32, #tpu.memory_space<vmem>> -> memref<32x128xf32, #tpu.memory_space<vmem>>
        %dma_wait3A_745 = arith.constant 256 : i32
        %dma_wait3A_746 = tpu.memref_slice %arg6[%add3A_117, %dma_wait3A_745] : memref<51200x1000xf32, #tpu.memory_space<hbm>> -> memref<32x128xf32, #tpu.memory_space<hbm>>
        %dma_wait3A_747 = arith.constant 256 : i32
        %dma_wait3A_748 = tpu.memref_slice %arg6[%add3A_117, %dma_wait3A_747] : memref<51200x1000xf32, #tpu.memory_space<hbm>> -> memref<32x128xf32, #tpu.memory_space<hbm>>
        %dma_wait3A_749 = arith.constant 0 : i32
        %dma_wait3A_750 = arith.constant 0 : i32
        %dma_wait3A_751 = tpu.memref_slice %arg12[%dma_wait3A_749, %dma_wait3A_740, %dma_wait3A_750] : memref<32x8x128xf32, #tpu.memory_space<vmem>> -> memref<32x1x128xf32, #tpu.memory_space<vmem>>
        %dma_wait3A_752 = tpu.memref_squeeze %dma_wait3A_751 : memref<32x1x128xf32, #tpu.memory_space<vmem>> -> memref<32x128xf32, #tpu.memory_space<vmem>>
        tpu.wait_dma2 semaphore(%arg16 : memref<!tpu.dma_semaphore, #tpu.memory_space<semaphore_mem>>) src(%dma_wait3A_752 : memref<32x128xf32, #tpu.memory_space<vmem>>) dst(%dma_wait3A_748 : memref<32x128xf32, #tpu.memory_space<hbm>>)
        %dma_wait3A_753 = arith.constant 3 : i32
        %dma_wait3A_754 = arith.constant 0 : i32
        %dma_wait3A_755 = arith.constant 0 : i32
        %dma_wait3A_756 = tpu.memref_slice %arg12[%dma_wait3A_754, %dma_wait3A_753, %dma_wait3A_755] : memref<32x8x128xf32, #tpu.memory_space<vmem>> -> memref<32x1x128xf32, #tpu.memory_space<vmem>>
        %dma_wait3A_757 = tpu.memref_squeeze %dma_wait3A_756 : memref<32x1x128xf32, #tpu.memory_space<vmem>> -> memref<32x128xf32, #tpu.memory_space<vmem>>
        %dma_wait3A_758 = arith.constant 384 : i32
        %dma_wait3A_759 = tpu.memref_slice %arg6[%add3A_117, %dma_wait3A_758] : memref<51200x1000xf32, #tpu.memory_space<hbm>> -> memref<32x128xf32, #tpu.memory_space<hbm>>
        %dma_wait3A_760 = arith.constant 384 : i32
        %dma_wait3A_761 = tpu.memref_slice %arg6[%add3A_117, %dma_wait3A_760] : memref<51200x1000xf32, #tpu.memory_space<hbm>> -> memref<32x128xf32, #tpu.memory_space<hbm>>
        %dma_wait3A_762 = arith.constant 0 : i32
        %dma_wait3A_763 = arith.constant 0 : i32
        %dma_wait3A_764 = tpu.memref_slice %arg12[%dma_wait3A_762, %dma_wait3A_753, %dma_wait3A_763] : memref<32x8x128xf32, #tpu.memory_space<vmem>> -> memref<32x1x128xf32, #tpu.memory_space<vmem>>
        %dma_wait3A_765 = tpu.memref_squeeze %dma_wait3A_764 : memref<32x1x128xf32, #tpu.memory_space<vmem>> -> memref<32x128xf32, #tpu.memory_space<vmem>>
        tpu.wait_dma2 semaphore(%arg16 : memref<!tpu.dma_semaphore, #tpu.memory_space<semaphore_mem>>) src(%dma_wait3A_765 : memref<32x128xf32, #tpu.memory_space<vmem>>) dst(%dma_wait3A_761 : memref<32x128xf32, #tpu.memory_space<hbm>>)
        %dma_wait3A_766 = arith.constant 4 : i32
        %dma_wait3A_767 = arith.constant 0 : i32
        %dma_wait3A_768 = arith.constant 0 : i32
        %dma_wait3A_769 = tpu.memref_slice %arg12[%dma_wait3A_767, %dma_wait3A_766, %dma_wait3A_768] : memref<32x8x128xf32, #tpu.memory_space<vmem>> -> memref<32x1x128xf32, #tpu.memory_space<vmem>>
        %dma_wait3A_770 = tpu.memref_squeeze %dma_wait3A_769 : memref<32x1x128xf32, #tpu.memory_space<vmem>> -> memref<32x128xf32, #tpu.memory_space<vmem>>
        %dma_wait3A_771 = arith.constant 512 : i32
        %dma_wait3A_772 = tpu.memref_slice %arg6[%add3A_117, %dma_wait3A_771] : memref<51200x1000xf32, #tpu.memory_space<hbm>> -> memref<32x128xf32, #tpu.memory_space<hbm>>
        %dma_wait3A_773 = arith.constant 512 : i32
        %dma_wait3A_774 = tpu.memref_slice %arg6[%add3A_117, %dma_wait3A_773] : memref<51200x1000xf32, #tpu.memory_space<hbm>> -> memref<32x128xf32, #tpu.memory_space<hbm>>
        %dma_wait3A_775 = arith.constant 0 : i32
        %dma_wait3A_776 = arith.constant 0 : i32
        %dma_wait3A_777 = tpu.memref_slice %arg12[%dma_wait3A_775, %dma_wait3A_766, %dma_wait3A_776] : memref<32x8x128xf32, #tpu.memory_space<vmem>> -> memref<32x1x128xf32, #tpu.memory_space<vmem>>
        %dma_wait3A_778 = tpu.memref_squeeze %dma_wait3A_777 : memref<32x1x128xf32, #tpu.memory_space<vmem>> -> memref<32x128xf32, #tpu.memory_space<vmem>>
        tpu.wait_dma2 semaphore(%arg16 : memref<!tpu.dma_semaphore, #tpu.memory_space<semaphore_mem>>) src(%dma_wait3A_778 : memref<32x128xf32, #tpu.memory_space<vmem>>) dst(%dma_wait3A_774 : memref<32x128xf32, #tpu.memory_space<hbm>>)
        %dma_wait3A_779 = arith.constant 5 : i32
        %dma_wait3A_780 = arith.constant 0 : i32
        %dma_wait3A_781 = arith.constant 0 : i32
        %dma_wait3A_782 = tpu.memref_slice %arg12[%dma_wait3A_780, %dma_wait3A_779, %dma_wait3A_781] : memref<32x8x128xf32, #tpu.memory_space<vmem>> -> memref<32x1x128xf32, #tpu.memory_space<vmem>>
        %dma_wait3A_783 = tpu.memref_squeeze %dma_wait3A_782 : memref<32x1x128xf32, #tpu.memory_space<vmem>> -> memref<32x128xf32, #tpu.memory_space<vmem>>
        %dma_wait3A_784 = arith.constant 640 : i32
        %dma_wait3A_785 = tpu.memref_slice %arg6[%add3A_117, %dma_wait3A_784] : memref<51200x1000xf32, #tpu.memory_space<hbm>> -> memref<32x128xf32, #tpu.memory_space<hbm>>
        %dma_wait3A_786 = arith.constant 640 : i32
        %dma_wait3A_787 = tpu.memref_slice %arg6[%add3A_117, %dma_wait3A_786] : memref<51200x1000xf32, #tpu.memory_space<hbm>> -> memref<32x128xf32, #tpu.memory_space<hbm>>
        %dma_wait3A_788 = arith.constant 0 : i32
        %dma_wait3A_789 = arith.constant 0 : i32
        %dma_wait3A_790 = tpu.memref_slice %arg12[%dma_wait3A_788, %dma_wait3A_779, %dma_wait3A_789] : memref<32x8x128xf32, #tpu.memory_space<vmem>> -> memref<32x1x128xf32, #tpu.memory_space<vmem>>
        %dma_wait3A_791 = tpu.memref_squeeze %dma_wait3A_790 : memref<32x1x128xf32, #tpu.memory_space<vmem>> -> memref<32x128xf32, #tpu.memory_space<vmem>>
        tpu.wait_dma2 semaphore(%arg16 : memref<!tpu.dma_semaphore, #tpu.memory_space<semaphore_mem>>) src(%dma_wait3A_791 : memref<32x128xf32, #tpu.memory_space<vmem>>) dst(%dma_wait3A_787 : memref<32x128xf32, #tpu.memory_space<hbm>>)
        %dma_wait3A_792 = arith.constant 6 : i32
        %dma_wait3A_793 = arith.constant 0 : i32
        %dma_wait3A_794 = arith.constant 0 : i32
        %dma_wait3A_795 = tpu.memref_slice %arg12[%dma_wait3A_793, %dma_wait3A_792, %dma_wait3A_794] : memref<32x8x128xf32, #tpu.memory_space<vmem>> -> memref<32x1x128xf32, #tpu.memory_space<vmem>>
        %dma_wait3A_796 = tpu.memref_squeeze %dma_wait3A_795 : memref<32x1x128xf32, #tpu.memory_space<vmem>> -> memref<32x128xf32, #tpu.memory_space<vmem>>
        %dma_wait3A_797 = arith.constant 768 : i32
        %dma_wait3A_798 = tpu.memref_slice %arg6[%add3A_117, %dma_wait3A_797] : memref<51200x1000xf32, #tpu.memory_space<hbm>> -> memref<32x128xf32, #tpu.memory_space<hbm>>
        %dma_wait3A_799 = arith.constant 768 : i32
        %dma_wait3A_800 = tpu.memref_slice %arg6[%add3A_117, %dma_wait3A_799] : memref<51200x1000xf32, #tpu.memory_space<hbm>> -> memref<32x128xf32, #tpu.memory_space<hbm>>
        %dma_wait3A_801 = arith.constant 0 : i32
        %dma_wait3A_802 = arith.constant 0 : i32
        %dma_wait3A_803 = tpu.memref_slice %arg12[%dma_wait3A_801, %dma_wait3A_792, %dma_wait3A_802] : memref<32x8x128xf32, #tpu.memory_space<vmem>> -> memref<32x1x128xf32, #tpu.memory_space<vmem>>
        %dma_wait3A_804 = tpu.memref_squeeze %dma_wait3A_803 : memref<32x1x128xf32, #tpu.memory_space<vmem>> -> memref<32x128xf32, #tpu.memory_space<vmem>>
        tpu.wait_dma2 semaphore(%arg16 : memref<!tpu.dma_semaphore, #tpu.memory_space<semaphore_mem>>) src(%dma_wait3A_804 : memref<32x128xf32, #tpu.memory_space<vmem>>) dst(%dma_wait3A_800 : memref<32x128xf32, #tpu.memory_space<hbm>>)
        %dma_wait3A_805 = arith.constant 896 : i32
        %dma_wait3A_806 = tpu.memref_slice %arg6[%add3A_117, %dma_wait3A_805] : memref<51200x1000xf32, #tpu.memory_space<hbm>> -> memref<32x104xf32, #tpu.memory_space<hbm>>
        %dma_wait3A_807 = arith.constant 896 : i32
        %dma_wait3A_808 = tpu.memref_slice %arg6[%add3A_117, %dma_wait3A_807] : memref<51200x1000xf32, #tpu.memory_space<hbm>> -> memref<32x104xf32, #tpu.memory_space<hbm>>
        tpu.wait_dma2 semaphore(%arg16 : memref<!tpu.dma_semaphore, #tpu.memory_space<semaphore_mem>>) src(%arg13 : memref<32x104xf32, #tpu.memory_space<vmem>>) dst(%dma_wait3A_808 : memref<32x104xf32, #tpu.memory_space<hbm>>)
      } else {
      }
      %add3A_126 = arith.constant 32 : i32
      %add3A_127 = arith.addi %mul3A_116, %add3A_126 : i32
      %dma_start3A_128 = tpu.memref_slice %arg8[%add3A_127] : memref<1600xi32, #tpu.memory_space<vmem>> -> memref<32xi32, #tpu.memory_space<vmem>>
      %dma_start3A_129 = arith.constant 0 : i32
      %dma_start3A_130 = arith.constant 0 : i32
      %dma_start3A_131 = arith.constant 0 : i32
      %dma_start3A_132 = tpu.memref_slice %arg2[%dma_start3A_129, %dma_start3A_130, %dma_start3A_131] : memref<1000x8x128xf32, #tpu.memory_space<hbm>> -> memref<1000x8x128xf32, #tpu.memory_space<hbm>>
      tpu.enqueue_indirect_dma source(%dma_start3A_132 : memref<1000x8x128xf32, #tpu.memory_space<hbm>>) target(%arg12 : memref<32x8x128xf32, #tpu.memory_space<vmem>>) offsets(%dma_start3A_128 : memref<32xi32, #tpu.memory_space<vmem>>) semaphore(%arg15 : memref<!tpu.dma_semaphore, #tpu.memory_space<semaphore_mem>>)
      %dma_start3A_133 = arith.constant 0 : i32
      %dma_start3A_134 = arith.constant 0 : i32
      %dma_start3A_135 = arith.constant 0 : i32
      %dma_start3A_136 = tpu.memref_slice %arg11[%dma_start3A_134, %dma_start3A_133, %dma_start3A_135] : memref<32x8x128xf32, #tpu.memory_space<vmem>> -> memref<32x1x128xf32, #tpu.memory_space<vmem>>
      %dma_start3A_137 = tpu.memref_squeeze %dma_start3A_136 : memref<32x1x128xf32, #tpu.memory_space<vmem>> -> memref<32x128xf32, #tpu.memory_space<vmem>>
      %dma_start3A_138 = arith.constant 0 : i32
      %dma_start3A_139 = tpu.memref_slice %arg6[%add3A_117, %dma_start3A_138] : memref<51200x1000xf32, #tpu.memory_space<hbm>> -> memref<32x128xf32, #tpu.memory_space<hbm>>
      %dma_start3A_140 = arith.constant 0 : i32
      %dma_start3A_141 = tpu.memref_slice %arg6[%add3A_117, %dma_start3A_140] : memref<51200x1000xf32, #tpu.memory_space<hbm>> -> memref<32x128xf32, #tpu.memory_space<hbm>>
      %dma_start3A_142 = arith.constant 0 : i32
      %dma_start3A_143 = arith.constant 0 : i32
      %dma_start3A_144 = tpu.memref_slice %arg11[%dma_start3A_142, %dma_start3A_133, %dma_start3A_143] : memref<32x8x128xf32, #tpu.memory_space<vmem>> -> memref<32x1x128xf32, #tpu.memory_space<vmem>>
      %dma_start3A_145 = tpu.memref_squeeze %dma_start3A_144 : memref<32x1x128xf32, #tpu.memory_space<vmem>> -> memref<32x128xf32, #tpu.memory_space<vmem>>
      tpu.enqueue_dma source(%dma_start3A_145 : memref<32x128xf32, #tpu.memory_space<vmem>>) target(%dma_start3A_141 : memref<32x128xf32, #tpu.memory_space<hbm>>) target_semaphore(%arg16 : memref<!tpu.dma_semaphore, #tpu.memory_space<semaphore_mem>>)
      %dma_start3A_146 = arith.constant 1 : i32
      %dma_start3A_147 = arith.constant 0 : i32
      %dma_start3A_148 = arith.constant 0 : i32
      %dma_start3A_149 = tpu.memref_slice %arg11[%dma_start3A_147, %dma_start3A_146, %dma_start3A_148] : memref<32x8x128xf32, #tpu.memory_space<vmem>> -> memref<32x1x128xf32, #tpu.memory_space<vmem>>
      %dma_start3A_150 = tpu.memref_squeeze %dma_start3A_149 : memref<32x1x128xf32, #tpu.memory_space<vmem>> -> memref<32x128xf32, #tpu.memory_space<vmem>>
      %dma_start3A_151 = arith.constant 128 : i32
      %dma_start3A_152 = tpu.memref_slice %arg6[%add3A_117, %dma_start3A_151] : memref<51200x1000xf32, #tpu.memory_space<hbm>> -> memref<32x128xf32, #tpu.memory_space<hbm>>
      %dma_start3A_153 = arith.constant 128 : i32
      %dma_start3A_154 = tpu.memref_slice %arg6[%add3A_117, %dma_start3A_153] : memref<51200x1000xf32, #tpu.memory_space<hbm>> -> memref<32x128xf32, #tpu.memory_space<hbm>>
      %dma_start3A_155 = arith.constant 0 : i32
      %dma_start3A_156 = arith.constant 0 : i32
      %dma_start3A_157 = tpu.memref_slice %arg11[%dma_start3A_155, %dma_start3A_146, %dma_start3A_156] : memref<32x8x128xf32, #tpu.memory_space<vmem>> -> memref<32x1x128xf32, #tpu.memory_space<vmem>>
      %dma_start3A_158 = tpu.memref_squeeze %dma_start3A_157 : memref<32x1x128xf32, #tpu.memory_space<vmem>> -> memref<32x128xf32, #tpu.memory_space<vmem>>
      tpu.enqueue_dma source(%dma_start3A_158 : memref<32x128xf32, #tpu.memory_space<vmem>>) target(%dma_start3A_154 : memref<32x128xf32, #tpu.memory_space<hbm>>) target_semaphore(%arg16 : memref<!tpu.dma_semaphore, #tpu.memory_space<semaphore_mem>>)
      %dma_start3A_159 = arith.constant 2 : i32
      %dma_start3A_160 = arith.constant 0 : i32
      %dma_start3A_161 = arith.constant 0 : i32
      %dma_start3A_162 = tpu.memref_slice %arg11[%dma_start3A_160, %dma_start3A_159, %dma_start3A_161] : memref<32x8x128xf32, #tpu.memory_space<vmem>> -> memref<32x1x128xf32, #tpu.memory_space<vmem>>
      %dma_start3A_163 = tpu.memref_squeeze %dma_start3A_162 : memref<32x1x128xf32, #tpu.memory_space<vmem>> -> memref<32x128xf32, #tpu.memory_space<vmem>>
      %dma_start3A_164 = arith.constant 256 : i32
      %dma_start3A_165 = tpu.memref_slice %arg6[%add3A_117, %dma_start3A_164] : memref<51200x1000xf32, #tpu.memory_space<hbm>> -> memref<32x128xf32, #tpu.memory_space<hbm>>
      %dma_start3A_166 = arith.constant 256 : i32
      %dma_start3A_167 = tpu.memref_slice %arg6[%add3A_117, %dma_start3A_166] : memref<51200x1000xf32, #tpu.memory_space<hbm>> -> memref<32x128xf32, #tpu.memory_space<hbm>>
      %dma_start3A_168 = arith.constant 0 : i32
      %dma_start3A_169 = arith.constant 0 : i32
      %dma_start3A_170 = tpu.memref_slice %arg11[%dma_start3A_168, %dma_start3A_159, %dma_start3A_169] : memref<32x8x128xf32, #tpu.memory_space<vmem>> -> memref<32x1x128xf32, #tpu.memory_space<vmem>>
      %dma_start3A_171 = tpu.memref_squeeze %dma_start3A_170 : memref<32x1x128xf32, #tpu.memory_space<vmem>> -> memref<32x128xf32, #tpu.memory_space<vmem>>
      tpu.enqueue_dma source(%dma_start3A_171 : memref<32x128xf32, #tpu.memory_space<vmem>>) target(%dma_start3A_167 : memref<32x128xf32, #tpu.memory_space<hbm>>) target_semaphore(%arg16 : memref<!tpu.dma_semaphore, #tpu.memory_space<semaphore_mem>>)
      %dma_start3A_172 = arith.constant 3 : i32
      %dma_start3A_173 = arith.constant 0 : i32
      %dma_start3A_174 = arith.constant 0 : i32
      %dma_start3A_175 = tpu.memref_slice %arg11[%dma_start3A_173, %dma_start3A_172, %dma_start3A_174] : memref<32x8x128xf32, #tpu.memory_space<vmem>> -> memref<32x1x128xf32, #tpu.memory_space<vmem>>
      %dma_start3A_176 = tpu.memref_squeeze %dma_start3A_175 : memref<32x1x128xf32, #tpu.memory_space<vmem>> -> memref<32x128xf32, #tpu.memory_space<vmem>>
      %dma_start3A_177 = arith.constant 384 : i32
      %dma_start3A_178 = tpu.memref_slice %arg6[%add3A_117, %dma_start3A_177] : memref<51200x1000xf32, #tpu.memory_space<hbm>> -> memref<32x128xf32, #tpu.memory_space<hbm>>
      %dma_start3A_179 = arith.constant 384 : i32
      %dma_start3A_180 = tpu.memref_slice %arg6[%add3A_117, %dma_start3A_179] : memref<51200x1000xf32, #tpu.memory_space<hbm>> -> memref<32x128xf32, #tpu.memory_space<hbm>>
      %dma_start3A_181 = arith.constant 0 : i32
      %dma_start3A_182 = arith.constant 0 : i32
      %dma_start3A_183 = tpu.memref_slice %arg11[%dma_start3A_181, %dma_start3A_172, %dma_start3A_182] : memref<32x8x128xf32, #tpu.memory_space<vmem>> -> memref<32x1x128xf32, #tpu.memory_space<vmem>>
      %dma_start3A_184 = tpu.memref_squeeze %dma_start3A_183 : memref<32x1x128xf32, #tpu.memory_space<vmem>> -> memref<32x128xf32, #tpu.memory_space<vmem>>
      tpu.enqueue_dma source(%dma_start3A_184 : memref<32x128xf32, #tpu.memory_space<vmem>>) target(%dma_start3A_180 : memref<32x128xf32, #tpu.memory_space<hbm>>) target_semaphore(%arg16 : memref<!tpu.dma_semaphore, #tpu.memory_space<semaphore_mem>>)
      %dma_start3A_185 = arith.constant 4 : i32
      %dma_start3A_186 = arith.constant 0 : i32
      %dma_start3A_187 = arith.constant 0 : i32
      %dma_start3A_188 = tpu.memref_slice %arg11[%dma_start3A_186, %dma_start3A_185, %dma_start3A_187] : memref<32x8x128xf32, #tpu.memory_space<vmem>> -> memref<32x1x128xf32, #tpu.memory_space<vmem>>
      %dma_start3A_189 = tpu.memref_squeeze %dma_start3A_188 : memref<32x1x128xf32, #tpu.memory_space<vmem>> -> memref<32x128xf32, #tpu.memory_space<vmem>>
      %dma_start3A_190 = arith.constant 512 : i32
      %dma_start3A_191 = tpu.memref_slice %arg6[%add3A_117, %dma_start3A_190] : memref<51200x1000xf32, #tpu.memory_space<hbm>> -> memref<32x128xf32, #tpu.memory_space<hbm>>
      %dma_start3A_192 = arith.constant 512 : i32
      %dma_start3A_193 = tpu.memref_slice %arg6[%add3A_117, %dma_start3A_192] : memref<51200x1000xf32, #tpu.memory_space<hbm>> -> memref<32x128xf32, #tpu.memory_space<hbm>>
      %dma_start3A_194 = arith.constant 0 : i32
      %dma_start3A_195 = arith.constant 0 : i32
      %dma_start3A_196 = tpu.memref_slice %arg11[%dma_start3A_194, %dma_start3A_185, %dma_start3A_195] : memref<32x8x128xf32, #tpu.memory_space<vmem>> -> memref<32x1x128xf32, #tpu.memory_space<vmem>>
      %dma_start3A_197 = tpu.memref_squeeze %dma_start3A_196 : memref<32x1x128xf32, #tpu.memory_space<vmem>> -> memref<32x128xf32, #tpu.memory_space<vmem>>
      tpu.enqueue_dma source(%dma_start3A_197 : memref<32x128xf32, #tpu.memory_space<vmem>>) target(%dma_start3A_193 : memref<32x128xf32, #tpu.memory_space<hbm>>) target_semaphore(%arg16 : memref<!tpu.dma_semaphore, #tpu.memory_space<semaphore_mem>>)
      %dma_start3A_198 = arith.constant 5 : i32
      %dma_start3A_199 = arith.constant 0 : i32
      %dma_start3A_200 = arith.constant 0 : i32
      %dma_start3A_201 = tpu.memref_slice %arg11[%dma_start3A_199, %dma_start3A_198, %dma_start3A_200] : memref<32x8x128xf32, #tpu.memory_space<vmem>> -> memref<32x1x128xf32, #tpu.memory_space<vmem>>
      %dma_start3A_202 = tpu.memref_squeeze %dma_start3A_201 : memref<32x1x128xf32, #tpu.memory_space<vmem>> -> memref<32x128xf32, #tpu.memory_space<vmem>>
      %dma_start3A_203 = arith.constant 640 : i32
      %dma_start3A_204 = tpu.memref_slice %arg6[%add3A_117, %dma_start3A_203] : memref<51200x1000xf32, #tpu.memory_space<hbm>> -> memref<32x128xf32, #tpu.memory_space<hbm>>
      %dma_start3A_205 = arith.constant 640 : i32
      %dma_start3A_206 = tpu.memref_slice %arg6[%add3A_117, %dma_start3A_205] : memref<51200x1000xf32, #tpu.memory_space<hbm>> -> memref<32x128xf32, #tpu.memory_space<hbm>>
      %dma_start3A_207 = arith.constant 0 : i32
      %dma_start3A_208 = arith.constant 0 : i32
      %dma_start3A_209 = tpu.memref_slice %arg11[%dma_start3A_207, %dma_start3A_198, %dma_start3A_208] : memref<32x8x128xf32, #tpu.memory_space<vmem>> -> memref<32x1x128xf32, #tpu.memory_space<vmem>>
      %dma_start3A_210 = tpu.memref_squeeze %dma_start3A_209 : memref<32x1x128xf32, #tpu.memory_space<vmem>> -> memref<32x128xf32, #tpu.memory_space<vmem>>
      tpu.enqueue_dma source(%dma_start3A_210 : memref<32x128xf32, #tpu.memory_space<vmem>>) target(%dma_start3A_206 : memref<32x128xf32, #tpu.memory_space<hbm>>) target_semaphore(%arg16 : memref<!tpu.dma_semaphore, #tpu.memory_space<semaphore_mem>>)
      %dma_start3A_211 = arith.constant 6 : i32
      %dma_start3A_212 = arith.constant 0 : i32
      %dma_start3A_213 = arith.constant 0 : i32
      %dma_start3A_214 = tpu.memref_slice %arg11[%dma_start3A_212, %dma_start3A_211, %dma_start3A_213] : memref<32x8x128xf32, #tpu.memory_space<vmem>> -> memref<32x1x128xf32, #tpu.memory_space<vmem>>
      %dma_start3A_215 = tpu.memref_squeeze %dma_start3A_214 : memref<32x1x128xf32, #tpu.memory_space<vmem>> -> memref<32x128xf32, #tpu.memory_space<vmem>>
      %dma_start3A_216 = arith.constant 768 : i32
      %dma_start3A_217 = tpu.memref_slice %arg6[%add3A_117, %dma_start3A_216] : memref<51200x1000xf32, #tpu.memory_space<hbm>> -> memref<32x128xf32, #tpu.memory_space<hbm>>
      %dma_start3A_218 = arith.constant 768 : i32
      %dma_start3A_219 = tpu.memref_slice %arg6[%add3A_117, %dma_start3A_218] : memref<51200x1000xf32, #tpu.memory_space<hbm>> -> memref<32x128xf32, #tpu.memory_space<hbm>>
      %dma_start3A_220 = arith.constant 0 : i32
      %dma_start3A_221 = arith.constant 0 : i32
      %dma_start3A_222 = tpu.memref_slice %arg11[%dma_start3A_220, %dma_start3A_211, %dma_start3A_221] : memref<32x8x128xf32, #tpu.memory_space<vmem>> -> memref<32x1x128xf32, #tpu.memory_space<vmem>>
      %dma_start3A_223 = tpu.memref_squeeze %dma_start3A_222 : memref<32x1x128xf32, #tpu.memory_space<vmem>> -> memref<32x128xf32, #tpu.memory_space<vmem>>
      tpu.enqueue_dma source(%dma_start3A_223 : memref<32x128xf32, #tpu.memory_space<vmem>>) target(%dma_start3A_219 : memref<32x128xf32, #tpu.memory_space<hbm>>) target_semaphore(%arg16 : memref<!tpu.dma_semaphore, #tpu.memory_space<semaphore_mem>>)
      %scan3A_224 = arith.constant 0 : i32
      %scan3A_225 = arith.constant 32 : i32
      %scan3A_226 = arith.addi %scan3A_224, %scan3A_225 : i32
      %scan3A_227 = arith.constant 1 : i32
      scf.for %scan3A_714 = %scan3A_224 to %scan3A_226 step %scan3A_227  : i32 {
        %mul3A_715 = arith.constant 1 : i32
        %mul3A_716 = arith.muli %scan3A_714, %mul3A_715 : i32
        %add3A_717 = arith.constant 0 : i32
        %add3A_718 = arith.addi %add3A_717, %mul3A_716 : i32
        %get3A_719 = arith.constant 7 : i32
        %get3A_720 = arith.index_cast %add3A_718 : i32 to index
        %get3A_721 = arith.index_cast %get3A_719 : i32 to index
        %get3A_722 = arith.constant 0 : index
        %get3A_723 = tpu.vector_load %arg11[%get3A_720, %get3A_721, %get3A_722] {strides = array<i32>} : memref<32x8x128xf32, #tpu.memory_space<vmem>>, vector<16xf32>,
        %swap3A_724 = arith.index_cast %add3A_718 : i32 to index
        %swap3A_725 = arith.constant 0 : index
        %swap3A_726 = tpu.vector_load %arg13[%swap3A_724, %swap3A_725] {strides = array<i32>} : memref<32x104xf32, #tpu.memory_space<vmem>>, vector<16xf32>,
        tpu.vector_store %arg13[%swap3A_724, %swap3A_725], %get3A_723 {strides = array<i32>} : memref<32x104xf32, #tpu.memory_space<vmem>>, vector<16xf32>,
        %get3A_727 = arith.constant 7 : i32
        %get3A_728 = arith.index_cast %add3A_718 : i32 to index
        %get3A_729 = arith.index_cast %get3A_727 : i32 to index
        %get3A_730 = arith.constant 16 : index
        %get3A_731 = tpu.vector_load %arg11[%get3A_728, %get3A_729, %get3A_730] {strides = array<i32>} : memref<32x8x128xf32, #tpu.memory_space<vmem>>, vector<16xf32>,
        %swap3A_732 = arith.index_cast %add3A_718 : i32 to index
        %swap3A_733 = arith.constant 16 : index
        %swap3A_734 = tpu.vector_load %arg13[%swap3A_732, %swap3A_733] {strides = array<i32>} : memref<32x104xf32, #tpu.memory_space<vmem>>, vector<16xf32>,
        tpu.vector_store %arg13[%swap3A_732, %swap3A_733], %get3A_731 {strides = array<i32>} : memref<32x104xf32, #tpu.memory_space<vmem>>, vector<16xf32>,
        %get3A_735 = arith.constant 7 : i32
        %get3A_736 = arith.index_cast %add3A_718 : i32 to index
        %get3A_737 = arith.index_cast %get3A_735 : i32 to index
        %get3A_738 = arith.constant 32 : index
        %get3A_739 = tpu.vector_load %arg11[%get3A_736, %get3A_737, %get3A_738] {strides = array<i32>} : memref<32x8x128xf32, #tpu.memory_space<vmem>>, vector<16xf32>,
        %swap3A_740 = arith.index_cast %add3A_718 : i32 to index
        %swap3A_741 = arith.constant 32 : index
        %swap3A_742 = tpu.vector_load %arg13[%swap3A_740, %swap3A_741] {strides = array<i32>} : memref<32x104xf32, #tpu.memory_space<vmem>>, vector<16xf32>,
        tpu.vector_store %arg13[%swap3A_740, %swap3A_741], %get3A_739 {strides = array<i32>} : memref<32x104xf32, #tpu.memory_space<vmem>>, vector<16xf32>,
        %get3A_743 = arith.constant 7 : i32
        %get3A_744 = arith.index_cast %add3A_718 : i32 to index
        %get3A_745 = arith.index_cast %get3A_743 : i32 to index
        %get3A_746 = arith.constant 48 : index
        %get3A_747 = tpu.vector_load %arg11[%get3A_744, %get3A_745, %get3A_746] {strides = array<i32>} : memref<32x8x128xf32, #tpu.memory_space<vmem>>, vector<16xf32>,
        %swap3A_748 = arith.index_cast %add3A_718 : i32 to index
        %swap3A_749 = arith.constant 48 : index
        %swap3A_750 = tpu.vector_load %arg13[%swap3A_748, %swap3A_749] {strides = array<i32>} : memref<32x104xf32, #tpu.memory_space<vmem>>, vector<16xf32>,
        tpu.vector_store %arg13[%swap3A_748, %swap3A_749], %get3A_747 {strides = array<i32>} : memref<32x104xf32, #tpu.memory_space<vmem>>, vector<16xf32>,
        %get3A_751 = arith.constant 7 : i32
        %get3A_752 = arith.index_cast %add3A_718 : i32 to index
        %get3A_753 = arith.index_cast %get3A_751 : i32 to index
        %get3A_754 = arith.constant 64 : index
        %get3A_755 = tpu.vector_load %arg11[%get3A_752, %get3A_753, %get3A_754] {strides = array<i32>} : memref<32x8x128xf32, #tpu.memory_space<vmem>>, vector<16xf32>,
        %swap3A_756 = arith.index_cast %add3A_718 : i32 to index
        %swap3A_757 = arith.constant 64 : index
        %swap3A_758 = tpu.vector_load %arg13[%swap3A_756, %swap3A_757] {strides = array<i32>} : memref<32x104xf32, #tpu.memory_space<vmem>>, vector<16xf32>,
        tpu.vector_store %arg13[%swap3A_756, %swap3A_757], %get3A_755 {strides = array<i32>} : memref<32x104xf32, #tpu.memory_space<vmem>>, vector<16xf32>,
        %get3A_759 = arith.constant 7 : i32
        %get3A_760 = arith.index_cast %add3A_718 : i32 to index
        %get3A_761 = arith.index_cast %get3A_759 : i32 to index
        %get3A_762 = arith.constant 80 : index
        %get3A_763 = tpu.vector_load %arg11[%get3A_760, %get3A_761, %get3A_762] {strides = array<i32>} : memref<32x8x128xf32, #tpu.memory_space<vmem>>, vector<16xf32>,
        %swap3A_764 = arith.index_cast %add3A_718 : i32 to index
        %swap3A_765 = arith.constant 80 : index
        %swap3A_766 = tpu.vector_load %arg13[%swap3A_764, %swap3A_765] {strides = array<i32>} : memref<32x104xf32, #tpu.memory_space<vmem>>, vector<16xf32>,
        tpu.vector_store %arg13[%swap3A_764, %swap3A_765], %get3A_763 {strides = array<i32>} : memref<32x104xf32, #tpu.memory_space<vmem>>, vector<16xf32>,
        %add3A_767 = arith.constant 96 : i32
        %add3A_768 = vector.broadcast %add3A_767 : i32 to vector<16xi32>
        %add3A_769 = arith.addi %add3A_768, %iota3A : vector<16xi32>
        %get3A_770 = arith.constant 7 : i32
        %get3A_771 = arith.index_cast %add3A_718 : i32 to index
        %get3A_772 = arith.index_cast %get3A_770 : i32 to index
        %get3A_773 = arith.constant 96 : index
        %get3A_774 = tpu.vector_load %arg11[%get3A_771, %get3A_772, %get3A_773] {strides = array<i32>} : memref<32x8x128xf32, #tpu.memory_space<vmem>>, vector<16xf32>,
        %broadcast_in_dim3A_775 = arith.constant 0 : i32
        %broadcast_in_dim3A_776 = vector.broadcast %broadcast_in_dim3A_775 : i32 to vector<16xi32>
        %add3A_777 = vector.broadcast %add3A_718 : i32 to vector<16xi32>
        %add3A_778 = arith.addi %broadcast_in_dim3A_776, %add3A_777 : vector<16xi32>
        %lt3A_779 = arith.constant 104 : i32
        %lt3A_780 = vector.broadcast %lt3A_779 : i32 to vector<16xi32>
        %lt3A_781 = arith.cmpi slt, %add3A_769, %lt3A_780 : vector<16xi32>
        tpu.vector_store_idx %arg13[%add3A_778, %add3A_769], %get3A_774 masked %lt3A_781 : memref<32x104xf32, #tpu.memory_space<vmem>>[vector<16xi32>, vector<16xi32>], vector<16xf32>, vector<16xi1>
      }
      %scan3A_228 = arith.constant 32 : i32
      %dma_start3A_229 = arith.constant 896 : i32
      %dma_start3A_230 = tpu.memref_slice %arg6[%add3A_117, %dma_start3A_229] : memref<51200x1000xf32, #tpu.memory_space<hbm>> -> memref<32x104xf32, #tpu.memory_space<hbm>>
      %dma_start3A_231 = arith.constant 896 : i32
      %dma_start3A_232 = tpu.memref_slice %arg6[%add3A_117, %dma_start3A_231] : memref<51200x1000xf32, #tpu.memory_space<hbm>> -> memref<32x104xf32, #tpu.memory_space<hbm>>
      tpu.enqueue_dma source(%arg13 : memref<32x104xf32, #tpu.memory_space<vmem>>) target(%dma_start3A_232 : memref<32x104xf32, #tpu.memory_space<hbm>>) target_semaphore(%arg16 : memref<!tpu.dma_semaphore, #tpu.memory_space<semaphore_mem>>)
      %add3A_233 = arith.constant 0 : i32
      %add3A_234 = arith.addi %mul3A_116, %add3A_233 : i32
      %get3A = arith.index_cast %add3A_234 : i32 to index
      %get3A_235 = tpu.vector_load %arg8[%get3A] {strides = array<i32>} : memref<1600xi32, #tpu.memory_space<vmem>>, vector<16xi32>,
      %get3A_236 = arith.index_cast %add3A_234 : i32 to index
      %get3A_237 = tpu.vector_load %arg9[%get3A_236] {strides = array<i32>} : memref<1600xi32, #tpu.memory_space<vmem>>, vector<16xi32>,
      %gather3A = tpu.vector_load_idx %arg10[%get3A_235] : memref<1000xf32, #tpu.memory_space<vmem>>[vector<16xi32>], vector<16xf32>,
      %add3A_238 = arith.constant 0 : i32
      %add3A_239 = vector.broadcast %add3A_238 : i32 to vector<16xi32>
      %add3A_240 = arith.addi %iota3A, %add3A_239 : vector<16xi32>
      %jit3A = arith.constant 128 : i32
      %div3A = vector.broadcast %jit3A : i32 to vector<16xi32>
      %div3A_241 = arith.divsi %get3A_237, %div3A : vector<16xi32>
      %sign3A = arith.constant 0 : i32
      %sign3A_242 = vector.broadcast %sign3A : i32 to vector<16xi32>
      %sign3A_243 = arith.cmpi sgt, %get3A_237, %sign3A_242 : vector<16xi32>
      %sign3A_244 = arith.extui %sign3A_243 : vector<16xi1> to vector<16xi32>
      %sign3A_245 = arith.constant 0 : i32
      %sign3A_246 = vector.broadcast %sign3A_245 : i32 to vector<16xi32>
      %sign3A_247 = arith.cmpi slt, %get3A_237, %sign3A_246 : vector<16xi32>
      %sign3A_248 = arith.extui %sign3A_247 : vector<16xi1> to vector<16xi32>
      %sign3A_249 = arith.subi %sign3A_244, %sign3A_248 : vector<16xi32>
      %sign3A_250 = arith.constant 0 : i32
      %sign3A_251 = arith.cmpi sgt, %jit3A, %sign3A_250 : i32
      %sign3A_252 = arith.extui %sign3A_251 : i1 to i32
      %sign3A_253 = arith.constant 0 : i32
      %sign3A_254 = arith.cmpi slt, %jit3A, %sign3A_253 : i32
      %sign3A_255 = arith.extui %sign3A_254 : i1 to i32
      %sign3A_256 = arith.subi %sign3A_252, %sign3A_255 : i32
      %ne3A = vector.broadcast %sign3A_256 : i32 to vector<16xi32>
      %ne3A_257 = arith.cmpi ne, %sign3A_249, %ne3A : vector<16xi32>
      %rem3A = vector.broadcast %jit3A : i32 to vector<16xi32>
      %rem3A_258 = arith.remsi %get3A_237, %rem3A : vector<16xi32>
      %ne3A_259 = arith.constant 0 : i32
      %ne3A_260 = vector.broadcast %ne3A_259 : i32 to vector<16xi32>
      %ne3A_261 = arith.cmpi ne, %rem3A_258, %ne3A_260 : vector<16xi32>
      %and3A = arith.andi %ne3A_257, %ne3A_261 : vector<16xi1>
      %sub3A = arith.constant 1 : i32
      %sub3A_262 = vector.broadcast %sub3A : i32 to vector<16xi32>
      %sub3A_263 = arith.subi %div3A_241, %sub3A_262 : vector<16xi32>
      %select_n3A = arith.select %and3A, %sub3A_263, %div3A_241 : vector<16xi1>, vector<16xi32>
      %jit3A_264 = arith.constant 128 : i32
      %eq3A = arith.constant 0 : i32
      %eq3A_265 = arith.cmpi eq, %jit3A_264, %eq3A : i32
      %jit3A_266 = arith.constant 1 : i32
      %select_n3A_267 = arith.select %eq3A_265, %jit3A_266, %jit3A_264 : i32
      %rem3A_268 = vector.broadcast %select_n3A_267 : i32 to vector<16xi32>
      %rem3A_269 = arith.remsi %get3A_237, %rem3A_268 : vector<16xi32>
      %ne3A_270 = arith.constant 0 : i32
      %ne3A_271 = vector.broadcast %ne3A_270 : i32 to vector<16xi32>
      %ne3A_272 = arith.cmpi ne, %rem3A_269, %ne3A_271 : vector<16xi32>
      %lt3A = arith.constant 0 : i32
      %lt3A_273 = vector.broadcast %lt3A : i32 to vector<16xi32>
      %lt3A_274 = arith.cmpi slt, %rem3A_269, %lt3A_273 : vector<16xi32>
      %lt3A_275 = arith.constant 0 : i32
      %lt3A_276 = arith.cmpi slt, %select_n3A_267, %lt3A_275 : i32
      %ne3A_277 = vector.broadcast %lt3A_276 : i1 to vector<16xi1>
      %ne3A_278 = vector.broadcast %ne3A_277 : vector<16xi1> to vector<16xi1>
      %ne3A_279 = arith.xori %lt3A_274, %ne3A_278 : vector<16xi1>
      %and3A_280 = arith.andi %ne3A_279, %ne3A_272 : vector<16xi1>
      %add3A_281 = vector.broadcast %select_n3A_267 : i32 to vector<16xi32>
      %add3A_282 = arith.addi %rem3A_269, %add3A_281 : vector<16xi32>
      %select_n3A_283 = arith.select %and3A_280, %add3A_282, %rem3A_269 : vector<16xi1>, vector<16xi32>
      %gather3A_284 = tpu.vector_load_idx %arg11[%add3A_240, %select_n3A, %select_n3A_283] : memref<32x8x128xf32, #tpu.memory_space<vmem>>[vector<16xi32>, vector<16xi32>, vector<16xi32>], vector<16xf32>,
      %get3A_285 = arith.constant 0 : index
      %get3A_286 = tpu.vector_load %arg14[%get3A_285] {strides = array<i32>} : memref<16xf32, #tpu.memory_space<vmem>>, vector<16xf32>,
      %sub3A_287 = arith.subf %gather3A, %gather3A_284 : vector<16xf32>
      %add3A_288 = arith.addf %get3A_286, %sub3A_287 : vector<16xf32>
      %swap3A_289 = arith.constant 0 : index
      %swap3A_290 = tpu.vector_load %arg14[%swap3A_289] {strides = array<i32>} : memref<16xf32, #tpu.memory_space<vmem>>, vector<16xf32>,
      tpu.vector_store %arg14[%swap3A_289], %add3A_288 {strides = array<i32>} : memref<16xf32, #tpu.memory_space<vmem>>, vector<16xf32>,
      %add3A_291 = arith.constant 16 : i32
      %add3A_292 = arith.addi %mul3A_116, %add3A_291 : i32
      %get3A_293 = arith.index_cast %add3A_292 : i32 to index
      %get3A_294 = tpu.vector_load %arg8[%get3A_293] {strides = array<i32>} : memref<1600xi32, #tpu.memory_space<vmem>>, vector<16xi32>,
      %get3A_295 = arith.index_cast %add3A_292 : i32 to index
      %get3A_296 = tpu.vector_load %arg9[%get3A_295] {strides = array<i32>} : memref<1600xi32, #tpu.memory_space<vmem>>, vector<16xi32>,
      %gather3A_297 = tpu.vector_load_idx %arg10[%get3A_294] : memref<1000xf32, #tpu.memory_space<vmem>>[vector<16xi32>], vector<16xf32>,
      %add3A_298 = arith.constant 16 : i32
      %add3A_299 = vector.broadcast %add3A_298 : i32 to vector<16xi32>
      %add3A_300 = arith.addi %iota3A, %add3A_299 : vector<16xi32>
      %jit3A_301 = arith.constant 128 : i32
      %div3A_302 = vector.broadcast %jit3A_301 : i32 to vector<16xi32>
      %div3A_303 = arith.divsi %get3A_296, %div3A_302 : vector<16xi32>
      %sign3A_304 = arith.constant 0 : i32
      %sign3A_305 = vector.broadcast %sign3A_304 : i32 to vector<16xi32>
      %sign3A_306 = arith.cmpi sgt, %get3A_296, %sign3A_305 : vector<16xi32>
      %sign3A_307 = arith.extui %sign3A_306 : vector<16xi1> to vector<16xi32>
      %sign3A_308 = arith.constant 0 : i32
      %sign3A_309 = vector.broadcast %sign3A_308 : i32 to vector<16xi32>
      %sign3A_310 = arith.cmpi slt, %get3A_296, %sign3A_309 : vector<16xi32>
      %sign3A_311 = arith.extui %sign3A_310 : vector<16xi1> to vector<16xi32>
      %sign3A_312 = arith.subi %sign3A_307, %sign3A_311 : vector<16xi32>
      %sign3A_313 = arith.constant 0 : i32
      %sign3A_314 = arith.cmpi sgt, %jit3A_301, %sign3A_313 : i32
      %sign3A_315 = arith.extui %sign3A_314 : i1 to i32
      %sign3A_316 = arith.constant 0 : i32
      %sign3A_317 = arith.cmpi slt, %jit3A_301, %sign3A_316 : i32
      %sign3A_318 = arith.extui %sign3A_317 : i1 to i32
      %sign3A_319 = arith.subi %sign3A_315, %sign3A_318 : i32
      %ne3A_320 = vector.broadcast %sign3A_319 : i32 to vector<16xi32>
      %ne3A_321 = arith.cmpi ne, %sign3A_312, %ne3A_320 : vector<16xi32>
      %rem3A_322 = vector.broadcast %jit3A_301 : i32 to vector<16xi32>
      %rem3A_323 = arith.remsi %get3A_296, %rem3A_322 : vector<16xi32>
      %ne3A_324 = arith.constant 0 : i32
      %ne3A_325 = vector.broadcast %ne3A_324 : i32 to vector<16xi32>
      %ne3A_326 = arith.cmpi ne, %rem3A_323, %ne3A_325 : vector<16xi32>
      %and3A_327 = arith.andi %ne3A_321, %ne3A_326 : vector<16xi1>
      %sub3A_328 = arith.constant 1 : i32
      %sub3A_329 = vector.broadcast %sub3A_328 : i32 to vector<16xi32>
      %sub3A_330 = arith.subi %div3A_303, %sub3A_329 : vector<16xi32>
      %select_n3A_331 = arith.select %and3A_327, %sub3A_330, %div3A_303 : vector<16xi1>, vector<16xi32>
      %jit3A_332 = arith.constant 128 : i32
      %eq3A_333 = arith.constant 0 : i32
      %eq3A_334 = arith.cmpi eq, %jit3A_332, %eq3A_333 : i32
      %jit3A_335 = arith.constant 1 : i32
      %select_n3A_336 = arith.select %eq3A_334, %jit3A_335, %jit3A_332 : i32
      %rem3A_337 = vector.broadcast %select_n3A_336 : i32 to vector<16xi32>
      %rem3A_338 = arith.remsi %get3A_296, %rem3A_337 : vector<16xi32>
      %ne3A_339 = arith.constant 0 : i32
      %ne3A_340 = vector.broadcast %ne3A_339 : i32 to vector<16xi32>
      %ne3A_341 = arith.cmpi ne, %rem3A_338, %ne3A_340 : vector<16xi32>
      %lt3A_342 = arith.constant 0 : i32
      %lt3A_343 = vector.broadcast %lt3A_342 : i32 to vector<16xi32>
      %lt3A_344 = arith.cmpi slt, %rem3A_338, %lt3A_343 : vector<16xi32>
      %lt3A_345 = arith.constant 0 : i32
      %lt3A_346 = arith.cmpi slt, %select_n3A_336, %lt3A_345 : i32
      %ne3A_347 = vector.broadcast %lt3A_346 : i1 to vector<16xi1>
      %ne3A_348 = vector.broadcast %ne3A_347 : vector<16xi1> to vector<16xi1>
      %ne3A_349 = arith.xori %lt3A_344, %ne3A_348 : vector<16xi1>
      %and3A_350 = arith.andi %ne3A_349, %ne3A_341 : vector<16xi1>
      %add3A_351 = vector.broadcast %select_n3A_336 : i32 to vector<16xi32>
      %add3A_352 = arith.addi %rem3A_338, %add3A_351 : vector<16xi32>
      %select_n3A_353 = arith.select %and3A_350, %add3A_352, %rem3A_338 : vector<16xi1>, vector<16xi32>
      %gather3A_354 = tpu.vector_load_idx %arg11[%add3A_300, %select_n3A_331, %select_n3A_353] : memref<32x8x128xf32, #tpu.memory_space<vmem>>[vector<16xi32>, vector<16xi32>, vector<16xi32>], vector<16xf32>,
      %get3A_355 = arith.constant 0 : index
      %get3A_356 = tpu.vector_load %arg14[%get3A_355] {strides = array<i32>} : memref<16xf32, #tpu.memory_space<vmem>>, vector<16xf32>,
      %sub3A_357 = arith.subf %gather3A_297, %gather3A_354 : vector<16xf32>
      %add3A_358 = arith.addf %get3A_356, %sub3A_357 : vector<16xf32>
      %swap3A_359 = arith.constant 0 : index
      %swap3A_360 = tpu.vector_load %arg14[%swap3A_359] {strides = array<i32>} : memref<16xf32, #tpu.memory_space<vmem>>, vector<16xf32>,
      tpu.vector_store %arg14[%swap3A_359], %add3A_358 {strides = array<i32>} : memref<16xf32, #tpu.memory_space<vmem>>, vector<16xf32>,
      %add3A_361 = arith.constant 1 : i32
      %add3A_362 = arith.addi %add3A_112, %add3A_361 : i32
      %mul3A_363 = arith.constant 32 : i32
      %mul3A_364 = arith.muli %add3A_362, %mul3A_363 : i32
      %add3A_365 = arith.addi %mul3A_2, %mul3A_364 : i32
      %dma_wait3A_366 = arith.constant 0 : i32
      %dma_wait3A_367 = tpu.memref_slice %arg8[%dma_wait3A_366] : memref<1600xi32, #tpu.memory_space<vmem>> -> memref<32xi32, #tpu.memory_space<vmem>>
      %dma_wait3A_368 = arith.constant 0 : i32
      %dma_wait3A_369 = arith.constant 0 : i32
      %dma_wait3A_370 = arith.constant 0 : i32
      %dma_wait3A_371 = tpu.memref_slice %arg2[%dma_wait3A_368, %dma_wait3A_369, %dma_wait3A_370] : memref<1000x8x128xf32, #tpu.memory_space<hbm>> -> memref<1000x8x128xf32, #tpu.memory_space<hbm>>
      tpu.wait_indirect_dma semaphore(%arg15 : memref<!tpu.dma_semaphore, #tpu.memory_space<semaphore_mem>>) src(%dma_wait3A_371 : memref<1000x8x128xf32, #tpu.memory_space<hbm>>) dst(%arg12 : memref<32x8x128xf32, #tpu.memory_space<vmem>>)
      %dma_wait3A_372 = arith.constant 0 : i32
      %dma_wait3A_373 = arith.constant 0 : i32
      %dma_wait3A_374 = arith.constant 0 : i32
      %dma_wait3A_375 = tpu.memref_slice %arg11[%dma_wait3A_373, %dma_wait3A_372, %dma_wait3A_374] : memref<32x8x128xf32, #tpu.memory_space<vmem>> -> memref<32x1x128xf32, #tpu.memory_space<vmem>>
      %dma_wait3A_376 = tpu.memref_squeeze %dma_wait3A_375 : memref<32x1x128xf32, #tpu.memory_space<vmem>> -> memref<32x128xf32, #tpu.memory_space<vmem>>
      %dma_wait3A_377 = arith.constant 0 : i32
      %dma_wait3A_378 = tpu.memref_slice %arg6[%add3A_365, %dma_wait3A_377] : memref<51200x1000xf32, #tpu.memory_space<hbm>> -> memref<32x128xf32, #tpu.memory_space<hbm>>
      %dma_wait3A_379 = arith.constant 0 : i32
      %dma_wait3A_380 = tpu.memref_slice %arg6[%add3A_365, %dma_wait3A_379] : memref<51200x1000xf32, #tpu.memory_space<hbm>> -> memref<32x128xf32, #tpu.memory_space<hbm>>
      %dma_wait3A_381 = arith.constant 0 : i32
      %dma_wait3A_382 = arith.constant 0 : i32
      %dma_wait3A_383 = tpu.memref_slice %arg11[%dma_wait3A_381, %dma_wait3A_372, %dma_wait3A_382] : memref<32x8x128xf32, #tpu.memory_space<vmem>> -> memref<32x1x128xf32, #tpu.memory_space<vmem>>
      %dma_wait3A_384 = tpu.memref_squeeze %dma_wait3A_383 : memref<32x1x128xf32, #tpu.memory_space<vmem>> -> memref<32x128xf32, #tpu.memory_space<vmem>>
      tpu.wait_dma2 semaphore(%arg16 : memref<!tpu.dma_semaphore, #tpu.memory_space<semaphore_mem>>) src(%dma_wait3A_384 : memref<32x128xf32, #tpu.memory_space<vmem>>) dst(%dma_wait3A_380 : memref<32x128xf32, #tpu.memory_space<hbm>>)
      %dma_wait3A_385 = arith.constant 1 : i32
      %dma_wait3A_386 = arith.constant 0 : i32
      %dma_wait3A_387 = arith.constant 0 : i32
      %dma_wait3A_388 = tpu.memref_slice %arg11[%dma_wait3A_386, %dma_wait3A_385, %dma_wait3A_387] : memref<32x8x128xf32, #tpu.memory_space<vmem>> -> memref<32x1x128xf32, #tpu.memory_space<vmem>>
      %dma_wait3A_389 = tpu.memref_squeeze %dma_wait3A_388 : memref<32x1x128xf32, #tpu.memory_space<vmem>> -> memref<32x128xf32, #tpu.memory_space<vmem>>
      %dma_wait3A_390 = arith.constant 128 : i32
      %dma_wait3A_391 = tpu.memref_slice %arg6[%add3A_365, %dma_wait3A_390] : memref<51200x1000xf32, #tpu.memory_space<hbm>> -> memref<32x128xf32, #tpu.memory_space<hbm>>
      %dma_wait3A_392 = arith.constant 128 : i32
      %dma_wait3A_393 = tpu.memref_slice %arg6[%add3A_365, %dma_wait3A_392] : memref<51200x1000xf32, #tpu.memory_space<hbm>> -> memref<32x128xf32, #tpu.memory_space<hbm>>
      %dma_wait3A_394 = arith.constant 0 : i32
      %dma_wait3A_395 = arith.constant 0 : i32
      %dma_wait3A_396 = tpu.memref_slice %arg11[%dma_wait3A_394, %dma_wait3A_385, %dma_wait3A_395] : memref<32x8x128xf32, #tpu.memory_space<vmem>> -> memref<32x1x128xf32, #tpu.memory_space<vmem>>
      %dma_wait3A_397 = tpu.memref_squeeze %dma_wait3A_396 : memref<32x1x128xf32, #tpu.memory_space<vmem>> -> memref<32x128xf32, #tpu.memory_space<vmem>>
      tpu.wait_dma2 semaphore(%arg16 : memref<!tpu.dma_semaphore, #tpu.memory_space<semaphore_mem>>) src(%dma_wait3A_397 : memref<32x128xf32, #tpu.memory_space<vmem>>) dst(%dma_wait3A_393 : memref<32x128xf32, #tpu.memory_space<hbm>>)
      %dma_wait3A_398 = arith.constant 2 : i32
      %dma_wait3A_399 = arith.constant 0 : i32
      %dma_wait3A_400 = arith.constant 0 : i32
      %dma_wait3A_401 = tpu.memref_slice %arg11[%dma_wait3A_399, %dma_wait3A_398, %dma_wait3A_400] : memref<32x8x128xf32, #tpu.memory_space<vmem>> -> memref<32x1x128xf32, #tpu.memory_space<vmem>>
      %dma_wait3A_402 = tpu.memref_squeeze %dma_wait3A_401 : memref<32x1x128xf32, #tpu.memory_space<vmem>> -> memref<32x128xf32, #tpu.memory_space<vmem>>
      %dma_wait3A_403 = arith.constant 256 : i32
      %dma_wait3A_404 = tpu.memref_slice %arg6[%add3A_365, %dma_wait3A_403] : memref<51200x1000xf32, #tpu.memory_space<hbm>> -> memref<32x128xf32, #tpu.memory_space<hbm>>
      %dma_wait3A_405 = arith.constant 256 : i32
      %dma_wait3A_406 = tpu.memref_slice %arg6[%add3A_365, %dma_wait3A_405] : memref<51200x1000xf32, #tpu.memory_space<hbm>> -> memref<32x128xf32, #tpu.memory_space<hbm>>
      %dma_wait3A_407 = arith.constant 0 : i32
      %dma_wait3A_408 = arith.constant 0 : i32
      %dma_wait3A_409 = tpu.memref_slice %arg11[%dma_wait3A_407, %dma_wait3A_398, %dma_wait3A_408] : memref<32x8x128xf32, #tpu.memory_space<vmem>> -> memref<32x1x128xf32, #tpu.memory_space<vmem>>
      %dma_wait3A_410 = tpu.memref_squeeze %dma_wait3A_409 : memref<32x1x128xf32, #tpu.memory_space<vmem>> -> memref<32x128xf32, #tpu.memory_space<vmem>>
      tpu.wait_dma2 semaphore(%arg16 : memref<!tpu.dma_semaphore, #tpu.memory_space<semaphore_mem>>) src(%dma_wait3A_410 : memref<32x128xf32, #tpu.memory_space<vmem>>) dst(%dma_wait3A_406 : memref<32x128xf32, #tpu.memory_space<hbm>>)
      %dma_wait3A_411 = arith.constant 3 : i32
      %dma_wait3A_412 = arith.constant 0 : i32
      %dma_wait3A_413 = arith.constant 0 : i32
      %dma_wait3A_414 = tpu.memref_slice %arg11[%dma_wait3A_412, %dma_wait3A_411, %dma_wait3A_413] : memref<32x8x128xf32, #tpu.memory_space<vmem>> -> memref<32x1x128xf32, #tpu.memory_space<vmem>>
      %dma_wait3A_415 = tpu.memref_squeeze %dma_wait3A_414 : memref<32x1x128xf32, #tpu.memory_space<vmem>> -> memref<32x128xf32, #tpu.memory_space<vmem>>
      %dma_wait3A_416 = arith.constant 384 : i32
      %dma_wait3A_417 = tpu.memref_slice %arg6[%add3A_365, %dma_wait3A_416] : memref<51200x1000xf32, #tpu.memory_space<hbm>> -> memref<32x128xf32, #tpu.memory_space<hbm>>
      %dma_wait3A_418 = arith.constant 384 : i32
      %dma_wait3A_419 = tpu.memref_slice %arg6[%add3A_365, %dma_wait3A_418] : memref<51200x1000xf32, #tpu.memory_space<hbm>> -> memref<32x128xf32, #tpu.memory_space<hbm>>
      %dma_wait3A_420 = arith.constant 0 : i32
      %dma_wait3A_421 = arith.constant 0 : i32
      %dma_wait3A_422 = tpu.memref_slice %arg11[%dma_wait3A_420, %dma_wait3A_411, %dma_wait3A_421] : memref<32x8x128xf32, #tpu.memory_space<vmem>> -> memref<32x1x128xf32, #tpu.memory_space<vmem>>
      %dma_wait3A_423 = tpu.memref_squeeze %dma_wait3A_422 : memref<32x1x128xf32, #tpu.memory_space<vmem>> -> memref<32x128xf32, #tpu.memory_space<vmem>>
      tpu.wait_dma2 semaphore(%arg16 : memref<!tpu.dma_semaphore, #tpu.memory_space<semaphore_mem>>) src(%dma_wait3A_423 : memref<32x128xf32, #tpu.memory_space<vmem>>) dst(%dma_wait3A_419 : memref<32x128xf32, #tpu.memory_space<hbm>>)
      %dma_wait3A_424 = arith.constant 4 : i32
      %dma_wait3A_425 = arith.constant 0 : i32
      %dma_wait3A_426 = arith.constant 0 : i32
      %dma_wait3A_427 = tpu.memref_slice %arg11[%dma_wait3A_425, %dma_wait3A_424, %dma_wait3A_426] : memref<32x8x128xf32, #tpu.memory_space<vmem>> -> memref<32x1x128xf32, #tpu.memory_space<vmem>>
      %dma_wait3A_428 = tpu.memref_squeeze %dma_wait3A_427 : memref<32x1x128xf32, #tpu.memory_space<vmem>> -> memref<32x128xf32, #tpu.memory_space<vmem>>
      %dma_wait3A_429 = arith.constant 512 : i32
      %dma_wait3A_430 = tpu.memref_slice %arg6[%add3A_365, %dma_wait3A_429] : memref<51200x1000xf32, #tpu.memory_space<hbm>> -> memref<32x128xf32, #tpu.memory_space<hbm>>
      %dma_wait3A_431 = arith.constant 512 : i32
      %dma_wait3A_432 = tpu.memref_slice %arg6[%add3A_365, %dma_wait3A_431] : memref<51200x1000xf32, #tpu.memory_space<hbm>> -> memref<32x128xf32, #tpu.memory_space<hbm>>
      %dma_wait3A_433 = arith.constant 0 : i32
      %dma_wait3A_434 = arith.constant 0 : i32
      %dma_wait3A_435 = tpu.memref_slice %arg11[%dma_wait3A_433, %dma_wait3A_424, %dma_wait3A_434] : memref<32x8x128xf32, #tpu.memory_space<vmem>> -> memref<32x1x128xf32, #tpu.memory_space<vmem>>
      %dma_wait3A_436 = tpu.memref_squeeze %dma_wait3A_435 : memref<32x1x128xf32, #tpu.memory_space<vmem>> -> memref<32x128xf32, #tpu.memory_space<vmem>>
      tpu.wait_dma2 semaphore(%arg16 : memref<!tpu.dma_semaphore, #tpu.memory_space<semaphore_mem>>) src(%dma_wait3A_436 : memref<32x128xf32, #tpu.memory_space<vmem>>) dst(%dma_wait3A_432 : memref<32x128xf32, #tpu.memory_space<hbm>>)
      %dma_wait3A_437 = arith.constant 5 : i32
      %dma_wait3A_438 = arith.constant 0 : i32
      %dma_wait3A_439 = arith.constant 0 : i32
      %dma_wait3A_440 = tpu.memref_slice %arg11[%dma_wait3A_438, %dma_wait3A_437, %dma_wait3A_439] : memref<32x8x128xf32, #tpu.memory_space<vmem>> -> memref<32x1x128xf32, #tpu.memory_space<vmem>>
      %dma_wait3A_441 = tpu.memref_squeeze %dma_wait3A_440 : memref<32x1x128xf32, #tpu.memory_space<vmem>> -> memref<32x128xf32, #tpu.memory_space<vmem>>
      %dma_wait3A_442 = arith.constant 640 : i32
      %dma_wait3A_443 = tpu.memref_slice %arg6[%add3A_365, %dma_wait3A_442] : memref<51200x1000xf32, #tpu.memory_space<hbm>> -> memref<32x128xf32, #tpu.memory_space<hbm>>
      %dma_wait3A_444 = arith.constant 640 : i32
      %dma_wait3A_445 = tpu.memref_slice %arg6[%add3A_365, %dma_wait3A_444] : memref<51200x1000xf32, #tpu.memory_space<hbm>> -> memref<32x128xf32, #tpu.memory_space<hbm>>
      %dma_wait3A_446 = arith.constant 0 : i32
      %dma_wait3A_447 = arith.constant 0 : i32
      %dma_wait3A_448 = tpu.memref_slice %arg11[%dma_wait3A_446, %dma_wait3A_437, %dma_wait3A_447] : memref<32x8x128xf32, #tpu.memory_space<vmem>> -> memref<32x1x128xf32, #tpu.memory_space<vmem>>
      %dma_wait3A_449 = tpu.memref_squeeze %dma_wait3A_448 : memref<32x1x128xf32, #tpu.memory_space<vmem>> -> memref<32x128xf32, #tpu.memory_space<vmem>>
      tpu.wait_dma2 semaphore(%arg16 : memref<!tpu.dma_semaphore, #tpu.memory_space<semaphore_mem>>) src(%dma_wait3A_449 : memref<32x128xf32, #tpu.memory_space<vmem>>) dst(%dma_wait3A_445 : memref<32x128xf32, #tpu.memory_space<hbm>>)
      %dma_wait3A_450 = arith.constant 6 : i32
      %dma_wait3A_451 = arith.constant 0 : i32
      %dma_wait3A_452 = arith.constant 0 : i32
      %dma_wait3A_453 = tpu.memref_slice %arg11[%dma_wait3A_451, %dma_wait3A_450, %dma_wait3A_452] : memref<32x8x128xf32, #tpu.memory_space<vmem>> -> memref<32x1x128xf32, #tpu.memory_space<vmem>>
      %dma_wait3A_454 = tpu.memref_squeeze %dma_wait3A_453 : memref<32x1x128xf32, #tpu.memory_space<vmem>> -> memref<32x128xf32, #tpu.memory_space<vmem>>
      %dma_wait3A_455 = arith.constant 768 : i32
      %dma_wait3A_456 = tpu.memref_slice %arg6[%add3A_365, %dma_wait3A_455] : memref<51200x1000xf32, #tpu.memory_space<hbm>> -> memref<32x128xf32, #tpu.memory_space<hbm>>
      %dma_wait3A_457 = arith.constant 768 : i32
      %dma_wait3A_458 = tpu.memref_slice %arg6[%add3A_365, %dma_wait3A_457] : memref<51200x1000xf32, #tpu.memory_space<hbm>> -> memref<32x128xf32, #tpu.memory_space<hbm>>
      %dma_wait3A_459 = arith.constant 0 : i32
      %dma_wait3A_460 = arith.constant 0 : i32
      %dma_wait3A_461 = tpu.memref_slice %arg11[%dma_wait3A_459, %dma_wait3A_450, %dma_wait3A_460] : memref<32x8x128xf32, #tpu.memory_space<vmem>> -> memref<32x1x128xf32, #tpu.memory_space<vmem>>
      %dma_wait3A_462 = tpu.memref_squeeze %dma_wait3A_461 : memref<32x1x128xf32, #tpu.memory_space<vmem>> -> memref<32x128xf32, #tpu.memory_space<vmem>>
      tpu.wait_dma2 semaphore(%arg16 : memref<!tpu.dma_semaphore, #tpu.memory_space<semaphore_mem>>) src(%dma_wait3A_462 : memref<32x128xf32, #tpu.memory_space<vmem>>) dst(%dma_wait3A_458 : memref<32x128xf32, #tpu.memory_space<hbm>>)
      %dma_wait3A_463 = arith.constant 896 : i32
      %dma_wait3A_464 = tpu.memref_slice %arg6[%add3A_365, %dma_wait3A_463] : memref<51200x1000xf32, #tpu.memory_space<hbm>> -> memref<32x104xf32, #tpu.memory_space<hbm>>
      %dma_wait3A_465 = arith.constant 896 : i32
      %dma_wait3A_466 = tpu.memref_slice %arg6[%add3A_365, %dma_wait3A_465] : memref<51200x1000xf32, #tpu.memory_space<hbm>> -> memref<32x104xf32, #tpu.memory_space<hbm>>
      tpu.wait_dma2 semaphore(%arg16 : memref<!tpu.dma_semaphore, #tpu.memory_space<semaphore_mem>>) src(%arg13 : memref<32x104xf32, #tpu.memory_space<vmem>>) dst(%dma_wait3A_466 : memref<32x104xf32, #tpu.memory_space<hbm>>)
      %add3A_467 = arith.constant 2 : i32
      %add3A_468 = arith.addi %add3A_112, %add3A_467 : i32
      %lt3A_469 = arith.constant 50 : i32
      %lt3A_470 = arith.cmpi slt, %add3A_468, %lt3A_469 : i32
      %convert_element_type3A_471 = arith.extui %lt3A_470 : i1 to i32
      %cond3A_472 = arith.constant 0 : i32
      %cond3A_473 = arith.cmpi ne, %convert_element_type3A_471, %cond3A_472 : i32
      scf.if %cond3A_473 {
        %add3A_714 = arith.constant 32 : i32
        %add3A_715 = arith.addi %mul3A_364, %add3A_714 : i32
        %dma_start3A_716 = tpu.memref_slice %arg8[%add3A_715] : memref<1600xi32, #tpu.memory_space<vmem>> -> memref<32xi32, #tpu.memory_space<vmem>>
        %dma_start3A_717 = arith.constant 0 : i32
        %dma_start3A_718 = arith.constant 0 : i32
        %dma_start3A_719 = arith.constant 0 : i32
        %dma_start3A_720 = tpu.memref_slice %arg2[%dma_start3A_717, %dma_start3A_718, %dma_start3A_719] : memref<1000x8x128xf32, #tpu.memory_space<hbm>> -> memref<1000x8x128xf32, #tpu.memory_space<hbm>>
        tpu.enqueue_indirect_dma source(%dma_start3A_720 : memref<1000x8x128xf32, #tpu.memory_space<hbm>>) target(%arg11 : memref<32x8x128xf32, #tpu.memory_space<vmem>>) offsets(%dma_start3A_716 : memref<32xi32, #tpu.memory_space<vmem>>) semaphore(%arg15 : memref<!tpu.dma_semaphore, #tpu.memory_space<semaphore_mem>>)
      } else {
      }
      %dma_start3A_474 = arith.constant 0 : i32
      %dma_start3A_475 = arith.constant 0 : i32
      %dma_start3A_476 = arith.constant 0 : i32
      %dma_start3A_477 = tpu.memref_slice %arg12[%dma_start3A_475, %dma_start3A_474, %dma_start3A_476] : memref<32x8x128xf32, #tpu.memory_space<vmem>> -> memref<32x1x128xf32, #tpu.memory_space<vmem>>
      %dma_start3A_478 = tpu.memref_squeeze %dma_start3A_477 : memref<32x1x128xf32, #tpu.memory_space<vmem>> -> memref<32x128xf32, #tpu.memory_space<vmem>>
      %dma_start3A_479 = arith.constant 0 : i32
      %dma_start3A_480 = tpu.memref_slice %arg6[%add3A_365, %dma_start3A_479] : memref<51200x1000xf32, #tpu.memory_space<hbm>> -> memref<32x128xf32, #tpu.memory_space<hbm>>
      %dma_start3A_481 = arith.constant 0 : i32
      %dma_start3A_482 = tpu.memref_slice %arg6[%add3A_365, %dma_start3A_481] : memref<51200x1000xf32, #tpu.memory_space<hbm>> -> memref<32x128xf32, #tpu.memory_space<hbm>>
      %dma_start3A_483 = arith.constant 0 : i32
      %dma_start3A_484 = arith.constant 0 : i32
      %dma_start3A_485 = tpu.memref_slice %arg12[%dma_start3A_483, %dma_start3A_474, %dma_start3A_484] : memref<32x8x128xf32, #tpu.memory_space<vmem>> -> memref<32x1x128xf32, #tpu.memory_space<vmem>>
      %dma_start3A_486 = tpu.memref_squeeze %dma_start3A_485 : memref<32x1x128xf32, #tpu.memory_space<vmem>> -> memref<32x128xf32, #tpu.memory_space<vmem>>
      tpu.enqueue_dma source(%dma_start3A_486 : memref<32x128xf32, #tpu.memory_space<vmem>>) target(%dma_start3A_482 : memref<32x128xf32, #tpu.memory_space<hbm>>) target_semaphore(%arg16 : memref<!tpu.dma_semaphore, #tpu.memory_space<semaphore_mem>>)
      %dma_start3A_487 = arith.constant 1 : i32
      %dma_start3A_488 = arith.constant 0 : i32
      %dma_start3A_489 = arith.constant 0 : i32
      %dma_start3A_490 = tpu.memref_slice %arg12[%dma_start3A_488, %dma_start3A_487, %dma_start3A_489] : memref<32x8x128xf32, #tpu.memory_space<vmem>> -> memref<32x1x128xf32, #tpu.memory_space<vmem>>
      %dma_start3A_491 = tpu.memref_squeeze %dma_start3A_490 : memref<32x1x128xf32, #tpu.memory_space<vmem>> -> memref<32x128xf32, #tpu.memory_space<vmem>>
      %dma_start3A_492 = arith.constant 128 : i32
      %dma_start3A_493 = tpu.memref_slice %arg6[%add3A_365, %dma_start3A_492] : memref<51200x1000xf32, #tpu.memory_space<hbm>> -> memref<32x128xf32, #tpu.memory_space<hbm>>
      %dma_start3A_494 = arith.constant 128 : i32
      %dma_start3A_495 = tpu.memref_slice %arg6[%add3A_365, %dma_start3A_494] : memref<51200x1000xf32, #tpu.memory_space<hbm>> -> memref<32x128xf32, #tpu.memory_space<hbm>>
      %dma_start3A_496 = arith.constant 0 : i32
      %dma_start3A_497 = arith.constant 0 : i32
      %dma_start3A_498 = tpu.memref_slice %arg12[%dma_start3A_496, %dma_start3A_487, %dma_start3A_497] : memref<32x8x128xf32, #tpu.memory_space<vmem>> -> memref<32x1x128xf32, #tpu.memory_space<vmem>>
      %dma_start3A_499 = tpu.memref_squeeze %dma_start3A_498 : memref<32x1x128xf32, #tpu.memory_space<vmem>> -> memref<32x128xf32, #tpu.memory_space<vmem>>
      tpu.enqueue_dma source(%dma_start3A_499 : memref<32x128xf32, #tpu.memory_space<vmem>>) target(%dma_start3A_495 : memref<32x128xf32, #tpu.memory_space<hbm>>) target_semaphore(%arg16 : memref<!tpu.dma_semaphore, #tpu.memory_space<semaphore_mem>>)
      %dma_start3A_500 = arith.constant 2 : i32
      %dma_start3A_501 = arith.constant 0 : i32
      %dma_start3A_502 = arith.constant 0 : i32
      %dma_start3A_503 = tpu.memref_slice %arg12[%dma_start3A_501, %dma_start3A_500, %dma_start3A_502] : memref<32x8x128xf32, #tpu.memory_space<vmem>> -> memref<32x1x128xf32, #tpu.memory_space<vmem>>
      %dma_start3A_504 = tpu.memref_squeeze %dma_start3A_503 : memref<32x1x128xf32, #tpu.memory_space<vmem>> -> memref<32x128xf32, #tpu.memory_space<vmem>>
      %dma_start3A_505 = arith.constant 256 : i32
      %dma_start3A_506 = tpu.memref_slice %arg6[%add3A_365, %dma_start3A_505] : memref<51200x1000xf32, #tpu.memory_space<hbm>> -> memref<32x128xf32, #tpu.memory_space<hbm>>
      %dma_start3A_507 = arith.constant 256 : i32
      %dma_start3A_508 = tpu.memref_slice %arg6[%add3A_365, %dma_start3A_507] : memref<51200x1000xf32, #tpu.memory_space<hbm>> -> memref<32x128xf32, #tpu.memory_space<hbm>>
      %dma_start3A_509 = arith.constant 0 : i32
      %dma_start3A_510 = arith.constant 0 : i32
      %dma_start3A_511 = tpu.memref_slice %arg12[%dma_start3A_509, %dma_start3A_500, %dma_start3A_510] : memref<32x8x128xf32, #tpu.memory_space<vmem>> -> memref<32x1x128xf32, #tpu.memory_space<vmem>>
      %dma_start3A_512 = tpu.memref_squeeze %dma_start3A_511 : memref<32x1x128xf32, #tpu.memory_space<vmem>> -> memref<32x128xf32, #tpu.memory_space<vmem>>
      tpu.enqueue_dma source(%dma_start3A_512 : memref<32x128xf32, #tpu.memory_space<vmem>>) target(%dma_start3A_508 : memref<32x128xf32, #tpu.memory_space<hbm>>) target_semaphore(%arg16 : memref<!tpu.dma_semaphore, #tpu.memory_space<semaphore_mem>>)
      %dma_start3A_513 = arith.constant 3 : i32
      %dma_start3A_514 = arith.constant 0 : i32
      %dma_start3A_515 = arith.constant 0 : i32
      %dma_start3A_516 = tpu.memref_slice %arg12[%dma_start3A_514, %dma_start3A_513, %dma_start3A_515] : memref<32x8x128xf32, #tpu.memory_space<vmem>> -> memref<32x1x128xf32, #tpu.memory_space<vmem>>
      %dma_start3A_517 = tpu.memref_squeeze %dma_start3A_516 : memref<32x1x128xf32, #tpu.memory_space<vmem>> -> memref<32x128xf32, #tpu.memory_space<vmem>>
      %dma_start3A_518 = arith.constant 384 : i32
      %dma_start3A_519 = tpu.memref_slice %arg6[%add3A_365, %dma_start3A_518] : memref<51200x1000xf32, #tpu.memory_space<hbm>> -> memref<32x128xf32, #tpu.memory_space<hbm>>
      %dma_start3A_520 = arith.constant 384 : i32
      %dma_start3A_521 = tpu.memref_slice %arg6[%add3A_365, %dma_start3A_520] : memref<51200x1000xf32, #tpu.memory_space<hbm>> -> memref<32x128xf32, #tpu.memory_space<hbm>>
      %dma_start3A_522 = arith.constant 0 : i32
      %dma_start3A_523 = arith.constant 0 : i32
      %dma_start3A_524 = tpu.memref_slice %arg12[%dma_start3A_522, %dma_start3A_513, %dma_start3A_523] : memref<32x8x128xf32, #tpu.memory_space<vmem>> -> memref<32x1x128xf32, #tpu.memory_space<vmem>>
      %dma_start3A_525 = tpu.memref_squeeze %dma_start3A_524 : memref<32x1x128xf32, #tpu.memory_space<vmem>> -> memref<32x128xf32, #tpu.memory_space<vmem>>
      tpu.enqueue_dma source(%dma_start3A_525 : memref<32x128xf32, #tpu.memory_space<vmem>>) target(%dma_start3A_521 : memref<32x128xf32, #tpu.memory_space<hbm>>) target_semaphore(%arg16 : memref<!tpu.dma_semaphore, #tpu.memory_space<semaphore_mem>>)
      %dma_start3A_526 = arith.constant 4 : i32
      %dma_start3A_527 = arith.constant 0 : i32
      %dma_start3A_528 = arith.constant 0 : i32
      %dma_start3A_529 = tpu.memref_slice %arg12[%dma_start3A_527, %dma_start3A_526, %dma_start3A_528] : memref<32x8x128xf32, #tpu.memory_space<vmem>> -> memref<32x1x128xf32, #tpu.memory_space<vmem>>
      %dma_start3A_530 = tpu.memref_squeeze %dma_start3A_529 : memref<32x1x128xf32, #tpu.memory_space<vmem>> -> memref<32x128xf32, #tpu.memory_space<vmem>>
      %dma_start3A_531 = arith.constant 512 : i32
      %dma_start3A_532 = tpu.memref_slice %arg6[%add3A_365, %dma_start3A_531] : memref<51200x1000xf32, #tpu.memory_space<hbm>> -> memref<32x128xf32, #tpu.memory_space<hbm>>
      %dma_start3A_533 = arith.constant 512 : i32
      %dma_start3A_534 = tpu.memref_slice %arg6[%add3A_365, %dma_start3A_533] : memref<51200x1000xf32, #tpu.memory_space<hbm>> -> memref<32x128xf32, #tpu.memory_space<hbm>>
      %dma_start3A_535 = arith.constant 0 : i32
      %dma_start3A_536 = arith.constant 0 : i32
      %dma_start3A_537 = tpu.memref_slice %arg12[%dma_start3A_535, %dma_start3A_526, %dma_start3A_536] : memref<32x8x128xf32, #tpu.memory_space<vmem>> -> memref<32x1x128xf32, #tpu.memory_space<vmem>>
      %dma_start3A_538 = tpu.memref_squeeze %dma_start3A_537 : memref<32x1x128xf32, #tpu.memory_space<vmem>> -> memref<32x128xf32, #tpu.memory_space<vmem>>
      tpu.enqueue_dma source(%dma_start3A_538 : memref<32x128xf32, #tpu.memory_space<vmem>>) target(%dma_start3A_534 : memref<32x128xf32, #tpu.memory_space<hbm>>) target_semaphore(%arg16 : memref<!tpu.dma_semaphore, #tpu.memory_space<semaphore_mem>>)
      %dma_start3A_539 = arith.constant 5 : i32
      %dma_start3A_540 = arith.constant 0 : i32
      %dma_start3A_541 = arith.constant 0 : i32
      %dma_start3A_542 = tpu.memref_slice %arg12[%dma_start3A_540, %dma_start3A_539, %dma_start3A_541] : memref<32x8x128xf32, #tpu.memory_space<vmem>> -> memref<32x1x128xf32, #tpu.memory_space<vmem>>
      %dma_start3A_543 = tpu.memref_squeeze %dma_start3A_542 : memref<32x1x128xf32, #tpu.memory_space<vmem>> -> memref<32x128xf32, #tpu.memory_space<vmem>>
      %dma_start3A_544 = arith.constant 640 : i32
      %dma_start3A_545 = tpu.memref_slice %arg6[%add3A_365, %dma_start3A_544] : memref<51200x1000xf32, #tpu.memory_space<hbm>> -> memref<32x128xf32, #tpu.memory_space<hbm>>
      %dma_start3A_546 = arith.constant 640 : i32
      %dma_start3A_547 = tpu.memref_slice %arg6[%add3A_365, %dma_start3A_546] : memref<51200x1000xf32, #tpu.memory_space<hbm>> -> memref<32x128xf32, #tpu.memory_space<hbm>>
      %dma_start3A_548 = arith.constant 0 : i32
      %dma_start3A_549 = arith.constant 0 : i32
      %dma_start3A_550 = tpu.memref_slice %arg12[%dma_start3A_548, %dma_start3A_539, %dma_start3A_549] : memref<32x8x128xf32, #tpu.memory_space<vmem>> -> memref<32x1x128xf32, #tpu.memory_space<vmem>>
      %dma_start3A_551 = tpu.memref_squeeze %dma_start3A_550 : memref<32x1x128xf32, #tpu.memory_space<vmem>> -> memref<32x128xf32, #tpu.memory_space<vmem>>
      tpu.enqueue_dma source(%dma_start3A_551 : memref<32x128xf32, #tpu.memory_space<vmem>>) target(%dma_start3A_547 : memref<32x128xf32, #tpu.memory_space<hbm>>) target_semaphore(%arg16 : memref<!tpu.dma_semaphore, #tpu.memory_space<semaphore_mem>>)
      %dma_start3A_552 = arith.constant 6 : i32
      %dma_start3A_553 = arith.constant 0 : i32
      %dma_start3A_554 = arith.constant 0 : i32
      %dma_start3A_555 = tpu.memref_slice %arg12[%dma_start3A_553, %dma_start3A_552, %dma_start3A_554] : memref<32x8x128xf32, #tpu.memory_space<vmem>> -> memref<32x1x128xf32, #tpu.memory_space<vmem>>
      %dma_start3A_556 = tpu.memref_squeeze %dma_start3A_555 : memref<32x1x128xf32, #tpu.memory_space<vmem>> -> memref<32x128xf32, #tpu.memory_space<vmem>>
      %dma_start3A_557 = arith.constant 768 : i32
      %dma_start3A_558 = tpu.memref_slice %arg6[%add3A_365, %dma_start3A_557] : memref<51200x1000xf32, #tpu.memory_space<hbm>> -> memref<32x128xf32, #tpu.memory_space<hbm>>
      %dma_start3A_559 = arith.constant 768 : i32
      %dma_start3A_560 = tpu.memref_slice %arg6[%add3A_365, %dma_start3A_559] : memref<51200x1000xf32, #tpu.memory_space<hbm>> -> memref<32x128xf32, #tpu.memory_space<hbm>>
      %dma_start3A_561 = arith.constant 0 : i32
      %dma_start3A_562 = arith.constant 0 : i32
      %dma_start3A_563 = tpu.memref_slice %arg12[%dma_start3A_561, %dma_start3A_552, %dma_start3A_562] : memref<32x8x128xf32, #tpu.memory_space<vmem>> -> memref<32x1x128xf32, #tpu.memory_space<vmem>>
      %dma_start3A_564 = tpu.memref_squeeze %dma_start3A_563 : memref<32x1x128xf32, #tpu.memory_space<vmem>> -> memref<32x128xf32, #tpu.memory_space<vmem>>
      tpu.enqueue_dma source(%dma_start3A_564 : memref<32x128xf32, #tpu.memory_space<vmem>>) target(%dma_start3A_560 : memref<32x128xf32, #tpu.memory_space<hbm>>) target_semaphore(%arg16 : memref<!tpu.dma_semaphore, #tpu.memory_space<semaphore_mem>>)
      %scan3A_565 = arith.constant 0 : i32
      %scan3A_566 = arith.constant 32 : i32
      %scan3A_567 = arith.addi %scan3A_565, %scan3A_566 : i32
      %scan3A_568 = arith.constant 1 : i32
      scf.for %scan3A_714 = %scan3A_565 to %scan3A_567 step %scan3A_568  : i32 {
        %mul3A_715 = arith.constant 1 : i32
        %mul3A_716 = arith.muli %scan3A_714, %mul3A_715 : i32
        %add3A_717 = arith.constant 0 : i32
        %add3A_718 = arith.addi %add3A_717, %mul3A_716 : i32
        %get3A_719 = arith.constant 7 : i32
        %get3A_720 = arith.index_cast %add3A_718 : i32 to index
        %get3A_721 = arith.index_cast %get3A_719 : i32 to index
        %get3A_722 = arith.constant 0 : index
        %get3A_723 = tpu.vector_load %arg12[%get3A_720, %get3A_721, %get3A_722] {strides = array<i32>} : memref<32x8x128xf32, #tpu.memory_space<vmem>>, vector<16xf32>,
        %swap3A_724 = arith.index_cast %add3A_718 : i32 to index
        %swap3A_725 = arith.constant 0 : index
        %swap3A_726 = tpu.vector_load %arg13[%swap3A_724, %swap3A_725] {strides = array<i32>} : memref<32x104xf32, #tpu.memory_space<vmem>>, vector<16xf32>,
        tpu.vector_store %arg13[%swap3A_724, %swap3A_725], %get3A_723 {strides = array<i32>} : memref<32x104xf32, #tpu.memory_space<vmem>>, vector<16xf32>,
        %get3A_727 = arith.constant 7 : i32
        %get3A_728 = arith.index_cast %add3A_718 : i32 to index
        %get3A_729 = arith.index_cast %get3A_727 : i32 to index
        %get3A_730 = arith.constant 16 : index
        %get3A_731 = tpu.vector_load %arg12[%get3A_728, %get3A_729, %get3A_730] {strides = array<i32>} : memref<32x8x128xf32, #tpu.memory_space<vmem>>, vector<16xf32>,
        %swap3A_732 = arith.index_cast %add3A_718 : i32 to index
        %swap3A_733 = arith.constant 16 : index
        %swap3A_734 = tpu.vector_load %arg13[%swap3A_732, %swap3A_733] {strides = array<i32>} : memref<32x104xf32, #tpu.memory_space<vmem>>, vector<16xf32>,
        tpu.vector_store %arg13[%swap3A_732, %swap3A_733], %get3A_731 {strides = array<i32>} : memref<32x104xf32, #tpu.memory_space<vmem>>, vector<16xf32>,
        %get3A_735 = arith.constant 7 : i32
        %get3A_736 = arith.index_cast %add3A_718 : i32 to index
        %get3A_737 = arith.index_cast %get3A_735 : i32 to index
        %get3A_738 = arith.constant 32 : index
        %get3A_739 = tpu.vector_load %arg12[%get3A_736, %get3A_737, %get3A_738] {strides = array<i32>} : memref<32x8x128xf32, #tpu.memory_space<vmem>>, vector<16xf32>,
        %swap3A_740 = arith.index_cast %add3A_718 : i32 to index
        %swap3A_741 = arith.constant 32 : index
        %swap3A_742 = tpu.vector_load %arg13[%swap3A_740, %swap3A_741] {strides = array<i32>} : memref<32x104xf32, #tpu.memory_space<vmem>>, vector<16xf32>,
        tpu.vector_store %arg13[%swap3A_740, %swap3A_741], %get3A_739 {strides = array<i32>} : memref<32x104xf32, #tpu.memory_space<vmem>>, vector<16xf32>,
        %get3A_743 = arith.constant 7 : i32
        %get3A_744 = arith.index_cast %add3A_718 : i32 to index
        %get3A_745 = arith.index_cast %get3A_743 : i32 to index
        %get3A_746 = arith.constant 48 : index
        %get3A_747 = tpu.vector_load %arg12[%get3A_744, %get3A_745, %get3A_746] {strides = array<i32>} : memref<32x8x128xf32, #tpu.memory_space<vmem>>, vector<16xf32>,
        %swap3A_748 = arith.index_cast %add3A_718 : i32 to index
        %swap3A_749 = arith.constant 48 : index
        %swap3A_750 = tpu.vector_load %arg13[%swap3A_748, %swap3A_749] {strides = array<i32>} : memref<32x104xf32, #tpu.memory_space<vmem>>, vector<16xf32>,
        tpu.vector_store %arg13[%swap3A_748, %swap3A_749], %get3A_747 {strides = array<i32>} : memref<32x104xf32, #tpu.memory_space<vmem>>, vector<16xf32>,
        %get3A_751 = arith.constant 7 : i32
        %get3A_752 = arith.index_cast %add3A_718 : i32 to index
        %get3A_753 = arith.index_cast %get3A_751 : i32 to index
        %get3A_754 = arith.constant 64 : index
        %get3A_755 = tpu.vector_load %arg12[%get3A_752, %get3A_753, %get3A_754] {strides = array<i32>} : memref<32x8x128xf32, #tpu.memory_space<vmem>>, vector<16xf32>,
        %swap3A_756 = arith.index_cast %add3A_718 : i32 to index
        %swap3A_757 = arith.constant 64 : index
        %swap3A_758 = tpu.vector_load %arg13[%swap3A_756, %swap3A_757] {strides = array<i32>} : memref<32x104xf32, #tpu.memory_space<vmem>>, vector<16xf32>,
        tpu.vector_store %arg13[%swap3A_756, %swap3A_757], %get3A_755 {strides = array<i32>} : memref<32x104xf32, #tpu.memory_space<vmem>>, vector<16xf32>,
        %get3A_759 = arith.constant 7 : i32
        %get3A_760 = arith.index_cast %add3A_718 : i32 to index
        %get3A_761 = arith.index_cast %get3A_759 : i32 to index
        %get3A_762 = arith.constant 80 : index
        %get3A_763 = tpu.vector_load %arg12[%get3A_760, %get3A_761, %get3A_762] {strides = array<i32>} : memref<32x8x128xf32, #tpu.memory_space<vmem>>, vector<16xf32>,
        %swap3A_764 = arith.index_cast %add3A_718 : i32 to index
        %swap3A_765 = arith.constant 80 : index
        %swap3A_766 = tpu.vector_load %arg13[%swap3A_764, %swap3A_765] {strides = array<i32>} : memref<32x104xf32, #tpu.memory_space<vmem>>, vector<16xf32>,
        tpu.vector_store %arg13[%swap3A_764, %swap3A_765], %get3A_763 {strides = array<i32>} : memref<32x104xf32, #tpu.memory_space<vmem>>, vector<16xf32>,
        %add3A_767 = arith.constant 96 : i32
        %add3A_768 = vector.broadcast %add3A_767 : i32 to vector<16xi32>
        %add3A_769 = arith.addi %add3A_768, %iota3A : vector<16xi32>
        %get3A_770 = arith.constant 7 : i32
        %get3A_771 = arith.index_cast %add3A_718 : i32 to index
        %get3A_772 = arith.index_cast %get3A_770 : i32 to index
        %get3A_773 = arith.constant 96 : index
        %get3A_774 = tpu.vector_load %arg12[%get3A_771, %get3A_772, %get3A_773] {strides = array<i32>} : memref<32x8x128xf32, #tpu.memory_space<vmem>>, vector<16xf32>,
        %broadcast_in_dim3A_775 = arith.constant 0 : i32
        %broadcast_in_dim3A_776 = vector.broadcast %broadcast_in_dim3A_775 : i32 to vector<16xi32>
        %add3A_777 = vector.broadcast %add3A_718 : i32 to vector<16xi32>
        %add3A_778 = arith.addi %broadcast_in_dim3A_776, %add3A_777 : vector<16xi32>
        %lt3A_779 = arith.constant 104 : i32
        %lt3A_780 = vector.broadcast %lt3A_779 : i32 to vector<16xi32>
        %lt3A_781 = arith.cmpi slt, %add3A_769, %lt3A_780 : vector<16xi32>
        tpu.vector_store_idx %arg13[%add3A_778, %add3A_769], %get3A_774 masked %lt3A_781 : memref<32x104xf32, #tpu.memory_space<vmem>>[vector<16xi32>, vector<16xi32>], vector<16xf32>, vector<16xi1>
      }
      %scan3A_569 = arith.constant 32 : i32
      %dma_start3A_570 = arith.constant 896 : i32
      %dma_start3A_571 = tpu.memref_slice %arg6[%add3A_365, %dma_start3A_570] : memref<51200x1000xf32, #tpu.memory_space<hbm>> -> memref<32x104xf32, #tpu.memory_space<hbm>>
      %dma_start3A_572 = arith.constant 896 : i32
      %dma_start3A_573 = tpu.memref_slice %arg6[%add3A_365, %dma_start3A_572] : memref<51200x1000xf32, #tpu.memory_space<hbm>> -> memref<32x104xf32, #tpu.memory_space<hbm>>
      tpu.enqueue_dma source(%arg13 : memref<32x104xf32, #tpu.memory_space<vmem>>) target(%dma_start3A_573 : memref<32x104xf32, #tpu.memory_space<hbm>>) target_semaphore(%arg16 : memref<!tpu.dma_semaphore, #tpu.memory_space<semaphore_mem>>)
      %add3A_574 = arith.constant 0 : i32
      %add3A_575 = arith.addi %mul3A_364, %add3A_574 : i32
      %get3A_576 = arith.index_cast %add3A_575 : i32 to index
      %get3A_577 = tpu.vector_load %arg8[%get3A_576] {strides = array<i32>} : memref<1600xi32, #tpu.memory_space<vmem>>, vector<16xi32>,
      %get3A_578 = arith.index_cast %add3A_575 : i32 to index
      %get3A_579 = tpu.vector_load %arg9[%get3A_578] {strides = array<i32>} : memref<1600xi32, #tpu.memory_space<vmem>>, vector<16xi32>,
      %gather3A_580 = tpu.vector_load_idx %arg10[%get3A_577] : memref<1000xf32, #tpu.memory_space<vmem>>[vector<16xi32>], vector<16xf32>,
      %add3A_581 = arith.constant 0 : i32
      %add3A_582 = vector.broadcast %add3A_581 : i32 to vector<16xi32>
      %add3A_583 = arith.addi %iota3A, %add3A_582 : vector<16xi32>
      %jit3A_584 = arith.constant 128 : i32
      %div3A_585 = vector.broadcast %jit3A_584 : i32 to vector<16xi32>
      %div3A_586 = arith.divsi %get3A_579, %div3A_585 : vector<16xi32>
      %sign3A_587 = arith.constant 0 : i32
      %sign3A_588 = vector.broadcast %sign3A_587 : i32 to vector<16xi32>
      %sign3A_589 = arith.cmpi sgt, %get3A_579, %sign3A_588 : vector<16xi32>
      %sign3A_590 = arith.extui %sign3A_589 : vector<16xi1> to vector<16xi32>
      %sign3A_591 = arith.constant 0 : i32
      %sign3A_592 = vector.broadcast %sign3A_591 : i32 to vector<16xi32>
      %sign3A_593 = arith.cmpi slt, %get3A_579, %sign3A_592 : vector<16xi32>
      %sign3A_594 = arith.extui %sign3A_593 : vector<16xi1> to vector<16xi32>
      %sign3A_595 = arith.subi %sign3A_590, %sign3A_594 : vector<16xi32>
      %sign3A_596 = arith.constant 0 : i32
      %sign3A_597 = arith.cmpi sgt, %jit3A_584, %sign3A_596 : i32
      %sign3A_598 = arith.extui %sign3A_597 : i1 to i32
      %sign3A_599 = arith.constant 0 : i32
      %sign3A_600 = arith.cmpi slt, %jit3A_584, %sign3A_599 : i32
      %sign3A_601 = arith.extui %sign3A_600 : i1 to i32
      %sign3A_602 = arith.subi %sign3A_598, %sign3A_601 : i32
      %ne3A_603 = vector.broadcast %sign3A_602 : i32 to vector<16xi32>
      %ne3A_604 = arith.cmpi ne, %sign3A_595, %ne3A_603 : vector<16xi32>
      %rem3A_605 = vector.broadcast %jit3A_584 : i32 to vector<16xi32>
      %rem3A_606 = arith.remsi %get3A_579, %rem3A_605 : vector<16xi32>
      %ne3A_607 = arith.constant 0 : i32
      %ne3A_608 = vector.broadcast %ne3A_607 : i32 to vector<16xi32>
      %ne3A_609 = arith.cmpi ne, %rem3A_606, %ne3A_608 : vector<16xi32>
      %and3A_610 = arith.andi %ne3A_604, %ne3A_609 : vector<16xi1>
      %sub3A_611 = arith.constant 1 : i32
      %sub3A_612 = vector.broadcast %sub3A_611 : i32 to vector<16xi32>
      %sub3A_613 = arith.subi %div3A_586, %sub3A_612 : vector<16xi32>
      %select_n3A_614 = arith.select %and3A_610, %sub3A_613, %div3A_586 : vector<16xi1>, vector<16xi32>
      %jit3A_615 = arith.constant 128 : i32
      %eq3A_616 = arith.constant 0 : i32
      %eq3A_617 = arith.cmpi eq, %jit3A_615, %eq3A_616 : i32
      %jit3A_618 = arith.constant 1 : i32
      %select_n3A_619 = arith.select %eq3A_617, %jit3A_618, %jit3A_615 : i32
      %rem3A_620 = vector.broadcast %select_n3A_619 : i32 to vector<16xi32>
      %rem3A_621 = arith.remsi %get3A_579, %rem3A_620 : vector<16xi32>
      %ne3A_622 = arith.constant 0 : i32
      %ne3A_623 = vector.broadcast %ne3A_622 : i32 to vector<16xi32>
      %ne3A_624 = arith.cmpi ne, %rem3A_621, %ne3A_623 : vector<16xi32>
      %lt3A_625 = arith.constant 0 : i32
      %lt3A_626 = vector.broadcast %lt3A_625 : i32 to vector<16xi32>
      %lt3A_627 = arith.cmpi slt, %rem3A_621, %lt3A_626 : vector<16xi32>
      %lt3A_628 = arith.constant 0 : i32
      %lt3A_629 = arith.cmpi slt, %select_n3A_619, %lt3A_628 : i32
      %ne3A_630 = vector.broadcast %lt3A_629 : i1 to vector<16xi1>
      %ne3A_631 = vector.broadcast %ne3A_630 : vector<16xi1> to vector<16xi1>
      %ne3A_632 = arith.xori %lt3A_627, %ne3A_631 : vector<16xi1>
      %and3A_633 = arith.andi %ne3A_632, %ne3A_624 : vector<16xi1>
      %add3A_634 = vector.broadcast %select_n3A_619 : i32 to vector<16xi32>
      %add3A_635 = arith.addi %rem3A_621, %add3A_634 : vector<16xi32>
      %select_n3A_636 = arith.select %and3A_633, %add3A_635, %rem3A_621 : vector<16xi1>, vector<16xi32>
      %gather3A_637 = tpu.vector_load_idx %arg12[%add3A_583, %select_n3A_614, %select_n3A_636] : memref<32x8x128xf32, #tpu.memory_space<vmem>>[vector<16xi32>, vector<16xi32>, vector<16xi32>], vector<16xf32>,
      %get3A_638 = arith.constant 0 : index
      %get3A_639 = tpu.vector_load %arg14[%get3A_638] {strides = array<i32>} : memref<16xf32, #tpu.memory_space<vmem>>, vector<16xf32>,
      %sub3A_640 = arith.subf %gather3A_580, %gather3A_637 : vector<16xf32>
      %add3A_641 = arith.addf %get3A_639, %sub3A_640 : vector<16xf32>
      %swap3A_642 = arith.constant 0 : index
      %swap3A_643 = tpu.vector_load %arg14[%swap3A_642] {strides = array<i32>} : memref<16xf32, #tpu.memory_space<vmem>>, vector<16xf32>,
      tpu.vector_store %arg14[%swap3A_642], %add3A_641 {strides = array<i32>} : memref<16xf32, #tpu.memory_space<vmem>>, vector<16xf32>,
      %add3A_644 = arith.constant 16 : i32
      %add3A_645 = arith.addi %mul3A_364, %add3A_644 : i32
      %get3A_646 = arith.index_cast %add3A_645 : i32 to index
      %get3A_647 = tpu.vector_load %arg8[%get3A_646] {strides = array<i32>} : memref<1600xi32, #tpu.memory_space<vmem>>, vector<16xi32>,
      %get3A_648 = arith.index_cast %add3A_645 : i32 to index
      %get3A_649 = tpu.vector_load %arg9[%get3A_648] {strides = array<i32>} : memref<1600xi32, #tpu.memory_space<vmem>>, vector<16xi32>,
      %gather3A_650 = tpu.vector_load_idx %arg10[%get3A_647] : memref<1000xf32, #tpu.memory_space<vmem>>[vector<16xi32>], vector<16xf32>,
      %add3A_651 = arith.constant 16 : i32
      %add3A_652 = vector.broadcast %add3A_651 : i32 to vector<16xi32>
      %add3A_653 = arith.addi %iota3A, %add3A_652 : vector<16xi32>
      %jit3A_654 = arith.constant 128 : i32
      %div3A_655 = vector.broadcast %jit3A_654 : i32 to vector<16xi32>
      %div3A_656 = arith.divsi %get3A_649, %div3A_655 : vector<16xi32>
      %sign3A_657 = arith.constant 0 : i32
      %sign3A_658 = vector.broadcast %sign3A_657 : i32 to vector<16xi32>
      %sign3A_659 = arith.cmpi sgt, %get3A_649, %sign3A_658 : vector<16xi32>
      %sign3A_660 = arith.extui %sign3A_659 : vector<16xi1> to vector<16xi32>
      %sign3A_661 = arith.constant 0 : i32
      %sign3A_662 = vector.broadcast %sign3A_661 : i32 to vector<16xi32>
      %sign3A_663 = arith.cmpi slt, %get3A_649, %sign3A_662 : vector<16xi32>
      %sign3A_664 = arith.extui %sign3A_663 : vector<16xi1> to vector<16xi32>
      %sign3A_665 = arith.subi %sign3A_660, %sign3A_664 : vector<16xi32>
      %sign3A_666 = arith.constant 0 : i32
      %sign3A_667 = arith.cmpi sgt, %jit3A_654, %sign3A_666 : i32
      %sign3A_668 = arith.extui %sign3A_667 : i1 to i32
      %sign3A_669 = arith.constant 0 : i32
      %sign3A_670 = arith.cmpi slt, %jit3A_654, %sign3A_669 : i32
      %sign3A_671 = arith.extui %sign3A_670 : i1 to i32
      %sign3A_672 = arith.subi %sign3A_668, %sign3A_671 : i32
      %ne3A_673 = vector.broadcast %sign3A_672 : i32 to vector<16xi32>
      %ne3A_674 = arith.cmpi ne, %sign3A_665, %ne3A_673 : vector<16xi32>
      %rem3A_675 = vector.broadcast %jit3A_654 : i32 to vector<16xi32>
      %rem3A_676 = arith.remsi %get3A_649, %rem3A_675 : vector<16xi32>
      %ne3A_677 = arith.constant 0 : i32
      %ne3A_678 = vector.broadcast %ne3A_677 : i32 to vector<16xi32>
      %ne3A_679 = arith.cmpi ne, %rem3A_676, %ne3A_678 : vector<16xi32>
      %and3A_680 = arith.andi %ne3A_674, %ne3A_679 : vector<16xi1>
      %sub3A_681 = arith.constant 1 : i32
      %sub3A_682 = vector.broadcast %sub3A_681 : i32 to vector<16xi32>
      %sub3A_683 = arith.subi %div3A_656, %sub3A_682 : vector<16xi32>
      %select_n3A_684 = arith.select %and3A_680, %sub3A_683, %div3A_656 : vector<16xi1>, vector<16xi32>
      %jit3A_685 = arith.constant 128 : i32
      %eq3A_686 = arith.constant 0 : i32
      %eq3A_687 = arith.cmpi eq, %jit3A_685, %eq3A_686 : i32
      %jit3A_688 = arith.constant 1 : i32
      %select_n3A_689 = arith.select %eq3A_687, %jit3A_688, %jit3A_685 : i32
      %rem3A_690 = vector.broadcast %select_n3A_689 : i32 to vector<16xi32>
      %rem3A_691 = arith.remsi %get3A_649, %rem3A_690 : vector<16xi32>
      %ne3A_692 = arith.constant 0 : i32
      %ne3A_693 = vector.broadcast %ne3A_692 : i32 to vector<16xi32>
      %ne3A_694 = arith.cmpi ne, %rem3A_691, %ne3A_693 : vector<16xi32>
      %lt3A_695 = arith.constant 0 : i32
      %lt3A_696 = vector.broadcast %lt3A_695 : i32 to vector<16xi32>
      %lt3A_697 = arith.cmpi slt, %rem3A_691, %lt3A_696 : vector<16xi32>
      %lt3A_698 = arith.constant 0 : i32
      %lt3A_699 = arith.cmpi slt, %select_n3A_689, %lt3A_698 : i32
      %ne3A_700 = vector.broadcast %lt3A_699 : i1 to vector<16xi1>
      %ne3A_701 = vector.broadcast %ne3A_700 : vector<16xi1> to vector<16xi1>
      %ne3A_702 = arith.xori %lt3A_697, %ne3A_701 : vector<16xi1>
      %and3A_703 = arith.andi %ne3A_702, %ne3A_694 : vector<16xi1>
      %add3A_704 = vector.broadcast %select_n3A_689 : i32 to vector<16xi32>
      %add3A_705 = arith.addi %rem3A_691, %add3A_704 : vector<16xi32>
      %select_n3A_706 = arith.select %and3A_703, %add3A_705, %rem3A_691 : vector<16xi1>, vector<16xi32>
      %gather3A_707 = tpu.vector_load_idx %arg12[%add3A_653, %select_n3A_684, %select_n3A_706] : memref<32x8x128xf32, #tpu.memory_space<vmem>>[vector<16xi32>, vector<16xi32>, vector<16xi32>], vector<16xf32>,
      %get3A_708 = arith.constant 0 : index
      %get3A_709 = tpu.vector_load %arg14[%get3A_708] {strides = array<i32>} : memref<16xf32, #tpu.memory_space<vmem>>, vector<16xf32>,
      %sub3A_710 = arith.subf %gather3A_650, %gather3A_707 : vector<16xf32>
      %add3A_711 = arith.addf %get3A_709, %sub3A_710 : vector<16xf32>
      %swap3A_712 = arith.constant 0 : index
      %swap3A_713 = tpu.vector_load %arg14[%swap3A_712] {strides = array<i32>} : memref<16xf32, #tpu.memory_space<vmem>>, vector<16xf32>,
      tpu.vector_store %arg14[%swap3A_712], %add3A_711 {strides = array<i32>} : memref<16xf32, #tpu.memory_space<vmem>>, vector<16xf32>,
    }
    %scan3A_13 = arith.constant 25 : i32
    %dma_wait3A = arith.constant 0 : i32
    %dma_wait3A_14 = arith.constant 0 : i32
    %dma_wait3A_15 = arith.constant 0 : i32
    %dma_wait3A_16 = tpu.memref_slice %arg12[%dma_wait3A_14, %dma_wait3A, %dma_wait3A_15] : memref<32x8x128xf32, #tpu.memory_space<vmem>> -> memref<32x1x128xf32, #tpu.memory_space<vmem>>
    %dma_wait3A_17 = tpu.memref_squeeze %dma_wait3A_16 : memref<32x1x128xf32, #tpu.memory_space<vmem>> -> memref<32x128xf32, #tpu.memory_space<vmem>>
    %dma_wait3A_18 = arith.constant 0 : i32
    %dma_wait3A_19 = tpu.memref_slice %arg6[%mul3A_2, %dma_wait3A_18] : memref<51200x1000xf32, #tpu.memory_space<hbm>> -> memref<32x128xf32, #tpu.memory_space<hbm>>
    %dma_wait3A_20 = arith.constant 0 : i32
    %dma_wait3A_21 = tpu.memref_slice %arg6[%mul3A_2, %dma_wait3A_20] : memref<51200x1000xf32, #tpu.memory_space<hbm>> -> memref<32x128xf32, #tpu.memory_space<hbm>>
    %dma_wait3A_22 = arith.constant 0 : i32
    %dma_wait3A_23 = arith.constant 0 : i32
    %dma_wait3A_24 = tpu.memref_slice %arg12[%dma_wait3A_22, %dma_wait3A, %dma_wait3A_23] : memref<32x8x128xf32, #tpu.memory_space<vmem>> -> memref<32x1x128xf32, #tpu.memory_space<vmem>>
    %dma_wait3A_25 = tpu.memref_squeeze %dma_wait3A_24 : memref<32x1x128xf32, #tpu.memory_space<vmem>> -> memref<32x128xf32, #tpu.memory_space<vmem>>
    tpu.wait_dma2 semaphore(%arg16 : memref<!tpu.dma_semaphore, #tpu.memory_space<semaphore_mem>>) src(%dma_wait3A_25 : memref<32x128xf32, #tpu.memory_space<vmem>>) dst(%dma_wait3A_21 : memref<32x128xf32, #tpu.memory_space<hbm>>)
    %dma_wait3A_26 = arith.constant 1 : i32
    %dma_wait3A_27 = arith.constant 0 : i32
    %dma_wait3A_28 = arith.constant 0 : i32
    %dma_wait3A_29 = tpu.memref_slice %arg12[%dma_wait3A_27, %dma_wait3A_26, %dma_wait3A_28] : memref<32x8x128xf32, #tpu.memory_space<vmem>> -> memref<32x1x128xf32, #tpu.memory_space<vmem>>
    %dma_wait3A_30 = tpu.memref_squeeze %dma_wait3A_29 : memref<32x1x128xf32, #tpu.memory_space<vmem>> -> memref<32x128xf32, #tpu.memory_space<vmem>>
    %dma_wait3A_31 = arith.constant 128 : i32
    %dma_wait3A_32 = tpu.memref_slice %arg6[%mul3A_2, %dma_wait3A_31] : memref<51200x1000xf32, #tpu.memory_space<hbm>> -> memref<32x128xf32, #tpu.memory_space<hbm>>
    %dma_wait3A_33 = arith.constant 128 : i32
    %dma_wait3A_34 = tpu.memref_slice %arg6[%mul3A_2, %dma_wait3A_33] : memref<51200x1000xf32, #tpu.memory_space<hbm>> -> memref<32x128xf32, #tpu.memory_space<hbm>>
    %dma_wait3A_35 = arith.constant 0 : i32
    %dma_wait3A_36 = arith.constant 0 : i32
    %dma_wait3A_37 = tpu.memref_slice %arg12[%dma_wait3A_35, %dma_wait3A_26, %dma_wait3A_36] : memref<32x8x128xf32, #tpu.memory_space<vmem>> -> memref<32x1x128xf32, #tpu.memory_space<vmem>>
    %dma_wait3A_38 = tpu.memref_squeeze %dma_wait3A_37 : memref<32x1x128xf32, #tpu.memory_space<vmem>> -> memref<32x128xf32, #tpu.memory_space<vmem>>
    tpu.wait_dma2 semaphore(%arg16 : memref<!tpu.dma_semaphore, #tpu.memory_space<semaphore_mem>>) src(%dma_wait3A_38 : memref<32x128xf32, #tpu.memory_space<vmem>>) dst(%dma_wait3A_34 : memref<32x128xf32, #tpu.memory_space<hbm>>)
    %dma_wait3A_39 = arith.constant 2 : i32
    %dma_wait3A_40 = arith.constant 0 : i32
    %dma_wait3A_41 = arith.constant 0 : i32
    %dma_wait3A_42 = tpu.memref_slice %arg12[%dma_wait3A_40, %dma_wait3A_39, %dma_wait3A_41] : memref<32x8x128xf32, #tpu.memory_space<vmem>> -> memref<32x1x128xf32, #tpu.memory_space<vmem>>
    %dma_wait3A_43 = tpu.memref_squeeze %dma_wait3A_42 : memref<32x1x128xf32, #tpu.memory_space<vmem>> -> memref<32x128xf32, #tpu.memory_space<vmem>>
    %dma_wait3A_44 = arith.constant 256 : i32
    %dma_wait3A_45 = tpu.memref_slice %arg6[%mul3A_2, %dma_wait3A_44] : memref<51200x1000xf32, #tpu.memory_space<hbm>> -> memref<32x128xf32, #tpu.memory_space<hbm>>
    %dma_wait3A_46 = arith.constant 256 : i32
    %dma_wait3A_47 = tpu.memref_slice %arg6[%mul3A_2, %dma_wait3A_46] : memref<51200x1000xf32, #tpu.memory_space<hbm>> -> memref<32x128xf32, #tpu.memory_space<hbm>>
    %dma_wait3A_48 = arith.constant 0 : i32
    %dma_wait3A_49 = arith.constant 0 : i32
    %dma_wait3A_50 = tpu.memref_slice %arg12[%dma_wait3A_48, %dma_wait3A_39, %dma_wait3A_49] : memref<32x8x128xf32, #tpu.memory_space<vmem>> -> memref<32x1x128xf32, #tpu.memory_space<vmem>>
    %dma_wait3A_51 = tpu.memref_squeeze %dma_wait3A_50 : memref<32x1x128xf32, #tpu.memory_space<vmem>> -> memref<32x128xf32, #tpu.memory_space<vmem>>
    tpu.wait_dma2 semaphore(%arg16 : memref<!tpu.dma_semaphore, #tpu.memory_space<semaphore_mem>>) src(%dma_wait3A_51 : memref<32x128xf32, #tpu.memory_space<vmem>>) dst(%dma_wait3A_47 : memref<32x128xf32, #tpu.memory_space<hbm>>)
    %dma_wait3A_52 = arith.constant 3 : i32
    %dma_wait3A_53 = arith.constant 0 : i32
    %dma_wait3A_54 = arith.constant 0 : i32
    %dma_wait3A_55 = tpu.memref_slice %arg12[%dma_wait3A_53, %dma_wait3A_52, %dma_wait3A_54] : memref<32x8x128xf32, #tpu.memory_space<vmem>> -> memref<32x1x128xf32, #tpu.memory_space<vmem>>
    %dma_wait3A_56 = tpu.memref_squeeze %dma_wait3A_55 : memref<32x1x128xf32, #tpu.memory_space<vmem>> -> memref<32x128xf32, #tpu.memory_space<vmem>>
    %dma_wait3A_57 = arith.constant 384 : i32
    %dma_wait3A_58 = tpu.memref_slice %arg6[%mul3A_2, %dma_wait3A_57] : memref<51200x1000xf32, #tpu.memory_space<hbm>> -> memref<32x128xf32, #tpu.memory_space<hbm>>
    %dma_wait3A_59 = arith.constant 384 : i32
    %dma_wait3A_60 = tpu.memref_slice %arg6[%mul3A_2, %dma_wait3A_59] : memref<51200x1000xf32, #tpu.memory_space<hbm>> -> memref<32x128xf32, #tpu.memory_space<hbm>>
    %dma_wait3A_61 = arith.constant 0 : i32
    %dma_wait3A_62 = arith.constant 0 : i32
    %dma_wait3A_63 = tpu.memref_slice %arg12[%dma_wait3A_61, %dma_wait3A_52, %dma_wait3A_62] : memref<32x8x128xf32, #tpu.memory_space<vmem>> -> memref<32x1x128xf32, #tpu.memory_space<vmem>>
    %dma_wait3A_64 = tpu.memref_squeeze %dma_wait3A_63 : memref<32x1x128xf32, #tpu.memory_space<vmem>> -> memref<32x128xf32, #tpu.memory_space<vmem>>
    tpu.wait_dma2 semaphore(%arg16 : memref<!tpu.dma_semaphore, #tpu.memory_space<semaphore_mem>>) src(%dma_wait3A_64 : memref<32x128xf32, #tpu.memory_space<vmem>>) dst(%dma_wait3A_60 : memref<32x128xf32, #tpu.memory_space<hbm>>)
    %dma_wait3A_65 = arith.constant 4 : i32
    %dma_wait3A_66 = arith.constant 0 : i32
    %dma_wait3A_67 = arith.constant 0 : i32
    %dma_wait3A_68 = tpu.memref_slice %arg12[%dma_wait3A_66, %dma_wait3A_65, %dma_wait3A_67] : memref<32x8x128xf32, #tpu.memory_space<vmem>> -> memref<32x1x128xf32, #tpu.memory_space<vmem>>
    %dma_wait3A_69 = tpu.memref_squeeze %dma_wait3A_68 : memref<32x1x128xf32, #tpu.memory_space<vmem>> -> memref<32x128xf32, #tpu.memory_space<vmem>>
    %dma_wait3A_70 = arith.constant 512 : i32
    %dma_wait3A_71 = tpu.memref_slice %arg6[%mul3A_2, %dma_wait3A_70] : memref<51200x1000xf32, #tpu.memory_space<hbm>> -> memref<32x128xf32, #tpu.memory_space<hbm>>
    %dma_wait3A_72 = arith.constant 512 : i32
    %dma_wait3A_73 = tpu.memref_slice %arg6[%mul3A_2, %dma_wait3A_72] : memref<51200x1000xf32, #tpu.memory_space<hbm>> -> memref<32x128xf32, #tpu.memory_space<hbm>>
    %dma_wait3A_74 = arith.constant 0 : i32
    %dma_wait3A_75 = arith.constant 0 : i32
    %dma_wait3A_76 = tpu.memref_slice %arg12[%dma_wait3A_74, %dma_wait3A_65, %dma_wait3A_75] : memref<32x8x128xf32, #tpu.memory_space<vmem>> -> memref<32x1x128xf32, #tpu.memory_space<vmem>>
    %dma_wait3A_77 = tpu.memref_squeeze %dma_wait3A_76 : memref<32x1x128xf32, #tpu.memory_space<vmem>> -> memref<32x128xf32, #tpu.memory_space<vmem>>
    tpu.wait_dma2 semaphore(%arg16 : memref<!tpu.dma_semaphore, #tpu.memory_space<semaphore_mem>>) src(%dma_wait3A_77 : memref<32x128xf32, #tpu.memory_space<vmem>>) dst(%dma_wait3A_73 : memref<32x128xf32, #tpu.memory_space<hbm>>)
    %dma_wait3A_78 = arith.constant 5 : i32
    %dma_wait3A_79 = arith.constant 0 : i32
    %dma_wait3A_80 = arith.constant 0 : i32
    %dma_wait3A_81 = tpu.memref_slice %arg12[%dma_wait3A_79, %dma_wait3A_78, %dma_wait3A_80] : memref<32x8x128xf32, #tpu.memory_space<vmem>> -> memref<32x1x128xf32, #tpu.memory_space<vmem>>
    %dma_wait3A_82 = tpu.memref_squeeze %dma_wait3A_81 : memref<32x1x128xf32, #tpu.memory_space<vmem>> -> memref<32x128xf32, #tpu.memory_space<vmem>>
    %dma_wait3A_83 = arith.constant 640 : i32
    %dma_wait3A_84 = tpu.memref_slice %arg6[%mul3A_2, %dma_wait3A_83] : memref<51200x1000xf32, #tpu.memory_space<hbm>> -> memref<32x128xf32, #tpu.memory_space<hbm>>
    %dma_wait3A_85 = arith.constant 640 : i32
    %dma_wait3A_86 = tpu.memref_slice %arg6[%mul3A_2, %dma_wait3A_85] : memref<51200x1000xf32, #tpu.memory_space<hbm>> -> memref<32x128xf32, #tpu.memory_space<hbm>>
    %dma_wait3A_87 = arith.constant 0 : i32
    %dma_wait3A_88 = arith.constant 0 : i32
    %dma_wait3A_89 = tpu.memref_slice %arg12[%dma_wait3A_87, %dma_wait3A_78, %dma_wait3A_88] : memref<32x8x128xf32, #tpu.memory_space<vmem>> -> memref<32x1x128xf32, #tpu.memory_space<vmem>>
    %dma_wait3A_90 = tpu.memref_squeeze %dma_wait3A_89 : memref<32x1x128xf32, #tpu.memory_space<vmem>> -> memref<32x128xf32, #tpu.memory_space<vmem>>
    tpu.wait_dma2 semaphore(%arg16 : memref<!tpu.dma_semaphore, #tpu.memory_space<semaphore_mem>>) src(%dma_wait3A_90 : memref<32x128xf32, #tpu.memory_space<vmem>>) dst(%dma_wait3A_86 : memref<32x128xf32, #tpu.memory_space<hbm>>)
    %dma_wait3A_91 = arith.constant 6 : i32
    %dma_wait3A_92 = arith.constant 0 : i32
    %dma_wait3A_93 = arith.constant 0 : i32
    %dma_wait3A_94 = tpu.memref_slice %arg12[%dma_wait3A_92, %dma_wait3A_91, %dma_wait3A_93] : memref<32x8x128xf32, #tpu.memory_space<vmem>> -> memref<32x1x128xf32, #tpu.memory_space<vmem>>
    %dma_wait3A_95 = tpu.memref_squeeze %dma_wait3A_94 : memref<32x1x128xf32, #tpu.memory_space<vmem>> -> memref<32x128xf32, #tpu.memory_space<vmem>>
    %dma_wait3A_96 = arith.constant 768 : i32
    %dma_wait3A_97 = tpu.memref_slice %arg6[%mul3A_2, %dma_wait3A_96] : memref<51200x1000xf32, #tpu.memory_space<hbm>> -> memref<32x128xf32, #tpu.memory_space<hbm>>
    %dma_wait3A_98 = arith.constant 768 : i32
    %dma_wait3A_99 = tpu.memref_slice %arg6[%mul3A_2, %dma_wait3A_98] : memref<51200x1000xf32, #tpu.memory_space<hbm>> -> memref<32x128xf32, #tpu.memory_space<hbm>>
    %dma_wait3A_100 = arith.constant 0 : i32
    %dma_wait3A_101 = arith.constant 0 : i32
    %dma_wait3A_102 = tpu.memref_slice %arg12[%dma_wait3A_100, %dma_wait3A_91, %dma_wait3A_101] : memref<32x8x128xf32, #tpu.memory_space<vmem>> -> memref<32x1x128xf32, #tpu.memory_space<vmem>>
    %dma_wait3A_103 = tpu.memref_squeeze %dma_wait3A_102 : memref<32x1x128xf32, #tpu.memory_space<vmem>> -> memref<32x128xf32, #tpu.memory_space<vmem>>
    tpu.wait_dma2 semaphore(%arg16 : memref<!tpu.dma_semaphore, #tpu.memory_space<semaphore_mem>>) src(%dma_wait3A_103 : memref<32x128xf32, #tpu.memory_space<vmem>>) dst(%dma_wait3A_99 : memref<32x128xf32, #tpu.memory_space<hbm>>)
    %dma_wait3A_104 = arith.constant 896 : i32
    %dma_wait3A_105 = tpu.memref_slice %arg6[%mul3A_2, %dma_wait3A_104] : memref<51200x1000xf32, #tpu.memory_space<hbm>> -> memref<32x104xf32, #tpu.memory_space<hbm>>
    %dma_wait3A_106 = arith.constant 896 : i32
    %dma_wait3A_107 = tpu.memref_slice %arg6[%mul3A_2, %dma_wait3A_106] : memref<51200x1000xf32, #tpu.memory_space<hbm>> -> memref<32x104xf32, #tpu.memory_space<hbm>>
    tpu.wait_dma2 semaphore(%arg16 : memref<!tpu.dma_semaphore, #tpu.memory_space<semaphore_mem>>) src(%arg13 : memref<32x104xf32, #tpu.memory_space<vmem>>) dst(%dma_wait3A_107 : memref<32x104xf32, #tpu.memory_space<hbm>>)
    "tpu.region"() ({
      %run_scoped3A = tpu.sem_alloc : memref<!tpu.dma_semaphore, #tpu.memory_space<semaphore_mem>>
      %dma_start3A_108 = arith.constant 0 : i32
      %dma_start3A_109 = tpu.memref_slice %arg7[%add3A, %dma_start3A_108] : memref<32x16xf32, #tpu.memory_space<hbm>> -> memref<1x16xf32, #tpu.memory_space<hbm>>
      %dma_start3A_110 = tpu.memref_squeeze %dma_start3A_109 : memref<1x16xf32, #tpu.memory_space<hbm>> -> memref<16xf32, #tpu.memory_space<hbm>>
      %dma_start3A_111 = arith.constant 0 : i32
      %dma_start3A_112 = tpu.memref_slice %arg7[%add3A, %dma_start3A_111] : memref<32x16xf32, #tpu.memory_space<hbm>> -> memref<1x16xf32, #tpu.memory_space<hbm>>
      %dma_start3A_113 = tpu.memref_squeeze %dma_start3A_112 : memref<1x16xf32, #tpu.memory_space<hbm>> -> memref<16xf32, #tpu.memory_space<hbm>>
      tpu.enqueue_dma source(%arg14 : memref<16xf32, #tpu.memory_space<vmem>>) target(%dma_start3A_113 : memref<16xf32, #tpu.memory_space<hbm>>) target_semaphore(%run_scoped3A : memref<!tpu.dma_semaphore, #tpu.memory_space<semaphore_mem>>)
      %dma_wait3A_114 = arith.constant 0 : i32
      %dma_wait3A_115 = tpu.memref_slice %arg7[%add3A, %dma_wait3A_114] : memref<32x16xf32, #tpu.memory_space<hbm>> -> memref<1x16xf32, #tpu.memory_space<hbm>>
      %dma_wait3A_116 = tpu.memref_squeeze %dma_wait3A_115 : memref<1x16xf32, #tpu.memory_space<hbm>> -> memref<16xf32, #tpu.memory_space<hbm>>
      %dma_wait3A_117 = arith.constant 0 : i32
      %dma_wait3A_118 = tpu.memref_slice %arg7[%add3A, %dma_wait3A_117] : memref<32x16xf32, #tpu.memory_space<hbm>> -> memref<1x16xf32, #tpu.memory_space<hbm>>
      %dma_wait3A_119 = tpu.memref_squeeze %dma_wait3A_118 : memref<1x16xf32, #tpu.memory_space<hbm>> -> memref<16xf32, #tpu.memory_space<hbm>>
      tpu.wait_dma2 semaphore(%run_scoped3A : memref<!tpu.dma_semaphore, #tpu.memory_space<semaphore_mem>>) src(%arg14 : memref<16xf32, #tpu.memory_space<vmem>>) dst(%dma_wait3A_119 : memref<16xf32, #tpu.memory_space<hbm>>)
      tpu.yield
    }) : () -> ()
    return
  }
}

module attributes {stable_mosaic.version = 14 : i64} {
  func.func @_lse_body(%arg0: memref<1000x1000xf32, #tpu.memory_space<vmem>>, %arg1: memref<1000xf32, #tpu.memory_space<vmem>>) attributes {dimension_semantics = [], scalar_prefetch = 0 : i64, scratch_operands = 0 : i64, tpu.core_type = #tpu.core_type<tc>} {
    %get3A = arith.constant 0 : index
    %get3A_0 = arith.constant 0 : index
    %get3A_1 = vector.load %arg0[%get3A, %get3A_0] : memref<1000x1000xf32, #tpu.memory_space<vmem>>, vector<1000x1000xf32>
    %reduce_max3A = arith.constant dense<0xFF800000> : vector<1000xf32>
    %reduce_max3A_2 = vector.multi_reduction <maximumf>, %get3A_1, %reduce_max3A [1] : vector<1000x1000xf32> to vector<1000xf32>
    %broadcast_in_dim3A = vector.shape_cast %reduce_max3A_2 : vector<1000xf32> to vector<1000x1xf32>
    %sub3A = vector.broadcast %broadcast_in_dim3A : vector<1000x1xf32> to vector<1000x1000xf32>
    %sub3A_3 = arith.subf %get3A_1, %sub3A : vector<1000x1000xf32>
    %exp3A = math.exp %sub3A_3 : vector<1000x1000xf32>
    %reduce_sum3A = arith.constant dense<0.000000e+00> : vector<1000xf32>
    %reduce_sum3A_4 = vector.multi_reduction <add>, %exp3A, %reduce_sum3A [1] : vector<1000x1000xf32> to vector<1000xf32>
    %log3A = math.log %reduce_sum3A_4 : vector<1000xf32>
    %add3A = arith.addf %reduce_max3A_2, %log3A : vector<1000xf32>
    %swap3A = arith.constant 0 : index
    %swap3A_5 = vector.load %arg1[%swap3A] : memref<1000xf32, #tpu.memory_space<vmem>>, vector<1000xf32>
    tpu.vector_store %arg1[%swap3A], %add3A {strides = array<i32>} : memref<1000xf32, #tpu.memory_space<vmem>>, vector<1000xf32>,
    return
  }
}

module attributes {stable_mosaic.version = 14 : i64} {
  func.func @_fin_body(%arg0: memref<32x16xf32, #tpu.memory_space<vmem>>, %arg1: memref<1x1xf32, #tpu.memory_space<vmem>>) attributes {dimension_semantics = [], scalar_prefetch = 0 : i64, scratch_operands = 0 : i64, tpu.core_type = #tpu.core_type<tc>} {
    %get3A = arith.constant 0 : index
    %get3A_0 = arith.constant 0 : index
    %get3A_1 = vector.load %arg0[%get3A, %get3A_0] : memref<32x16xf32, #tpu.memory_space<vmem>>, vector<32x16xf32>
    %reduce_sum3A = vector.shape_cast %get3A_1 : vector<32x16xf32> to vector<1x32x16xf32>
    %reduce_sum3A_2 = arith.constant dense<0.000000e+00> : vector<1xf32>
    %reduce_sum3A_3 = vector.multi_reduction <add>, %reduce_sum3A, %reduce_sum3A_2 [1, 2] : vector<1x32x16xf32> to vector<1xf32>
    %reduce_sum3A_4 = vector.shape_cast %reduce_sum3A_3 : vector<1xf32> to vector<1x1x1xf32>
    %reduce_sum3A_5 = vector.extract %reduce_sum3A_4[0, 0, 0] : f32 from vector<1x1x1xf32>
    %div3A = arith.constant 5.120000e+04 : f32
    %div3A_6 = arith.divf %reduce_sum3A_5, %div3A : f32
    %reshape3A = vector.broadcast %div3A_6 : f32 to vector<1x1xf32>
    %swap3A = arith.constant 0 : index
    %swap3A_7 = arith.constant 0 : index
    %swap3A_8 = vector.load %arg1[%swap3A, %swap3A_7] : memref<1x1xf32, #tpu.memory_space<vmem>>, vector<1x1xf32>
    tpu.vector_store %arg1[%swap3A, %swap3A_7], %reshape3A {strides = array<i32>} : memref<1x1xf32, #tpu.memory_space<vmem>>, vector<1x1xf32>,
    return
  }
}

</mosaic_0001>

<sc_bundles>
// kernel: kernel.5.cloned.1.call-start
scs
__scs_entry_jumppad:
0x0: {  	(pc) =	sbr.rel $0x88, $3  }
0x1: {  	(tag) =	ssettag $0x0;
	lr =	simm.s32 $0x1  }
0x2: {  	[smem:$0x3F9E] =	sst lr;
	_ =	strace $0xD0000000  }
0x3: {  	_ = 	snop  }
0x4: {  	_ = 	snop  }
0x5: {  	_ = 	snop  }
0x6: {  	_ = 	snop  }
0x7: {  	_ = 	snop  }
__scs_overlays_trampoline_lowered:
0x8: {  	[smem:$0x3FAD] =	sst s0  }
0x9: {  	[smem:$0x3FAE] =	sst s1  }
0xa: {  	[smem:$0x3FAF] =	sst s2  }
0xb: {  	[smem:$0x3FB0] =	sst s3  }
0xc: {  	[smem:$0x3FB1] =	sst s4  }
0xd: {  	[smem:$0x3FB2] =	sst s5  }
0xe: {  	[smem:$0x3FB3] =	sst s6  }
0xf: {  	[smem:$0x3FB4] =	sst s7  }
0x10: {  	[smem:$0x3FB5] =	sst s8  }
0x11: {  	[smem:$0x3FB6] =	sst s9;
	s0 =	simm.s32 @!p0 $0x0  }
0x12: {  	s1 =	sld [smem:$0x3F9C];
	s0 =	simm.s32 @p0 $0x1  }
0x13: {  	[smem:$0x3FB7] =	sst s0;
	s0 =	simm.s32 @!p1 $0x0  }
0x14: {  	s2 =	sld [smem:$0x3F9B];
	s0 =	simm.s32 @p1 $0x1  }
0x15: {  	[smem:$0x3FB8] =	sst s0;
	s0 =	simm.s32 @!p2 $0x0  }
0x16: {  	s3 =	sld [smem:$0x3FDB];
	s0 =	simm.s32 @p2 $0x1  }
0x17: {  	s4 =	simm.s32 $0x1BF5;
	[smem:$0x3FBA] =	sst s0  }
0x18: {  	s0 =	sld [smem:$0x3F9D];
	_ =	swait.ge [sflag:s4], $0x0  }
0x19: {  	s7 =	sld [smem:$0x3F9E]  }
0x1a: {  	s8 =	sadd.s32 $0xFFFFE003, lr  }
0x1b: {  	s9 =	sadd.s32 $0xFFFFFEF7, lr;
	s5 =	simm.s32 $0xFFFFFFFF;
	p2 =	slt.u32 s8, $0xFFFFF086  }
0x1c: {  	p1 =	slt.u32 s9, $0xF7A;
	s5 =	simm.s32 @!p2 $0x0  }
0x1d: {  	s5 =	simm.s32 @p1 $0x1;
	p0 =	seq.s32 s7, s2  }
0x1e: {  	s7 =	smul.u32 @!p0 $0xF7A, s2;
	p2 =	seq.s32 @!p0 s5, $0x0  }
0x1f: {  	s9 =	smul.u32 $0xF7A, s1;
	s8 =	simm.s32 @!p0 $0x1BF5;
	p2 =	por !p2, p0  }
0x20: {  	[sflag:s8] =	ssyncset.s32 @!p0 $0xFFFFF086;
	s6 =	sadd.s32 @!p0 s3, s7;
	s7 =	simm.s32 @!p0 $0x108  }
0x21: {  	s3 =	sadd.s32 s3, s9;
	s6 =	sadd.s32 @!p0 $0x88, s6;
	s7 =	simm.s32 @p2 $0x1082  }
0x22: {  	[simem:s7], [sflag:s8] =	dma.local @!p0 [hbm:s6], $0xF7A  }
0x23: {  	s9 =	sor.u32 $0xD0000000, s2;
	s6 =	simm.s32 $0x108;
	_ =	swait.ge @!p0 [sflag:s8], $0x0  }
0x24: {  	s3 =	sadd.s32 $0x88, s3;
	s6 =	simm.s32 @!p1 $0x1082;
	[sflag:s4] =	ssyncset.s32 $0xFFFFF086  }
0x25: {  	[simem:s6], [sflag:s4] =	dma.local [hbm:s3], $0xF7A  }
0x26: {  	[smem:$0x3F9E] =	sst s1;
	(tag) =	ssettag s2;
	_ =	strace s9  }
0x27: {  	s1 =	sld [smem:$0x3FAE]  }
0x28: {  	s2 =	sld [smem:$0x3FAF]  }
0x29: {  	s4 =	sld [smem:$0x3FB1]  }
0x2a: {  	p0 =	seq.s32 s5, $0x0;
	s5 =	sld [smem:$0x3FB2]  }
0x2b: {  	s6 =	sld [smem:$0x3FB3]  }
0x2c: {  	s7 =	sld [smem:$0x3FB4]  }
0x2d: {  	s3 =	simm.s32 $0x108;
	s8 =	sld [smem:$0x3FB5]  }
0x2e: {  	s3 =	simm.s32 @!p0 $0x1082;
	s9 =	sld [smem:$0x3FB6]  }
0x2f: {  	lr =	sadd.s32 s0, s3;
	s0 =	sld [smem:$0x3FAD]  }
0x30: {  	s3 =	sld [smem:$0x3FB0]  }
0x31: {  	[smem:$0x3FB9] =	sst s10  }
0x32: {  	s10 =	sld [smem:$0x3FB7];
	_ =	sdelay $0x3  }
0x33: {  	p0 =	seq.s32 s10, $0x1;
	s10 =	sld [smem:$0x3FB9];
	_ =	sdelay $0x3  }
0x34: {  	[smem:$0x3FB9] =	sst s10  }
0x35: {  	s10 =	sld [smem:$0x3FB8];
	_ =	sdelay $0x3  }
0x36: {  	p1 =	seq.s32 s10, $0x1;
	s10 =	sld [smem:$0x3FB9];
	_ =	sdelay $0x3  }
0x37: {  	[smem:$0x3FB9] =	sst s10  }
0x38: {  	s10 =	sld [smem:$0x3FBA]  }
0x39: {  	_ = 	snop;
	(pc) =	sbr.ind lr, $3  }
0x3a: {  	_ = 	snop  }
0x3b: {  	_ = 	snop  }
0x3c: {  	p2 =	seq.s32 s10, $0x1;
	s10 =	sld [smem:$0x3FB9]  }
0x3d: {  	_ =	shalt  }
0x3e: {  	_ =	shalt  }
0x3f: {  	_ =	shalt  }
0x40: {  	_ =	shalt  }
0x41: {  	_ =	shalt  }
0x42: {  	_ =	shalt  }
0x43: {  	_ =	shalt  }
0x44: {  	_ =	shalt  }
0x45: {  	_ =	shalt  }
0x46: {  	_ =	shalt  }
0x47: {  	_ =	shalt  }
0x48: {  	_ =	shalt  }
0x49: {  	_ =	shalt  }
0x4a: {  	_ =	shalt  }
0x4b: {  	_ =	shalt  }
0x4c: {  	_ =	shalt  }
0x4d: {  	_ =	shalt  }
0x4e: {  	_ =	shalt  }
0x4f: {  	_ =	shalt  }
0x50: {  	_ =	shalt  }
0x51: {  	_ =	shalt  }
0x52: {  	_ =	shalt  }
0x53: {  	_ =	shalt  }
0x54: {  	_ =	shalt  }
0x55: {  	_ =	shalt  }
0x56: {  	_ =	shalt  }
0x57: {  	_ =	shalt  }
0x58: {  	_ =	shalt  }
0x59: {  	_ =	shalt  }
0x5a: {  	_ =	shalt  }
0x5b: {  	_ =	shalt  }
0x5c: {  	_ =	shalt  }
0x5d: {  	_ =	shalt  }
0x5e: {  	_ =	shalt  }
0x5f: {  	_ =	shalt  }
0x60: {  	_ =	shalt  }
0x61: {  	_ =	shalt  }
0x62: {  	_ =	shalt  }
0x63: {  	_ =	shalt  }
0x64: {  	_ =	shalt  }
0x65: {  	_ =	shalt  }
0x66: {  	_ =	shalt  }
0x67: {  	_ =	shalt  }
0x68: {  	_ =	shalt  }
0x69: {  	_ =	shalt  }
0x6a: {  	_ =	shalt  }
0x6b: {  	_ =	shalt  }
0x6c: {  	_ =	shalt  }
0x6d: {  	_ =	shalt  }
0x6e: {  	_ =	shalt  }
0x6f: {  	_ =	shalt  }
0x70: {  	_ =	shalt  }
0x71: {  	_ =	shalt  }
0x72: {  	_ =	shalt  }
0x73: {  	_ =	shalt  }
0x74: {  	_ =	shalt  }
0x75: {  	_ =	shalt  }
0x76: {  	_ =	shalt  }
0x77: {  	_ =	shalt  }
0x78: {  	_ =	shalt  }
0x79: {  	_ =	shalt  }
0x7a: {  	_ =	shalt  }
0x7b: {  	_ =	shalt  }
0x7c: {  	_ =	shalt  }
0x7d: {  	_ =	shalt  }
0x7e: {  	_ =	shalt  }
0x7f: {  	_ =	shalt  }
0x80: {  	_ =	shalt  }
0x81: {  	_ =	shalt  }
0x82: {  	_ =	shalt  }
0x83: {  	_ =	shalt  }
0x84: {  	_ =	shalt  }
0x85: {  	_ =	shalt  }
0x86: {  	_ =	shalt  }
0x87: {  	_ =	shalt  }
.Lfunc_end0:
.L_simem_size_0:
called_computation_lowered:
.L_overlay_start_0:
0x88: {  	s2 =	sld [smem:$0x3FD9]  }
0x89: {  	s3 =	sld [smem:$0x3FFE];
	_ =	sdelay $0x1  }
0x8a: {  	s1 =	srdreg.scid  }
0x8b: {  	s0 =	sand.u32 $0x1, s1  }
0x8c: {  	s14 =	sshll.u32 s0, $0xA;
	s2 =	sadd.s32 s3, s2  }
0x8d: {  	s2 =	sadd.s32 s2, s14  }
0x8e: {  	[smem:$0x3FC5] =	sst s2  }
0x8f: {  	_ = 	snop  }
0x90: {  	s2 =	sld [smem:$0x3FD0];
	_ =	sdelay $0x2  }
0x91: {  	s15 =	simm.s32 $0xA;
	s4 =	simm.s32 $0x10  }
0x92: {  	[smem:s4], [sflag:s15] =	dma.local [hbm:s2], $0x1  }
0x93: {  	_ =	swait.eq [sflag:s15], $0x1  }
0x94: {  	[sflag:s15] =	ssyncset.done $0x0  }
0x95: {  	[sflag:s15] =	ssyncadd.s32 $0xFFFFFFFF  }
0x96: {  	s16 =	sld [smem:$0x10];
	(tm) =	ssettm $0x1  }
0x97: {  	s17 =	sld [smem:$0x3FFB];
	_ =	sdelay $0x3  }
0x98: {  	_ =	strace s17  }
0x99: {  	s3 =	sld [smem:$0x3FFC];
	_ =	sdelay $0x3  }
0x9a: {  	_ =	strace s3  }
0x9b: {  	s3 =	sld [smem:$0x3FFD];
	_ =	sdelay $0x3  }
0x9c: {  	_ =	strace s3  }
0x9d: {  	_ =	strace $0x8FFFFFFF  }
0x9e: {  	s18 =	sld [smem:$0x3FDB];
	_ =	sdelay $0x1  }
0x9f: {  	s19 =	simm.s32 $_scs_section_size  }
0xa0: {  	s5 =	simm.s32 $_size__tile_overlayer_lowered;
	s6 =	simm.s32 $_tile_overlayer_lowered  }
0xa1: {  	s22 =	simm.s32 $0x1BFF;
	s21 =	sshll.u32 s6, $0x1;
	s3 =	sadd.s32 s19, s18  }
0xa2: {  	s7 =	simm.s32 $0x0;
	s20 =	sshll.u32 s5, $0x1;
	s5 =	sadd.s32 s21, s3  }
0xa3: {  	[timem:s7], [sflag:s22] =	dma.local [hbm:s5], s20  }
0xa4: {  	_ =	swait.ge [sflag:s22], s20  }
0xa5: {  	s4 =	ssub.s32 $0x0, s20;
	[sflag:s22] =	ssyncset.done $0x0  }
0xa6: {  	[sflag:s22] =	ssyncadd.s32 s4;
	_ =	sdelay $0x1  }
0xa7: {  	s23 =	simm.s32 $0x1B8B  }
0xa8: {  	_ =	swait.ge [sflag:s23], $0x1  }
0xa9: {  	[sflag:s23] =	ssyncset.done $0x0  }
0xaa: {  	s25 =	simm.s32 $0x1B8E;
	s24 =	sld [smem:$0x3FFE];
	[sflag:s23] =	ssyncadd.s32 $0xFFFFFFFF  }
0xab: {  	s26 =	simm.s32 $execute0_lowered;
	[smem:$0x3FD2] =	sst s25  }
0xac: {  	s5 =	sshll.u32 s26, $0x1;
	_ =	strace $0x80000046;
	[dreg:$0x1] =	wrdreg $0xFFFFFFFF  }
0xad: {  	s28 =	simm.s32 $_size_execute0_lowered;
	s3 =	sadd.s32 s3, s5;
	[dreg:$0x0] =	wrdreg $0x0  }
0xae: {  	s5 =	sshll.u32 s28, $0x1;
	[dreg:$0x2] =	wrdreg s3  }
0xaf: {  	[dreg:$0x3] =	wrdreg s5  }
0xb0: {  	[dreg:$0x4] =	wrdreg $0xC0  }
0xb1: {  	_ =	task [dreg:s7], $0x5FFFF  }
0xb2: {  	[dreg:$0x1] =	wrdreg $0xFFFFFFFF  }
0xb3: {  	[dreg:$0x0] =	wrdreg $0x60  }
0xb4: {  	[dreg:$0x2] =	wrdreg s16  }
0xb5: {  	[dreg:$0x3] =	wrdreg s24  }
0xb6: {  	[dreg:$0x4] =	wrdreg $0x9  }
0xb7: {  	_ =	task.clear_ibuf [dreg:s7], $0x5FFFF;
	_ =	strace $0x90000046  }
0xb8: {  	s29 =	simm.s32 $0x9;
	_ =	strace $0x80000048  }
0xb9: {  	_ =	swait.ge [sflag:s29], $0x1  }
0xba: {  	[sflag:s29] =	ssyncadd.s32 $0xFFFFFFFF  }
0xbb: {  	_ =	strace $0x90000048  }
0xbc: {  	_ =	sfence  }
0xbd: {  	s30 =	sld [smem:$0x0];
	_ =	sdelay $0x2  }
0xbe: {  	s31 =	sshll.u32 s1, $0xD;
	s1 =	sshrl.u32 s1, $0x2  }
0xbf: {  	s3 =	sand.u32 $0x4000, s31;
	s1 =	sadd.s32 s1, s30  }
0xc0: {  	s0 =	sor.u32 s3, s0;
	s1 =	sshll.u32 s1, $0x11  }
0xc1: {  	s0 =	sor.u32 s1, s0  }
0xc2: {  	s0 =	sadd.s32 $0x8F2B, s0  }
0xc3: {  	[sflag:s0] =	ssyncadd.remote.s32 $0x1  }
0xc4: {  	_ =	sfence.sel $0xFFFF  }
0xc5: {  	[dreg:$0x0] =	wrdreg $0xFFFFFFFF;
	(pc) =	sbr.abs _section_cstart, $3  }
0xc6: {  	[dreg:$0x1] =	wrdreg $0xFFFFFFFF  }
0xc7: {  	_ =	task.clear_ibuf [dreg:s7], $0x2FFFF;
	_ =	strace $0x9FFFFFFF  }
0xc8: {  	(tm) =	ssettm $0x7FFFFFFF  }
0xc9: {  	_ =	shalt  }
tec
execute0_lowered:
.L_overlay_start_1:
0x0: {  	(tag) =	ssettag $0x1  }
0x1: {  	s0 =	srdreg.scid;
	s2 =	rddreg [dreg:$0x0]  }
0x2: {  	s1 =	stileid.u32;
	s5 =	rddreg [dreg:$0x1];
	s4 =	simm.s32 $0x0  }
0x3: {  	s20 =	simm.s32 $0xD00;
	s21 =	simm.s32 $0x20;
	s22 =	simm.s32 $0x1100  }
0x4: {  	s23 =	simm.s32 $0x1;
	s24 =	simm.s32 $0x9100;
	s25 =	simm.s32 $0x11100  }
0x5: {  	s26 =	simm.s32 $0x400;
	s28 =	simm.s32 $0x2000;
	s29 =	simm.s32 $0x2  }
0x6: {  	s0 =	sand.u32 $0x1, s0;
	s1 =	sshll.u32 s1, $0x1;
	[smem:$0x7FF] =	sst s4  }
0x7: {  	s30 =	sadd.s32 $0x1200, s5;
	s9 =	sadd.s32 $0x4A80, s5;
	s10 =	sadd.s32 $0x4B00, s5  }
0x8: {  	s11 =	sadd.s32 $0x4B80, s5;
	s12 =	sadd.s32 $0x4C00, s5;
	s13 =	sadd.s32 $0x4C80, s5  }
0x9: {  	s14 =	sadd.s32 $0x4D00, s5;
	s1 =	sor.u32 s0, s1;
	_ =	strace $0x80000047  }
0xa: {  	s0 =	ssub.s32 $0x2, s0;
	s3 =	smul.u32 $0x640, s1;
	s1 =	sshll.u32 s1, $0x4  }
0xb: {  	[dreg:$0x3] =	wrdreg s30;
	s8 =	sshrl.u32 s0, $0x1;
	s1 =	sadd.s32 s1, s5  }
0xc: {  	s0 =	ssub.s32 s0, s8;
	s6 =	sshrl.u32 s3, $0x3;
	s1 =	sadd.s32 $0x4800, s1  }
0xd: {  	v2 =	vlaneseq.u32;
	s0 =	smax.u32 s0, $0x1;
	s7 =	sadd.s32 s6, s5;
	[dreg:$0x6] =	wrdreg s1  }
0xe: {  	s15 =	sadd.s32 $0x4D80, s5;
	v0 =	vmul.u32 $0x400, v2;
	[dreg:$0x7] =	wrdreg s0;
	s31 =	sadd.s32 $0x1400, s7  }
0xf: {  	v1 =	vimm.f32 $0.0e+00;
	s6 =	sadd.s32 $0x4A00, s5;
	s7 =	sadd.s32 $0x2E00, s7;
	[dreg:$0x4] =	wrdreg s31  }
0x10: {  	v3 =	vimm.s32 $0x0;
	v2 =	vor.u32 $0x60, v2;
	v4 =	vor.u32 $0x4000, v0;
	s1 =	simm.s32 $0x3;
	s5 =	simm.s32 $0x0;
	[dreg:$0x5] =	wrdreg s7  }
.LBB2_1:
0x11: {  	[dreg:$0x8] =	wrdreg s5  }
0x12: {  	s0 =	rddreg [dreg:$0x4]  }
0x13: {  	[tilespmem:s4], [sflag:$0x3] =	stream.linear.gather [hbm4b:s0+s4], $0x640, $0x38;
	[tilespmem:$0x12180] =	vst v63  }
0x14: {  	_ =	swait.ge [sflag:s1], $0x640  }
0x15: {  	[sflag:s1] =	ssyncset.done $0x0  }
0x16: {  	s30 =	simm.s32 $0x680;
	s19 =	rddreg [dreg:$0x5];
	[sflag:s1] =	ssyncadd.s32 $0xFFFFF9C0  }
0x17: {  	[tilespmem:s30], [sflag:$0x3] =	stream.linear.gather [hbm4b:s19+s4], $0x640, $0x38;
	[tilespmem:$0x12180] =	vst v63  }
0x18: {  	_ =	swait.ge [sflag:s1], $0x640  }
0x19: {  	[sflag:s1] =	ssyncset.done $0x0  }
0x1a: {  	s31 =	rddreg [dreg:$0x3];
	[sflag:s1] =	ssyncadd.s32 $0xFFFFF9C0  }
0x1b: {  	[tilespmem:s20], [sflag:$0x3] =	stream.linear.gather [hbm4b:s31+s4], $0x400, $0x38;
	[tilespmem:$0x12180] =	vst v63  }
0x1c: {  	_ =	swait.ge [sflag:s1], $0x400  }
0x1d: {  	[sflag:s1] =	ssyncset.done $0x0  }
0x1e: {  	[sflag:s1] =	ssyncadd.s32 $0xFFFFFC00  }
0x1f: {  	s1 =	simm.s32 $0x0;
	[tilespmem:$0x12100] =	vst v1  }
0x20: {  	[tilespmem:s22], [sflag:$0x1] =	stream.indirect.gather [hbm4b:s2+s21], $0x400, s4, s21, $0xb8;
	[tilespmem:$0x12180] =	vst v63  }
.LBB2_2:
0x21: {  	_ =	swait.ge [sflag:s23], $0x8000  }
0x22: {  	p0 =	seq.s32 s1, $0x0;
	[sflag:s23] =	ssyncset.done $0x0  }
0x23: {  	s5 =	simm.s32 @!p0 $0x2;
	[sflag:s23] =	ssyncadd.s32 $0xFFFF8000  }
0x24: {  	_ =	swait.ge @!p0 [sflag:s5], $0x1000  }
0x25: {  	[sflag:s5] =	ssyncset.done @!p0 $0x0  }
0x26: {  	[sflag:s5] =	ssyncadd.s32 @!p0 $0xFFFFF000  }
0x27: {  	_ =	swait.ge @!p0 [sflag:s5], $0x1000  }
0x28: {  	[sflag:s5] =	ssyncset.done @!p0 $0x0  }
0x29: {  	[sflag:s5] =	ssyncadd.s32 @!p0 $0xFFFFF000  }
0x2a: {  	_ =	swait.ge @!p0 [sflag:s5], $0x1000  }
0x2b: {  	[sflag:s5] =	ssyncset.done @!p0 $0x0  }
0x2c: {  	[sflag:s5] =	ssyncadd.s32 @!p0 $0xFFFFF000  }
0x2d: {  	_ =	swait.ge @!p0 [sflag:s5], $0x1000  }
0x2e: {  	[sflag:s5] =	ssyncset.done @!p0 $0x0  }
0x2f: {  	[sflag:s5] =	ssyncadd.s32 @!p0 $0xFFFFF000  }
0x30: {  	_ =	swait.ge @!p0 [sflag:s5], $0x1000  }
0x31: {  	[sflag:s5] =	ssyncset.done @!p0 $0x0  }
0x32: {  	[sflag:s5] =	ssyncadd.s32 @!p0 $0xFFFFF000  }
0x33: {  	_ =	swait.ge @!p0 [sflag:s5], $0x1000  }
0x34: {  	[sflag:s5] =	ssyncset.done @!p0 $0x0  }
0x35: {  	[sflag:s5] =	ssyncadd.s32 @!p0 $0xFFFFF000  }
0x36: {  	_ =	swait.ge @!p0 [sflag:s5], $0x1000  }
0x37: {  	[sflag:s5] =	ssyncset.done @!p0 $0x0  }
0x38: {  	[sflag:s5] =	ssyncadd.s32 @!p0 $0xFFFFF000  }
0x39: {  	s0 =	sshll.u32 s1, $0x6;
	_ =	swait.ge @!p0 [sflag:s5], $0x1000  }
0x3a: {  	s7 =	sadd.s32 s3, s0;
	[sflag:s5] =	ssyncset.done @!p0 $0x0  }
0x3b: {  	s31 =	sadd.s32 $0x20, s0;
	s19 =	sshll.u32 s7, $0x7;
	[sflag:s5] =	ssyncadd.s32 @!p0 $0xFFFFF000  }
0x3c: {  	[tilespmem:s24], [sflag:$0x1] =	stream.indirect.gather [hbm4b:s2+s21], $0x400, s31, s21, $0xb8;
	[tilespmem:$0x12180] =	vst v63  }
0x3d: {  	s8 =	simm.s32 $0x1100;
	s7 =	sadd.s32 s6, s19  }
0x3e: {  	[hbm4b:s7+s4] =	stream.linear.scatter [tilespmem:s8], [sflag:$0x2], $0x80, $0x38;
	[tilespmem:$0x12180] =	vst v63  }
0x3f: {  	s16 =	simm.s32 $0x1500;
	s8 =	sadd.s32 $0x10, s7  }
0x40: {  	[hbm4b:s8+s4] =	stream.linear.scatter [tilespmem:s16], [sflag:$0x2], $0x80, $0x38;
	[tilespmem:$0x12180] =	vst v63  }
0x41: {  	s17 =	simm.s32 $0x1900;
	s30 =	simm.s32 $0x1D00;
	s18 =	sadd.s32 $0x20, s7  }
0x42: {  	[hbm4b:s18+s4] =	stream.linear.scatter [tilespmem:s17], [sflag:$0x2], $0x80, $0x38;
	[tilespmem:$0x12180] =	vst v63  }
0x43: {  	s5 =	simm.s32 $0x2000;
	s31 =	sadd.s32 $0x30, s7;
	s8 =	simm.s32 $0x2100  }
0x44: {  	[hbm4b:s31+s4] =	stream.linear.scatter [tilespmem:s30], [sflag:$0x2], $0x80, $0x38;
	[tilespmem:$0x12180] =	vst v63  }
0x45: {  	s16 =	sadd.s32 $0x40, s7;
	s17 =	simm.s32 $0x2500;
	s18 =	sadd.s32 $0x50, s7  }
0x46: {  	[hbm4b:s16+s4] =	stream.linear.scatter [tilespmem:s8], [sflag:$0x2], $0x80, $0x38;
	[tilespmem:$0x12180] =	vst v63  }
0x47: {  	s30 =	simm.s32 $0x2900;
	s31 =	sadd.s32 $0x60, s7;
	s8 =	simm.s32 $0x10000  }
0x48: {  	[hbm4b:s18+s4] =	stream.linear.scatter [tilespmem:s17], [sflag:$0x2], $0x80, $0x38;
	[tilespmem:$0x12180] =	vst v63  }
0x49: {  	s16 =	simm.s32 $0x2D00;
	s17 =	sadd.s32 $0x70, s7;
	s7 =	sadd.s32 $0x400, s7  }
0x4a: {  	[hbm4b:s31+s4] =	stream.linear.scatter [tilespmem:s30], [sflag:$0x2], $0x80, $0x38;
	[tilespmem:$0x12180] =	vst v63  }
.LBB2_3:
0x4b: {  	[hbm4b:s17+s4] =	stream.linear.scatter [tilespmem:s16], [sflag:$0x2], $0x80, $0x38;
	[tilespmem:$0x12180] =	vst v63  }
0x4c: {  	s16 =	smov.u32 s5;
	s5 =	smov.u32 s8  }
0x4d: {  	s18 =	sadd.s32 $0x8000, s8;
	s5 =	sshra.s32 s5, $0x2;
	s17 =	sadd.s32 $0x1100, s16  }
0x4e: {  	[hbm4b:s7+s4] =	stream.linear.scatter [tilespmem:s17], [sflag:$0x2], $0x80, $0x38;
	[tilespmem:$0x12180] =	vst v63  }
0x4f: {  	p0 =	sne.s32 s8, $0x18000;
	s8 =	sadd.s32 $0x1500, s16;
	s17 =	sadd.s32 $0x10, s7  }
0x50: {  	[hbm4b:s17+s4] =	stream.linear.scatter [tilespmem:s8], [sflag:$0x2], $0x80, $0x38;
	[tilespmem:$0x12180] =	vst v63  }
0x51: {  	s8 =	sadd.s32 $0x1900, s16;
	s17 =	sadd.s32 $0x20, s7  }
0x52: {  	[hbm4b:s17+s4] =	stream.linear.scatter [tilespmem:s8], [sflag:$0x2], $0x80, $0x38;
	[tilespmem:$0x12180] =	vst v63  }
0x53: {  	s8 =	sadd.s32 $0x1D00, s16;
	s17 =	sadd.s32 $0x30, s7  }
0x54: {  	[hbm4b:s17+s4] =	stream.linear.scatter [tilespmem:s8], [sflag:$0x2], $0x80, $0x38;
	[tilespmem:$0x12180] =	vst v63  }
0x55: {  	s8 =	sadd.s32 $0x2100, s16;
	s17 =	sadd.s32 $0x40, s7  }
0x56: {  	[hbm4b:s17+s4] =	stream.linear.scatter [tilespmem:s8], [sflag:$0x2], $0x80, $0x38;
	[tilespmem:$0x12180] =	vst v63  }
.Ltmp0:
0x57: {  	s8 =	sadd.s32 $0x2500, s16;
	s17 =	sadd.s32 $0x50, s7;
	(pc) =	sbr.rel @p0 .LBB2_3-.Ltmp0, $4  }
0x58: {  	[hbm4b:s17+s4] =	stream.linear.scatter [tilespmem:s8], [sflag:$0x2], $0x80, $0x38;
	[tilespmem:$0x12180] =	vst v63  }
0x59: {  	s8 =	sadd.s32 $0x2900, s16;
	s17 =	sadd.s32 $0x60, s7;
	s16 =	sadd.s32 $0x2D00, s16  }
0x5a: {  	[hbm4b:s17+s4] =	stream.linear.scatter [tilespmem:s8], [sflag:$0x2], $0x80, $0x38;
	[tilespmem:$0x12180] =	vst v63  }
0x5b: {  	s17 =	sadd.s32 $0x70, s7;
	s7 =	sadd.s32 $0x400, s7;
	s8 =	smov.u32 s18  }
0x5c: {  	[hbm4b:s17+s4] =	stream.linear.scatter [tilespmem:s16], [sflag:$0x2], $0x80, $0x38;
	[tilespmem:$0x12180] =	vst v63  }
0x5d: {  	s8 =	sadd.s32 $0x1100, s5  }
0x5e: {  	[hbm4b:s7+s4] =	stream.linear.scatter [tilespmem:s8], [sflag:$0x2], $0x80, $0x38;
	[tilespmem:$0x12180] =	vst v63  }
0x5f: {  	s30 =	sadd.s32 $0x1500, s5;
	s31 =	sadd.s32 $0x10, s7  }
0x60: {  	[hbm4b:s31+s4] =	stream.linear.scatter [tilespmem:s30], [sflag:$0x2], $0x80, $0x38;
	[tilespmem:$0x12180] =	vst v63  }
0x61: {  	s17 =	sadd.s32 $0x1900, s5;
	s18 =	sadd.s32 $0x20, s7  }
0x62: {  	[hbm4b:s18+s4] =	stream.linear.scatter [tilespmem:s17], [sflag:$0x2], $0x80, $0x38;
	[tilespmem:$0x12180] =	vst v63  }
0x63: {  	s30 =	sadd.s32 $0x1D00, s5;
	s31 =	sadd.s32 $0x30, s7  }
0x64: {  	[hbm4b:s31+s4] =	stream.linear.scatter [tilespmem:s30], [sflag:$0x2], $0x80, $0x38;
	[tilespmem:$0x12180] =	vst v63  }
0x65: {  	s17 =	sadd.s32 $0x2100, s5;
	s18 =	sadd.s32 $0x40, s7  }
0x66: {  	[hbm4b:s18+s4] =	stream.linear.scatter [tilespmem:s17], [sflag:$0x2], $0x80, $0x38;
	[tilespmem:$0x12180] =	vst v63  }
0x67: {  	s30 =	sadd.s32 $0x2500, s5;
	s31 =	sadd.s32 $0x50, s7  }
0x68: {  	[hbm4b:s31+s4] =	stream.linear.scatter [tilespmem:s30], [sflag:$0x2], $0x80, $0x38;
	[tilespmem:$0x12180] =	vst v63  }
0x69: {  	s16 =	sadd.s32 $0x2900, s5;
	s17 =	sadd.s32 $0x60, s7  }
0x6a: {  	[hbm4b:s17+s4] =	stream.linear.scatter [tilespmem:s16], [sflag:$0x2], $0x80, $0x38;
	[tilespmem:$0x12180] =	vst v63  }
0x6b: {  	s18 =	sadd.s32 $0x2D00, s5;
	s30 =	sadd.s32 $0x70, s7  }
0x6c: {  	[hbm4b:s30+s4] =	stream.linear.scatter [tilespmem:s18], [sflag:$0x2], $0x80, $0x38;
	[tilespmem:$0x12180] =	vst v63  }
0x6d: {  	s7 =	sadd.s32 s19, s9;
	s31 =	simm.s32 $0x1180  }
0x6e: {  	[hbm4b:s7+s4] =	stream.linear.scatter [tilespmem:s31], [sflag:$0x2], $0x80, $0x38;
	[tilespmem:$0x12180] =	vst v63  }
0x6f: {  	s8 =	simm.s32 $0x1580;
	s16 =	sadd.s32 $0x10, s7  }
0x70: {  	[hbm4b:s16+s4] =	stream.linear.scatter [tilespmem:s8], [sflag:$0x2], $0x80, $0x38;
	[tilespmem:$0x12180] =	vst v63  }
0x71: {  	s5 =	simm.s32 $0x2000;
	s17 =	simm.s32 $0x1980;
	s18 =	sadd.s32 $0x20, s7  }
0x72: {  	[hbm4b:s18+s4] =	stream.linear.scatter [tilespmem:s17], [sflag:$0x2], $0x80, $0x38;
	[tilespmem:$0x12180] =	vst v63  }
0x73: {  	s30 =	simm.s32 $0x1D80;
	s31 =	sadd.s32 $0x30, s7;
	s8 =	simm.s32 $0x2180  }
0x74: {  	[hbm4b:s31+s4] =	stream.linear.scatter [tilespmem:s30], [sflag:$0x2], $0x80, $0x38;
	[tilespmem:$0x12180] =	vst v63  }
0x75: {  	s16 =	sadd.s32 $0x40, s7;
	s17 =	simm.s32 $0x2580;
	s18 =	sadd.s32 $0x50, s7  }
0x76: {  	[hbm4b:s16+s4] =	stream.linear.scatter [tilespmem:s8], [sflag:$0x2], $0x80, $0x38;
	[tilespmem:$0x12180] =	vst v63  }
0x77: {  	s30 =	simm.s32 $0x2980;
	s31 =	sadd.s32 $0x60, s7;
	s8 =	simm.s32 $0x10000  }
0x78: {  	[hbm4b:s18+s4] =	stream.linear.scatter [tilespmem:s17], [sflag:$0x2], $0x80, $0x38;
	[tilespmem:$0x12180] =	vst v63  }
0x79: {  	s16 =	simm.s32 $0x2D80;
	s17 =	sadd.s32 $0x70, s7;
	s7 =	sadd.s32 $0x400, s7  }
0x7a: {  	[hbm4b:s31+s4] =	stream.linear.scatter [tilespmem:s30], [sflag:$0x2], $0x80, $0x38;
	[tilespmem:$0x12180] =	vst v63  }
.LBB2_5:
0x7b: {  	[hbm4b:s17+s4] =	stream.linear.scatter [tilespmem:s16], [sflag:$0x2], $0x80, $0x38;
	[tilespmem:$0x12180] =	vst v63  }
0x7c: {  	s16 =	smov.u32 s5;
	s5 =	smov.u32 s8  }
0x7d: {  	s18 =	sadd.s32 $0x8000, s8;
	s5 =	sshra.s32 s5, $0x2;
	s17 =	sadd.s32 $0x1180, s16  }
0x7e: {  	[hbm4b:s7+s4] =	stream.linear.scatter [tilespmem:s17], [sflag:$0x2], $0x80, $0x38;
	[tilespmem:$0x12180] =	vst v63  }
0x7f: {  	p0 =	sne.s32 s8, $0x18000;
	s8 =	sadd.s32 $0x1580, s16;
	s17 =	sadd.s32 $0x10, s7  }
0x80: {  	[hbm4b:s17+s4] =	stream.linear.scatter [tilespmem:s8], [sflag:$0x2], $0x80, $0x38;
	[tilespmem:$0x12180] =	vst v63  }
0x81: {  	s8 =	sadd.s32 $0x1980, s16;
	s17 =	sadd.s32 $0x20, s7  }
0x82: {  	[hbm4b:s17+s4] =	stream.linear.scatter [tilespmem:s8], [sflag:$0x2], $0x80, $0x38;
	[tilespmem:$0x12180] =	vst v63  }
0x83: {  	s8 =	sadd.s32 $0x1D80, s16;
	s17 =	sadd.s32 $0x30, s7  }
0x84: {  	[hbm4b:s17+s4] =	stream.linear.scatter [tilespmem:s8], [sflag:$0x2], $0x80, $0x38;
	[tilespmem:$0x12180] =	vst v63  }
0x85: {  	s8 =	sadd.s32 $0x2180, s16;
	s17 =	sadd.s32 $0x40, s7  }
0x86: {  	[hbm4b:s17+s4] =	stream.linear.scatter [tilespmem:s8], [sflag:$0x2], $0x80, $0x38;
	[tilespmem:$0x12180] =	vst v63  }
.Ltmp1:
0x87: {  	s8 =	sadd.s32 $0x2580, s16;
	s17 =	sadd.s32 $0x50, s7;
	(pc) =	sbr.rel @p0 .LBB2_5-.Ltmp1, $4  }
0x88: {  	[hbm4b:s17+s4] =	stream.linear.scatter [tilespmem:s8], [sflag:$0x2], $0x80, $0x38;
	[tilespmem:$0x12180] =	vst v63  }
0x89: {  	s8 =	sadd.s32 $0x2980, s16;
	s17 =	sadd.s32 $0x60, s7;
	s16 =	sadd.s32 $0x2D80, s16  }
0x8a: {  	[hbm4b:s17+s4] =	stream.linear.scatter [tilespmem:s8], [sflag:$0x2], $0x80, $0x38;
	[tilespmem:$0x12180] =	vst v63  }
0x8b: {  	s17 =	sadd.s32 $0x70, s7;
	s7 =	sadd.s32 $0x400, s7;
	s8 =	smov.u32 s18  }
0x8c: {  	[hbm4b:s17+s4] =	stream.linear.scatter [tilespmem:s16], [sflag:$0x2], $0x80, $0x38;
	[tilespmem:$0x12180] =	vst v63  }
0x8d: {  	s8 =	sadd.s32 $0x1180, s5  }
0x8e: {  	[hbm4b:s7+s4] =	stream.linear.scatter [tilespmem:s8], [sflag:$0x2], $0x80, $0x38;
	[tilespmem:$0x12180] =	vst v63  }
0x8f: {  	s30 =	sadd.s32 $0x1580, s5;
	s31 =	sadd.s32 $0x10, s7  }
0x90: {  	[hbm4b:s31+s4] =	stream.linear.scatter [tilespmem:s30], [sflag:$0x2], $0x80, $0x38;
	[tilespmem:$0x12180] =	vst v63  }
0x91: {  	s17 =	sadd.s32 $0x1980, s5;
	s18 =	sadd.s32 $0x20, s7  }
0x92: {  	[hbm4b:s18+s4] =	stream.linear.scatter [tilespmem:s17], [sflag:$0x2], $0x80, $0x38;
	[tilespmem:$0x12180] =	vst v63  }
0x93: {  	s30 =	sadd.s32 $0x1D80, s5;
	s31 =	sadd.s32 $0x30, s7  }
0x94: {  	[hbm4b:s31+s4] =	stream.linear.scatter [tilespmem:s30], [sflag:$0x2], $0x80, $0x38;
	[tilespmem:$0x12180] =	vst v63  }
0x95: {  	s17 =	sadd.s32 $0x2180, s5;
	s18 =	sadd.s32 $0x40, s7  }
0x96: {  	[hbm4b:s18+s4] =	stream.linear.scatter [tilespmem:s17], [sflag:$0x2], $0x80, $0x38;
	[tilespmem:$0x12180] =	vst v63  }
0x97: {  	s30 =	sadd.s32 $0x2580, s5;
	s31 =	sadd.s32 $0x50, s7  }
0x98: {  	[hbm4b:s31+s4] =	stream.linear.scatter [tilespmem:s30], [sflag:$0x2], $0x80, $0x38;
	[tilespmem:$0x12180] =	vst v63  }
0x99: {  	s16 =	sadd.s32 $0x2980, s5;
	s17 =	sadd.s32 $0x60, s7  }
0x9a: {  	[hbm4b:s17+s4] =	stream.linear.scatter [tilespmem:s16], [sflag:$0x2], $0x80, $0x38;
	[tilespmem:$0x12180] =	vst v63  }
0x9b: {  	s18 =	sadd.s32 $0x2D80, s5;
	s30 =	sadd.s32 $0x70, s7  }
0x9c: {  	[hbm4b:s30+s4] =	stream.linear.scatter [tilespmem:s18], [sflag:$0x2], $0x80, $0x38;
	[tilespmem:$0x12180] =	vst v63  }
0x9d: {  	s7 =	sadd.s32 s19, s10;
	s31 =	simm.s32 $0x1200  }
0x9e: {  	[hbm4b:s7+s4] =	stream.linear.scatter [tilespmem:s31], [sflag:$0x2], $0x80, $0x38;
	[tilespmem:$0x12180] =	vst v63  }
0x9f: {  	s8 =	simm.s32 $0x1600;
	s16 =	sadd.s32 $0x10, s7  }
0xa0: {  	[hbm4b:s16+s4] =	stream.linear.scatter [tilespmem:s8], [sflag:$0x2], $0x80, $0x38;
	[tilespmem:$0x12180] =	vst v63  }
0xa1: {  	s5 =	simm.s32 $0x2000;
	s17 =	simm.s32 $0x1A00;
	s18 =	sadd.s32 $0x20, s7  }
0xa2: {  	[hbm4b:s18+s4] =	stream.linear.scatter [tilespmem:s17], [sflag:$0x2], $0x80, $0x38;
	[tilespmem:$0x12180] =	vst v63  }
0xa3: {  	s30 =	simm.s32 $0x1E00;
	s31 =	sadd.s32 $0x30, s7;
	s8 =	simm.s32 $0x2200  }
0xa4: {  	[hbm4b:s31+s4] =	stream.linear.scatter [tilespmem:s30], [sflag:$0x2], $0x80, $0x38;
	[tilespmem:$0x12180] =	vst v63  }
0xa5: {  	s16 =	sadd.s32 $0x40, s7;
	s17 =	simm.s32 $0x2600;
	s18 =	sadd.s32 $0x50, s7  }
0xa6: {  	[hbm4b:s16+s4] =	stream.linear.scatter [tilespmem:s8], [sflag:$0x2], $0x80, $0x38;
	[tilespmem:$0x12180] =	vst v63  }
0xa7: {  	s30 =	simm.s32 $0x2A00;
	s31 =	sadd.s32 $0x60, s7;
	s8 =	simm.s32 $0x10000  }
0xa8: {  	[hbm4b:s18+s4] =	stream.linear.scatter [tilespmem:s17], [sflag:$0x2], $0x80, $0x38;
	[tilespmem:$0x12180] =	vst v63  }
0xa9: {  	s16 =	simm.s32 $0x2E00;
	s17 =	sadd.s32 $0x70, s7;
	s7 =	sadd.s32 $0x400, s7  }
0xaa: {  	[hbm4b:s31+s4] =	stream.linear.scatter [tilespmem:s30], [sflag:$0x2], $0x80, $0x38;
	[tilespmem:$0x12180] =	vst v63  }
.LBB2_7:
0xab: {  	[hbm4b:s17+s4] =	stream.linear.scatter [tilespmem:s16], [sflag:$0x2], $0x80, $0x38;
	[tilespmem:$0x12180] =	vst v63  }
0xac: {  	s16 =	smov.u32 s5;
	s5 =	smov.u32 s8  }
0xad: {  	s18 =	sadd.s32 $0x8000, s8;
	s5 =	sshra.s32 s5, $0x2;
	s17 =	sadd.s32 $0x1200, s16  }
0xae: {  	[hbm4b:s7+s4] =	stream.linear.scatter [tilespmem:s17], [sflag:$0x2], $0x80, $0x38;
	[tilespmem:$0x12180] =	vst v63  }
0xaf: {  	p0 =	sne.s32 s8, $0x18000;
	s8 =	sadd.s32 $0x1600, s16;
	s17 =	sadd.s32 $0x10, s7  }
0xb0: {  	[hbm4b:s17+s4] =	stream.linear.scatter [tilespmem:s8], [sflag:$0x2], $0x80, $0x38;
	[tilespmem:$0x12180] =	vst v63  }
0xb1: {  	s8 =	sadd.s32 $0x1A00, s16;
	s17 =	sadd.s32 $0x20, s7  }
0xb2: {  	[hbm4b:s17+s4] =	stream.linear.scatter [tilespmem:s8], [sflag:$0x2], $0x80, $0x38;
	[tilespmem:$0x12180] =	vst v63  }
0xb3: {  	s8 =	sadd.s32 $0x1E00, s16;
	s17 =	sadd.s32 $0x30, s7  }
0xb4: {  	[hbm4b:s17+s4] =	stream.linear.scatter [tilespmem:s8], [sflag:$0x2], $0x80, $0x38;
	[tilespmem:$0x12180] =	vst v63  }
0xb5: {  	s8 =	sadd.s32 $0x2200, s16;
	s17 =	sadd.s32 $0x40, s7  }
0xb6: {  	[hbm4b:s17+s4] =	stream.linear.scatter [tilespmem:s8], [sflag:$0x2], $0x80, $0x38;
	[tilespmem:$0x12180] =	vst v63  }
.Ltmp2:
0xb7: {  	s8 =	sadd.s32 $0x2600, s16;
	s17 =	sadd.s32 $0x50, s7;
	(pc) =	sbr.rel @p0 .LBB2_7-.Ltmp2, $4  }
0xb8: {  	[hbm4b:s17+s4] =	stream.linear.scatter [tilespmem:s8], [sflag:$0x2], $0x80, $0x38;
	[tilespmem:$0x12180] =	vst v63  }
0xb9: {  	s8 =	sadd.s32 $0x2A00, s16;
	s17 =	sadd.s32 $0x60, s7;
	s16 =	sadd.s32 $0x2E00, s16  }
0xba: {  	[hbm4b:s17+s4] =	stream.linear.scatter [tilespmem:s8], [sflag:$0x2], $0x80, $0x38;
	[tilespmem:$0x12180] =	vst v63  }
0xbb: {  	s17 =	sadd.s32 $0x70, s7;
	s7 =	sadd.s32 $0x400, s7;
	s8 =	smov.u32 s18  }
0xbc: {  	[hbm4b:s17+s4] =	stream.linear.scatter [tilespmem:s16], [sflag:$0x2], $0x80, $0x38;
	[tilespmem:$0x12180] =	vst v63  }
0xbd: {  	s8 =	sadd.s32 $0x1200, s5  }
0xbe: {  	[hbm4b:s7+s4] =	stream.linear.scatter [tilespmem:s8], [sflag:$0x2], $0x80, $0x38;
	[tilespmem:$0x12180] =	vst v63  }
0xbf: {  	s30 =	sadd.s32 $0x1600, s5;
	s31 =	sadd.s32 $0x10, s7  }
0xc0: {  	[hbm4b:s31+s4] =	stream.linear.scatter [tilespmem:s30], [sflag:$0x2], $0x80, $0x38;
	[tilespmem:$0x12180] =	vst v63  }
0xc1: {  	s17 =	sadd.s32 $0x1A00, s5;
	s18 =	sadd.s32 $0x20, s7  }
0xc2: {  	[hbm4b:s18+s4] =	stream.linear.scatter [tilespmem:s17], [sflag:$0x2], $0x80, $0x38;
	[tilespmem:$0x12180] =	vst v63  }
0xc3: {  	s30 =	sadd.s32 $0x1E00, s5;
	s31 =	sadd.s32 $0x30, s7  }
0xc4: {  	[hbm4b:s31+s4] =	stream.linear.scatter [tilespmem:s30], [sflag:$0x2], $0x80, $0x38;
	[tilespmem:$0x12180] =	vst v63  }
0xc5: {  	s17 =	sadd.s32 $0x2200, s5;
	s18 =	sadd.s32 $0x40, s7  }
0xc6: {  	[hbm4b:s18+s4] =	stream.linear.scatter [tilespmem:s17], [sflag:$0x2], $0x80, $0x38;
	[tilespmem:$0x12180] =	vst v63  }
0xc7: {  	s30 =	sadd.s32 $0x2600, s5;
	s31 =	sadd.s32 $0x50, s7  }
0xc8: {  	[hbm4b:s31+s4] =	stream.linear.scatter [tilespmem:s30], [sflag:$0x2], $0x80, $0x38;
	[tilespmem:$0x12180] =	vst v63  }
0xc9: {  	s16 =	sadd.s32 $0x2A00, s5;
	s17 =	sadd.s32 $0x60, s7  }
0xca: {  	[hbm4b:s17+s4] =	stream.linear.scatter [tilespmem:s16], [sflag:$0x2], $0x80, $0x38;
	[tilespmem:$0x12180] =	vst v63  }
0xcb: {  	s18 =	sadd.s32 $0x2E00, s5;
	s30 =	sadd.s32 $0x70, s7  }
0xcc: {  	[hbm4b:s30+s4] =	stream.linear.scatter [tilespmem:s18], [sflag:$0x2], $0x80, $0x38;
	[tilespmem:$0x12180] =	vst v63  }
0xcd: {  	s7 =	sadd.s32 s19, s11;
	s31 =	simm.s32 $0x1280  }
0xce: {  	[hbm4b:s7+s4] =	stream.linear.scatter [tilespmem:s31], [sflag:$0x2], $0x80, $0x38;
	[tilespmem:$0x12180] =	vst v63  }
0xcf: {  	s8 =	simm.s32 $0x1680;
	s16 =	sadd.s32 $0x10, s7  }
0xd0: {  	[hbm4b:s16+s4] =	stream.linear.scatter [tilespmem:s8], [sflag:$0x2], $0x80, $0x38;
	[tilespmem:$0x12180] =	vst v63  }
0xd1: {  	s5 =	simm.s32 $0x2000;
	s17 =	simm.s32 $0x1A80;
	s18 =	sadd.s32 $0x20, s7  }
0xd2: {  	[hbm4b:s18+s4] =	stream.linear.scatter [tilespmem:s17], [sflag:$0x2], $0x80, $0x38;
	[tilespmem:$0x12180] =	vst v63  }
0xd3: {  	s30 =	simm.s32 $0x1E80;
	s31 =	sadd.s32 $0x30, s7;
	s8 =	simm.s32 $0x2280  }
0xd4: {  	[hbm4b:s31+s4] =	stream.linear.scatter [tilespmem:s30], [sflag:$0x2], $0x80, $0x38;
	[tilespmem:$0x12180] =	vst v63  }
0xd5: {  	s16 =	sadd.s32 $0x40, s7;
	s17 =	simm.s32 $0x2680;
	s18 =	sadd.s32 $0x50, s7  }
0xd6: {  	[hbm4b:s16+s4] =	stream.linear.scatter [tilespmem:s8], [sflag:$0x2], $0x80, $0x38;
	[tilespmem:$0x12180] =	vst v63  }
0xd7: {  	s30 =	simm.s32 $0x2A80;
	s31 =	sadd.s32 $0x60, s7;
	s8 =	simm.s32 $0x10000  }
0xd8: {  	[hbm4b:s18+s4] =	stream.linear.scatter [tilespmem:s17], [sflag:$0x2], $0x80, $0x38;
	[tilespmem:$0x12180] =	vst v63  }
0xd9: {  	s16 =	simm.s32 $0x2E80;
	s17 =	sadd.s32 $0x70, s7;
	s7 =	sadd.s32 $0x400, s7  }
0xda: {  	[hbm4b:s31+s4] =	stream.linear.scatter [tilespmem:s30], [sflag:$0x2], $0x80, $0x38;
	[tilespmem:$0x12180] =	vst v63  }
.LBB2_9:
0xdb: {  	[hbm4b:s17+s4] =	stream.linear.scatter [tilespmem:s16], [sflag:$0x2], $0x80, $0x38;
	[tilespmem:$0x12180] =	vst v63  }
0xdc: {  	s16 =	smov.u32 s5;
	s5 =	smov.u32 s8  }
0xdd: {  	s18 =	sadd.s32 $0x8000, s8;
	s5 =	sshra.s32 s5, $0x2;
	s17 =	sadd.s32 $0x1280, s16  }
0xde: {  	[hbm4b:s7+s4] =	stream.linear.scatter [tilespmem:s17], [sflag:$0x2], $0x80, $0x38;
	[tilespmem:$0x12180] =	vst v63  }
0xdf: {  	p0 =	sne.s32 s8, $0x18000;
	s8 =	sadd.s32 $0x1680, s16;
	s17 =	sadd.s32 $0x10, s7  }
0xe0: {  	[hbm4b:s17+s4] =	stream.linear.scatter [tilespmem:s8], [sflag:$0x2], $0x80, $0x38;
	[tilespmem:$0x12180] =	vst v63  }
0xe1: {  	s8 =	sadd.s32 $0x1A80, s16;
	s17 =	sadd.s32 $0x20, s7  }
0xe2: {  	[hbm4b:s17+s4] =	stream.linear.scatter [tilespmem:s8], [sflag:$0x2], $0x80, $0x38;
	[tilespmem:$0x12180] =	vst v63  }
0xe3: {  	s8 =	sadd.s32 $0x1E80, s16;
	s17 =	sadd.s32 $0x30, s7  }
0xe4: {  	[hbm4b:s17+s4] =	stream.linear.scatter [tilespmem:s8], [sflag:$0x2], $0x80, $0x38;
	[tilespmem:$0x12180] =	vst v63  }
0xe5: {  	s8 =	sadd.s32 $0x2280, s16;
	s17 =	sadd.s32 $0x40, s7  }
0xe6: {  	[hbm4b:s17+s4] =	stream.linear.scatter [tilespmem:s8], [sflag:$0x2], $0x80, $0x38;
	[tilespmem:$0x12180] =	vst v63  }
.Ltmp3:
0xe7: {  	s8 =	sadd.s32 $0x2680, s16;
	s17 =	sadd.s32 $0x50, s7;
	(pc) =	sbr.rel @p0 .LBB2_9-.Ltmp3, $4  }
0xe8: {  	[hbm4b:s17+s4] =	stream.linear.scatter [tilespmem:s8], [sflag:$0x2], $0x80, $0x38;
	[tilespmem:$0x12180] =	vst v63  }
0xe9: {  	s8 =	sadd.s32 $0x2A80, s16;
	s17 =	sadd.s32 $0x60, s7;
	s16 =	sadd.s32 $0x2E80, s16  }
0xea: {  	[hbm4b:s17+s4] =	stream.linear.scatter [tilespmem:s8], [sflag:$0x2], $0x80, $0x38;
	[tilespmem:$0x12180] =	vst v63  }
0xeb: {  	s17 =	sadd.s32 $0x70, s7;
	s7 =	sadd.s32 $0x400, s7;
	s8 =	smov.u32 s18  }
0xec: {  	[hbm4b:s17+s4] =	stream.linear.scatter [tilespmem:s16], [sflag:$0x2], $0x80, $0x38;
	[tilespmem:$0x12180] =	vst v63  }
0xed: {  	s8 =	sadd.s32 $0x1280, s5  }
0xee: {  	[hbm4b:s7+s4] =	stream.linear.scatter [tilespmem:s8], [sflag:$0x2], $0x80, $0x38;
	[tilespmem:$0x12180] =	vst v63  }
0xef: {  	s30 =	sadd.s32 $0x1680, s5;
	s31 =	sadd.s32 $0x10, s7  }
0xf0: {  	[hbm4b:s31+s4] =	stream.linear.scatter [tilespmem:s30], [sflag:$0x2], $0x80, $0x38;
	[tilespmem:$0x12180] =	vst v63  }
0xf1: {  	s17 =	sadd.s32 $0x1A80, s5;
	s18 =	sadd.s32 $0x20, s7  }
0xf2: {  	[hbm4b:s18+s4] =	stream.linear.scatter [tilespmem:s17], [sflag:$0x2], $0x80, $0x38;
	[tilespmem:$0x12180] =	vst v63  }
0xf3: {  	s30 =	sadd.s32 $0x1E80, s5;
	s31 =	sadd.s32 $0x30, s7  }
0xf4: {  	[hbm4b:s31+s4] =	stream.linear.scatter [tilespmem:s30], [sflag:$0x2], $0x80, $0x38;
	[tilespmem:$0x12180] =	vst v63  }
0xf5: {  	s17 =	sadd.s32 $0x2280, s5;
	s18 =	sadd.s32 $0x40, s7  }
0xf6: {  	[hbm4b:s18+s4] =	stream.linear.scatter [tilespmem:s17], [sflag:$0x2], $0x80, $0x38;
	[tilespmem:$0x12180] =	vst v63  }
0xf7: {  	s30 =	sadd.s32 $0x2680, s5;
	s31 =	sadd.s32 $0x50, s7  }
0xf8: {  	[hbm4b:s31+s4] =	stream.linear.scatter [tilespmem:s30], [sflag:$0x2], $0x80, $0x38;
	[tilespmem:$0x12180] =	vst v63  }
0xf9: {  	s16 =	sadd.s32 $0x2A80, s5;
	s17 =	sadd.s32 $0x60, s7  }
0xfa: {  	[hbm4b:s17+s4] =	stream.linear.scatter [tilespmem:s16], [sflag:$0x2], $0x80, $0x38;
	[tilespmem:$0x12180] =	vst v63  }
0xfb: {  	s18 =	sadd.s32 $0x2E80, s5;
	s30 =	sadd.s32 $0x70, s7  }
0xfc: {  	[hbm4b:s30+s4] =	stream.linear.scatter [tilespmem:s18], [sflag:$0x2], $0x80, $0x38;
	[tilespmem:$0x12180] =	vst v63  }
0xfd: {  	s7 =	sadd.s32 s19, s12;
	s31 =	simm.s32 $0x1300  }
0xfe: {  	[hbm4b:s7+s4] =	stream.linear.scatter [tilespmem:s31], [sflag:$0x2], $0x80, $0x38;
	[tilespmem:$0x12180] =	vst v63  }
0xff: {  	s8 =	simm.s32 $0x1700;
	s16 =	sadd.s32 $0x10, s7  }
0x100: {  	[hbm4b:s16+s4] =	stream.linear.scatter [tilespmem:s8], [sflag:$0x2], $0x80, $0x38;
	[tilespmem:$0x12180] =	vst v63  }
0x101: {  	s5 =	simm.s32 $0x2000;
	s17 =	simm.s32 $0x1B00;
	s18 =	sadd.s32 $0x20, s7  }
0x102: {  	[hbm4b:s18+s4] =	stream.linear.scatter [tilespmem:s17], [sflag:$0x2], $0x80, $0x38;
	[tilespmem:$0x12180] =	vst v63  }
0x103: {  	s30 =	simm.s32 $0x1F00;
	s31 =	sadd.s32 $0x30, s7;
	s8 =	simm.s32 $0x2300  }
0x104: {  	[hbm4b:s31+s4] =	stream.linear.scatter [tilespmem:s30], [sflag:$0x2], $0x80, $0x38;
	[tilespmem:$0x12180] =	vst v63  }
0x105: {  	s16 =	sadd.s32 $0x40, s7;
	s17 =	simm.s32 $0x2700;
	s18 =	sadd.s32 $0x50, s7  }
0x106: {  	[hbm4b:s16+s4] =	stream.linear.scatter [tilespmem:s8], [sflag:$0x2], $0x80, $0x38;
	[tilespmem:$0x12180] =	vst v63  }
0x107: {  	s30 =	simm.s32 $0x2B00;
	s31 =	sadd.s32 $0x60, s7;
	s8 =	simm.s32 $0x10000  }
0x108: {  	[hbm4b:s18+s4] =	stream.linear.scatter [tilespmem:s17], [sflag:$0x2], $0x80, $0x38;
	[tilespmem:$0x12180] =	vst v63  }
0x109: {  	s16 =	simm.s32 $0x2F00;
	s17 =	sadd.s32 $0x70, s7;
	s7 =	sadd.s32 $0x400, s7  }
0x10a: {  	[hbm4b:s31+s4] =	stream.linear.scatter [tilespmem:s30], [sflag:$0x2], $0x80, $0x38;
	[tilespmem:$0x12180] =	vst v63  }
.LBB2_11:
0x10b: {  	[hbm4b:s17+s4] =	stream.linear.scatter [tilespmem:s16], [sflag:$0x2], $0x80, $0x38;
	[tilespmem:$0x12180] =	vst v63  }
0x10c: {  	s16 =	smov.u32 s5;
	s5 =	smov.u32 s8  }
0x10d: {  	s18 =	sadd.s32 $0x8000, s8;
	s5 =	sshra.s32 s5, $0x2;
	s17 =	sadd.s32 $0x1300, s16  }
0x10e: {  	[hbm4b:s7+s4] =	stream.linear.scatter [tilespmem:s17], [sflag:$0x2], $0x80, $0x38;
	[tilespmem:$0x12180] =	vst v63  }
0x10f: {  	p0 =	sne.s32 s8, $0x18000;
	s8 =	sadd.s32 $0x1700, s16;
	s17 =	sadd.s32 $0x10, s7  }
0x110: {  	[hbm4b:s17+s4] =	stream.linear.scatter [tilespmem:s8], [sflag:$0x2], $0x80, $0x38;
	[tilespmem:$0x12180] =	vst v63  }
0x111: {  	s8 =	sadd.s32 $0x1B00, s16;
	s17 =	sadd.s32 $0x20, s7  }
0x112: {  	[hbm4b:s17+s4] =	stream.linear.scatter [tilespmem:s8], [sflag:$0x2], $0x80, $0x38;
	[tilespmem:$0x12180] =	vst v63  }
0x113: {  	s8 =	sadd.s32 $0x1F00, s16;
	s17 =	sadd.s32 $0x30, s7  }
0x114: {  	[hbm4b:s17+s4] =	stream.linear.scatter [tilespmem:s8], [sflag:$0x2], $0x80, $0x38;
	[tilespmem:$0x12180] =	vst v63  }
0x115: {  	s8 =	sadd.s32 $0x2300, s16;
	s17 =	sadd.s32 $0x40, s7  }
0x116: {  	[hbm4b:s17+s4] =	stream.linear.scatter [tilespmem:s8], [sflag:$0x2], $0x80, $0x38;
	[tilespmem:$0x12180] =	vst v63  }
.Ltmp4:
0x117: {  	s8 =	sadd.s32 $0x2700, s16;
	s17 =	sadd.s32 $0x50, s7;
	(pc) =	sbr.rel @p0 .LBB2_11-.Ltmp4, $4  }
0x118: {  	[hbm4b:s17+s4] =	stream.linear.scatter [tilespmem:s8], [sflag:$0x2], $0x80, $0x38;
	[tilespmem:$0x12180] =	vst v63  }
0x119: {  	s8 =	sadd.s32 $0x2B00, s16;
	s17 =	sadd.s32 $0x60, s7;
	s16 =	sadd.s32 $0x2F00, s16  }
0x11a: {  	[hbm4b:s17+s4] =	stream.linear.scatter [tilespmem:s8], [sflag:$0x2], $0x80, $0x38;
	[tilespmem:$0x12180] =	vst v63  }
0x11b: {  	s17 =	sadd.s32 $0x70, s7;
	s7 =	sadd.s32 $0x400, s7;
	s8 =	smov.u32 s18  }
0x11c: {  	[hbm4b:s17+s4] =	stream.linear.scatter [tilespmem:s16], [sflag:$0x2], $0x80, $0x38;
	[tilespmem:$0x12180] =	vst v63  }
0x11d: {  	s8 =	sadd.s32 $0x1300, s5  }
0x11e: {  	[hbm4b:s7+s4] =	stream.linear.scatter [tilespmem:s8], [sflag:$0x2], $0x80, $0x38;
	[tilespmem:$0x12180] =	vst v63  }
0x11f: {  	s30 =	sadd.s32 $0x1700, s5;
	s31 =	sadd.s32 $0x10, s7  }
0x120: {  	[hbm4b:s31+s4] =	stream.linear.scatter [tilespmem:s30], [sflag:$0x2], $0x80, $0x38;
	[tilespmem:$0x12180] =	vst v63  }
0x121: {  	s17 =	sadd.s32 $0x1B00, s5;
	s18 =	sadd.s32 $0x20, s7  }
0x122: {  	[hbm4b:s18+s4] =	stream.linear.scatter [tilespmem:s17], [sflag:$0x2], $0x80, $0x38;
	[tilespmem:$0x12180] =	vst v63  }
0x123: {  	s30 =	sadd.s32 $0x1F00, s5;
	s31 =	sadd.s32 $0x30, s7  }
0x124: {  	[hbm4b:s31+s4] =	stream.linear.scatter [tilespmem:s30], [sflag:$0x2], $0x80, $0x38;
	[tilespmem:$0x12180] =	vst v63  }
0x125: {  	s17 =	sadd.s32 $0x2300, s5;
	s18 =	sadd.s32 $0x40, s7  }
0x126: {  	[hbm4b:s18+s4] =	stream.linear.scatter [tilespmem:s17], [sflag:$0x2], $0x80, $0x38;
	[tilespmem:$0x12180] =	vst v63  }
0x127: {  	s30 =	sadd.s32 $0x2700, s5;
	s31 =	sadd.s32 $0x50, s7  }
0x128: {  	[hbm4b:s31+s4] =	stream.linear.scatter [tilespmem:s30], [sflag:$0x2], $0x80, $0x38;
	[tilespmem:$0x12180] =	vst v63  }
0x129: {  	s16 =	sadd.s32 $0x2B00, s5;
	s17 =	sadd.s32 $0x60, s7  }
0x12a: {  	[hbm4b:s17+s4] =	stream.linear.scatter [tilespmem:s16], [sflag:$0x2], $0x80, $0x38;
	[tilespmem:$0x12180] =	vst v63  }
0x12b: {  	s18 =	sadd.s32 $0x2F00, s5;
	s30 =	sadd.s32 $0x70, s7  }
0x12c: {  	[hbm4b:s30+s4] =	stream.linear.scatter [tilespmem:s18], [sflag:$0x2], $0x80, $0x38;
	[tilespmem:$0x12180] =	vst v63  }
0x12d: {  	s7 =	sadd.s32 s19, s13;
	s31 =	simm.s32 $0x1380  }
0x12e: {  	[hbm4b:s7+s4] =	stream.linear.scatter [tilespmem:s31], [sflag:$0x2], $0x80, $0x38;
	[tilespmem:$0x12180] =	vst v63  }
0x12f: {  	s8 =	simm.s32 $0x1780;
	s16 =	sadd.s32 $0x10, s7  }
0x130: {  	[hbm4b:s16+s4] =	stream.linear.scatter [tilespmem:s8], [sflag:$0x2], $0x80, $0x38;
	[tilespmem:$0x12180] =	vst v63  }
0x131: {  	s5 =	simm.s32 $0x2000;
	s17 =	simm.s32 $0x1B80;
	s18 =	sadd.s32 $0x20, s7  }
0x132: {  	[hbm4b:s18+s4] =	stream.linear.scatter [tilespmem:s17], [sflag:$0x2], $0x80, $0x38;
	[tilespmem:$0x12180] =	vst v63  }
0x133: {  	s30 =	simm.s32 $0x1F80;
	s31 =	sadd.s32 $0x30, s7;
	s8 =	simm.s32 $0x2380  }
0x134: {  	[hbm4b:s31+s4] =	stream.linear.scatter [tilespmem:s30], [sflag:$0x2], $0x80, $0x38;
	[tilespmem:$0x12180] =	vst v63  }
0x135: {  	s16 =	sadd.s32 $0x40, s7;
	s17 =	simm.s32 $0x2780;
	s18 =	sadd.s32 $0x50, s7  }
0x136: {  	[hbm4b:s16+s4] =	stream.linear.scatter [tilespmem:s8], [sflag:$0x2], $0x80, $0x38;
	[tilespmem:$0x12180] =	vst v63  }
0x137: {  	s30 =	simm.s32 $0x2B80;
	s31 =	sadd.s32 $0x60, s7;
	s8 =	simm.s32 $0x10000  }
0x138: {  	[hbm4b:s18+s4] =	stream.linear.scatter [tilespmem:s17], [sflag:$0x2], $0x80, $0x38;
	[tilespmem:$0x12180] =	vst v63  }
0x139: {  	s16 =	simm.s32 $0x2F80;
	s17 =	sadd.s32 $0x70, s7;
	s7 =	sadd.s32 $0x400, s7  }
0x13a: {  	[hbm4b:s31+s4] =	stream.linear.scatter [tilespmem:s30], [sflag:$0x2], $0x80, $0x38;
	[tilespmem:$0x12180] =	vst v63  }
.LBB2_13:
0x13b: {  	[hbm4b:s17+s4] =	stream.linear.scatter [tilespmem:s16], [sflag:$0x2], $0x80, $0x38;
	[tilespmem:$0x12180] =	vst v63  }
0x13c: {  	s16 =	smov.u32 s5;
	s5 =	smov.u32 s8  }
0x13d: {  	s18 =	sadd.s32 $0x8000, s8;
	s5 =	sshra.s32 s5, $0x2;
	s17 =	sadd.s32 $0x1380, s16  }
0x13e: {  	[hbm4b:s7+s4] =	stream.linear.scatter [tilespmem:s17], [sflag:$0x2], $0x80, $0x38;
	[tilespmem:$0x12180] =	vst v63  }
0x13f: {  	p0 =	sne.s32 s8, $0x18000;
	s8 =	sadd.s32 $0x1780, s16;
	s17 =	sadd.s32 $0x10, s7  }
0x140: {  	[hbm4b:s17+s4] =	stream.linear.scatter [tilespmem:s8], [sflag:$0x2], $0x80, $0x38;
	[tilespmem:$0x12180] =	vst v63  }
0x141: {  	s8 =	sadd.s32 $0x1B80, s16;
	s17 =	sadd.s32 $0x20, s7  }
0x142: {  	[hbm4b:s17+s4] =	stream.linear.scatter [tilespmem:s8], [sflag:$0x2], $0x80, $0x38;
	[tilespmem:$0x12180] =	vst v63  }
0x143: {  	s8 =	sadd.s32 $0x1F80, s16;
	s17 =	sadd.s32 $0x30, s7  }
0x144: {  	[hbm4b:s17+s4] =	stream.linear.scatter [tilespmem:s8], [sflag:$0x2], $0x80, $0x38;
	[tilespmem:$0x12180] =	vst v63  }
0x145: {  	s8 =	sadd.s32 $0x2380, s16;
	s17 =	sadd.s32 $0x40, s7  }
0x146: {  	[hbm4b:s17+s4] =	stream.linear.scatter [tilespmem:s8], [sflag:$0x2], $0x80, $0x38;
	[tilespmem:$0x12180] =	vst v63  }
.Ltmp5:
0x147: {  	s8 =	sadd.s32 $0x2780, s16;
	s17 =	sadd.s32 $0x50, s7;
	(pc) =	sbr.rel @p0 .LBB2_13-.Ltmp5, $4  }
0x148: {  	[hbm4b:s17+s4] =	stream.linear.scatter [tilespmem:s8], [sflag:$0x2], $0x80, $0x38;
	[tilespmem:$0x12180] =	vst v63  }
0x149: {  	s8 =	sadd.s32 $0x2B80, s16;
	s17 =	sadd.s32 $0x60, s7;
	s16 =	sadd.s32 $0x2F80, s16  }
0x14a: {  	[hbm4b:s17+s4] =	stream.linear.scatter [tilespmem:s8], [sflag:$0x2], $0x80, $0x38;
	[tilespmem:$0x12180] =	vst v63  }
0x14b: {  	s17 =	sadd.s32 $0x70, s7;
	s7 =	sadd.s32 $0x400, s7;
	s8 =	smov.u32 s18  }
0x14c: {  	[hbm4b:s17+s4] =	stream.linear.scatter [tilespmem:s16], [sflag:$0x2], $0x80, $0x38;
	[tilespmem:$0x12180] =	vst v63  }
0x14d: {  	s8 =	sadd.s32 $0x1380, s5  }
0x14e: {  	[hbm4b:s7+s4] =	stream.linear.scatter [tilespmem:s8], [sflag:$0x2], $0x80, $0x38;
	[tilespmem:$0x12180] =	vst v63  }
0x14f: {  	s18 =	sadd.s32 $0x1780, s5;
	s31 =	sadd.s32 $0x10, s7  }
0x150: {  	[hbm4b:s31+s4] =	stream.linear.scatter [tilespmem:s18], [sflag:$0x2], $0x80, $0x38;
	[tilespmem:$0x12180] =	vst v63  }
0x151: {  	s16 =	sadd.s32 $0x1B80, s5;
	s17 =	sadd.s32 $0x20, s7  }
0x152: {  	[hbm4b:s17+s4] =	stream.linear.scatter [tilespmem:s16], [sflag:$0x2], $0x80, $0x38;
	[tilespmem:$0x12180] =	vst v63  }
0x153: {  	s18 =	sadd.s32 $0x1F80, s5;
	s31 =	sadd.s32 $0x30, s7  }
0x154: {  	[hbm4b:s31+s4] =	stream.linear.scatter [tilespmem:s18], [sflag:$0x2], $0x80, $0x38;
	[tilespmem:$0x12180] =	vst v63  }
0x155: {  	s16 =	sadd.s32 $0x2380, s5;
	s17 =	sadd.s32 $0x40, s7  }
0x156: {  	[hbm4b:s17+s4] =	stream.linear.scatter [tilespmem:s16], [sflag:$0x2], $0x80, $0x38;
	[tilespmem:$0x12180] =	vst v63  }
0x157: {  	s18 =	sadd.s32 $0x2780, s5;
	s31 =	sadd.s32 $0x50, s7  }
0x158: {  	[hbm4b:s31+s4] =	stream.linear.scatter [tilespmem:s18], [sflag:$0x2], $0x80, $0x38;
	[tilespmem:$0x12180] =	vst v63  }
0x159: {  	s16 =	sadd.s32 $0x2B80, s5;
	s17 =	sadd.s32 $0x60, s7  }
0x15a: {  	[hbm4b:s17+s4] =	stream.linear.scatter [tilespmem:s16], [sflag:$0x2], $0x80, $0x38;
	[tilespmem:$0x12180] =	vst v63  }
0x15b: {  	s18 =	sadd.s32 $0x2F80, s5;
	s31 =	sadd.s32 $0x70, s7  }
0x15c: {  	[hbm4b:s31+s4] =	stream.linear.scatter [tilespmem:s18], [sflag:$0x2], $0x80, $0x38;
	[tilespmem:$0x12180] =	vst v63  }
0x15d: {  	s30 =	simm.s32 $0x0;
	s8 =	simm.s32 $0x1400;
	s7 =	sadd.s32 s19, s14  }
0x15e: {  	[hbm4b:s7+s30] =	stream.linear.scatter [tilespmem:s8], [sflag:$0x2], $0x80, $0x38;
	[tilespmem:$0x12180] =	vst v63  }
0x15f: {  	s16 =	simm.s32 $0x1800;
	s17 =	sadd.s32 $0x10, s7  }
0x160: {  	[hbm4b:s17+s30] =	stream.linear.scatter [tilespmem:s16], [sflag:$0x2], $0x80, $0x38;
	[tilespmem:$0x12180] =	vst v63  }
0x161: {  	s5 =	simm.s32 $0x2000;
	s18 =	simm.s32 $0x1C00;
	s31 =	sadd.s32 $0x20, s7  }
0x162: {  	[hbm4b:s31+s30] =	stream.linear.scatter [tilespmem:s18], [sflag:$0x2], $0x80, $0x38;
	[tilespmem:$0x12180] =	vst v63  }
0x163: {  	s8 =	simm.s32 $0x10000;
	s16 =	simm.s32 $0x2000;
	s17 =	sadd.s32 $0x30, s7  }
0x164: {  	[hbm4b:s17+s30] =	stream.linear.scatter [tilespmem:s16], [sflag:$0x2], $0x80, $0x38;
	[tilespmem:$0x12180] =	vst v63  }
0x165: {  	s18 =	simm.s32 $0x2400;
	s31 =	sadd.s32 $0x40, s7;
	s16 =	simm.s32 $0x2800  }
0x166: {  	[hbm4b:s31+s30] =	stream.linear.scatter [tilespmem:s18], [sflag:$0x2], $0x80, $0x38;
	[tilespmem:$0x12180] =	vst v63  }
0x167: {  	s17 =	sadd.s32 $0x50, s7;
	s18 =	simm.s32 $0x2C00;
	s31 =	sadd.s32 $0x60, s7  }
0x168: {  	[hbm4b:s17+s30] =	stream.linear.scatter [tilespmem:s16], [sflag:$0x2], $0x80, $0x38;
	[tilespmem:$0x12180] =	vst v63  }
0x169: {  	s16 =	simm.s32 $0x3000;
	s17 =	sadd.s32 $0x70, s7;
	s7 =	sadd.s32 $0x400, s7  }
0x16a: {  	[hbm4b:s31+s30] =	stream.linear.scatter [tilespmem:s18], [sflag:$0x2], $0x80, $0x38;
	[tilespmem:$0x12180] =	vst v63  }
.LBB2_15:
0x16b: {  	[hbm4b:s17+s30] =	stream.linear.scatter [tilespmem:s16], [sflag:$0x2], $0x80, $0x38;
	[tilespmem:$0x12180] =	vst v63  }
0x16c: {  	s16 =	smov.u32 s5;
	s5 =	smov.u32 s8  }
0x16d: {  	s18 =	sadd.s32 $0x8000, s8;
	s5 =	sshra.s32 s5, $0x2;
	s17 =	sadd.s32 $0x1400, s16  }
0x16e: {  	[hbm4b:s7+s30] =	stream.linear.scatter [tilespmem:s17], [sflag:$0x2], $0x80, $0x38;
	[tilespmem:$0x12180] =	vst v63  }
0x16f: {  	p0 =	sne.s32 s8, $0x18000;
	s8 =	sadd.s32 $0x1800, s16;
	s17 =	sadd.s32 $0x10, s7  }
0x170: {  	[hbm4b:s17+s30] =	stream.linear.scatter [tilespmem:s8], [sflag:$0x2], $0x80, $0x38;
	[tilespmem:$0x12180] =	vst v63  }
0x171: {  	s8 =	sadd.s32 $0x1C00, s16;
	s17 =	sadd.s32 $0x20, s7  }
0x172: {  	[hbm4b:s17+s30] =	stream.linear.scatter [tilespmem:s8], [sflag:$0x2], $0x80, $0x38;
	[tilespmem:$0x12180] =	vst v63  }
0x173: {  	s8 =	sadd.s32 $0x2000, s16;
	s17 =	sadd.s32 $0x30, s7  }
0x174: {  	[hbm4b:s17+s30] =	stream.linear.scatter [tilespmem:s8], [sflag:$0x2], $0x80, $0x38;
	[tilespmem:$0x12180] =	vst v63  }
0x175: {  	s8 =	sadd.s32 $0x2400, s16;
	s17 =	sadd.s32 $0x40, s7  }
0x176: {  	[hbm4b:s17+s30] =	stream.linear.scatter [tilespmem:s8], [sflag:$0x2], $0x80, $0x38;
	[tilespmem:$0x12180] =	vst v63  }
.Ltmp6:
0x177: {  	s8 =	sadd.s32 $0x2800, s16;
	s17 =	sadd.s32 $0x50, s7;
	(pc) =	sbr.rel @p0 .LBB2_15-.Ltmp6, $4  }
0x178: {  	[hbm4b:s17+s30] =	stream.linear.scatter [tilespmem:s8], [sflag:$0x2], $0x80, $0x38;
	[tilespmem:$0x12180] =	vst v63  }
0x179: {  	s8 =	sadd.s32 $0x2C00, s16;
	s17 =	sadd.s32 $0x60, s7;
	s16 =	sadd.s32 $0x3000, s16  }
0x17a: {  	[hbm4b:s17+s30] =	stream.linear.scatter [tilespmem:s8], [sflag:$0x2], $0x80, $0x38;
	[tilespmem:$0x12180] =	vst v63  }
0x17b: {  	s17 =	sadd.s32 $0x70, s7;
	s7 =	sadd.s32 $0x400, s7;
	s8 =	smov.u32 s18  }
0x17c: {  	[hbm4b:s17+s30] =	stream.linear.scatter [tilespmem:s16], [sflag:$0x2], $0x80, $0x38;
	[tilespmem:$0x12180] =	vst v63  }
0x17d: {  	s8 =	sadd.s32 $0x1400, s5  }
0x17e: {  	[hbm4b:s7+s30] =	stream.linear.scatter [tilespmem:s8], [sflag:$0x2], $0x80, $0x38;
	[tilespmem:$0x12180] =	vst v63  }
0x17f: {  	s16 =	sadd.s32 $0x1800, s5;
	s17 =	sadd.s32 $0x10, s7  }
0x180: {  	[hbm4b:s17+s30] =	stream.linear.scatter [tilespmem:s16], [sflag:$0x2], $0x80, $0x38;
	[tilespmem:$0x12180] =	vst v63  }
0x181: {  	s18 =	sadd.s32 $0x1C00, s5;
	s31 =	sadd.s32 $0x20, s7  }
0x182: {  	[hbm4b:s31+s30] =	stream.linear.scatter [tilespmem:s18], [sflag:$0x2], $0x80, $0x38;
	[tilespmem:$0x12180] =	vst v63  }
0x183: {  	s16 =	sadd.s32 $0x2000, s5;
	s17 =	sadd.s32 $0x30, s7  }
0x184: {  	[hbm4b:s17+s30] =	stream.linear.scatter [tilespmem:s16], [sflag:$0x2], $0x80, $0x38;
	[tilespmem:$0x12180] =	vst v63  }
0x185: {  	s18 =	sadd.s32 $0x2400, s5;
	s31 =	sadd.s32 $0x40, s7  }
0x186: {  	[hbm4b:s31+s30] =	stream.linear.scatter [tilespmem:s18], [sflag:$0x2], $0x80, $0x38;
	[tilespmem:$0x12180] =	vst v63  }
0x187: {  	s16 =	sadd.s32 $0x2800, s5;
	s17 =	sadd.s32 $0x50, s7  }
0x188: {  	[hbm4b:s17+s30] =	stream.linear.scatter [tilespmem:s16], [sflag:$0x2], $0x80, $0x38;
	[tilespmem:$0x12180] =	vst v63  }
0x189: {  	s18 =	sadd.s32 $0x2C00, s5;
	s31 =	sadd.s32 $0x60, s7  }
0x18a: {  	[hbm4b:s31+s30] =	stream.linear.scatter [tilespmem:s18], [sflag:$0x2], $0x80, $0x38;
	[tilespmem:$0x12180] =	vst v63  }
0x18b: {  	s16 =	sadd.s32 $0x3000, s5;
	s17 =	sadd.s32 $0x70, s7;
	s18 =	simm.s32 $0x14E0  }
0x18c: {  	[hbm4b:s17+s30] =	stream.linear.scatter [tilespmem:s16], [sflag:$0x2], $0x80, $0x38;
	[tilespmem:$0x12180] =	vst v63  }
0x18d: {  	v5 =	vld [tilespmem:s18+$0xFFFFFFA0];
	_ =	sdelay $0x3  }
0x18e: {  	s5 =	simm.s32 $0x11130  }
0x18f: {  	[tilespmem:s5+$0xFFFFFFD0] =	vst v5  }
0x190: {  	v5 =	vld [tilespmem:s18+$0xFFFFFFB0];
	_ =	sdelay $0x4  }
0x191: {  	[tilespmem:s5+$0xFFFFFFE0] =	vst v5  }
0x192: {  	v5 =	vld [tilespmem:s18+$0xFFFFFFC0];
	_ =	sdelay $0x4  }
0x193: {  	[tilespmem:s5+$0xFFFFFFF0] =	vst v5  }
0x194: {  	v5 =	vld [tilespmem:s18+$0xFFFFFFD0];
	_ =	sdelay $0x4  }
0x195: {  	[tilespmem:s5+$0x0] =	vst v5  }
0x196: {  	v5 =	vld [tilespmem:s18+$0xFFFFFFE0];
	_ =	sdelay $0x4  }
0x197: {  	[tilespmem:s5+$0x10] =	vst v5  }
0x198: {  	v5 =	vld [tilespmem:s18+$0xFFFFFFF0];
	_ =	sdelay $0x4  }
0x199: {  	s31 =	simm.s32 $0x0;
	[tilespmem:s5+$0x20] =	vst v5  }
0x19a: {  	v6 =	vor.u32 s31, v2;
	v5 =	vld [tilespmem:s18+$0x0];
	_ =	sdelay $0x4  }
0x19b: {  	s30 =	simm.s32 $0x18E0;
	[tilespmem:v6+s25+$0x0] =	vst.idx.msk $0xff, v5  }
0x19c: {  	s8 =	simm.s32 $0x2;
	s7 =	simm.s32 $0x1;
	v5 =	vld [tilespmem:s30+$0xFFFFFFA0]  }
.LBB2_17:
0x19d: {  	p0 =	sne.s32 s8, $0x1F;
	_ =	sdelay $0x2  }
0x19e: {  	s5 =	sadd.s32 $0x80, s5  }
0x19f: {  	[tilespmem:s5+$0xFFFFFFD0] =	vst v5  }
0x1a0: {  	v5 =	vld [tilespmem:s30+$0xFFFFFFB0];
	_ =	sdelay $0x4  }
0x1a1: {  	[tilespmem:s5+$0xFFFFFFE0] =	vst v5  }
0x1a2: {  	v5 =	vld [tilespmem:s30+$0xFFFFFFC0];
	_ =	sdelay $0x4  }
0x1a3: {  	[tilespmem:s5+$0xFFFFFFF0] =	vst v5  }
0x1a4: {  	v5 =	vld [tilespmem:s30+$0xFFFFFFD0];
	_ =	sdelay $0x4  }
0x1a5: {  	[tilespmem:s5+$0x0] =	vst v5  }
0x1a6: {  	v5 =	vld [tilespmem:s30+$0xFFFFFFE0];
	_ =	sdelay $0x4  }
0x1a7: {  	[tilespmem:s5+$0x10] =	vst v5  }
0x1a8: {  	v5 =	vld [tilespmem:s30+$0xFFFFFFF0];
	_ =	sdelay $0x4  }
0x1a9: {  	s16 =	sshll.u32 s7, $0x7;
	s7 =	smov.u32 s8;
	[tilespmem:s5+$0x20] =	vst v5  }
0x1aa: {  	v6 =	vor.u32 s16, v2;
	v5 =	vld [tilespmem:s30+$0x0];
	_ =	sdelay $0x1  }
.Ltmp7:
0x1ab: {  	(pc) =	sbr.rel @p0 .LBB2_17-.Ltmp7, $3  }
0x1ac: {  	_ =	sdelay $0x1  }
0x1ad: {  	s30 =	sadd.s32 $0x400, s30;
	[tilespmem:v6+s25+$0x0] =	vst.idx.msk $0xff, v5  }
0x1ae: {  	s8 =	sadd.s32 $0x1, s8;
	v5 =	vld [tilespmem:s30+$0xFFFFFFA0]  }
0x1af: {  	_ =	sdelay $0x2  }
0x1b0: {  	s5 =	sadd.s32 $0x80, s5  }
0x1b1: {  	[tilespmem:s5+$0xFFFFFFD0] =	vst v5  }
0x1b2: {  	v5 =	vld [tilespmem:s30+$0xFFFFFFB0];
	_ =	sdelay $0x4  }
0x1b3: {  	[tilespmem:s5+$0xFFFFFFE0] =	vst v5  }
0x1b4: {  	v5 =	vld [tilespmem:s30+$0xFFFFFFC0];
	_ =	sdelay $0x4  }
0x1b5: {  	[tilespmem:s5+$0xFFFFFFF0] =	vst v5  }
0x1b6: {  	v5 =	vld [tilespmem:s30+$0xFFFFFFD0];
	_ =	sdelay $0x4  }
0x1b7: {  	[tilespmem:s5+$0x0] =	vst v5  }
0x1b8: {  	v5 =	vld [tilespmem:s30+$0xFFFFFFE0];
	_ =	sdelay $0x4  }
0x1b9: {  	[tilespmem:s5+$0x10] =	vst v5  }
0x1ba: {  	v5 =	vld [tilespmem:s30+$0xFFFFFFF0];
	_ =	sdelay $0x4  }
0x1bb: {  	s18 =	sshll.u32 s7, $0x7;
	[tilespmem:s5+$0x20] =	vst v5  }
0x1bc: {  	v6 =	vor.u32 s18, v2;
	v5 =	vld [tilespmem:s30+$0x0];
	_ =	sdelay $0x4  }
0x1bd: {  	s19 =	sadd.s32 s19, s15;
	[tilespmem:v6+s25+$0x0] =	vst.idx.msk $0xff, v5  }
0x1be: {  	[hbm4b:s19+s26] =	stream.strided.scatter [tilespmem:s25], [sflag:$0x2], $0x1000, s28, s26, $0x38;
	[tilespmem:$0x12180] =	vst v63  }
0x1bf: {  	v5 =	vld [tilespmem:s0+$0x680];
	_ =	sdelay $0x4  }
0x1c0: {  	v6 =	vshra.s32 v5, $0x1F  }
0x1c1: {  	v6 =	vshrl.u32 v6, $0x19  }
0x1c2: {  	v6 =	vadd.s32 v6, v5  }
0x1c3: {  	v6 =	vshra.s32 v6, $0x7  }
0x1c4: {  	v7 =	vshll.u32 v6, $0x7  }
0x1c5: {  	vm0 =	vlt.s32 v5, $0x1;
	vm1 =	vne.s32 v5, v7  }
0x1c6: {  	vm0 =	vmand vm0, vm1  }
0x1c7: {  	v7 =	vld [tilespmem:s0+$0x0];
	v8 =	vsel vm0, $0xFFFFFFFF, v3  }
0x1c8: {  	v6 =	vadd.s32 v8, v6  }
0x1c9: {  	v5 =	vand.u32 $0x7F, v5;
	v6 =	vshll.u32 v6, $0x7  }
0x1ca: {  	v5 =	vor.u32 v5, v6  }
0x1cb: {  	v5 =	vadd.s32 v0, v5;
	_ =	sdelay $0x3  }
0x1cc: {  	v6 =	vld.idx.msk [tilespmem:v7+s20+$0x0], $0xffff  }
0x1cd: {  	v5 =	vld.idx.msk [tilespmem:v5+s22+$0x0], $0xffff;
	_ =	sdelay $0x1  }
0x1ce: {  	v7 =	vld [tilespmem:$0x12100];
	_ =	sdelay $0x2  }
0x1cf: {  	v5 =	vsub.f32 v6, v5;
	_ =	sdelay $0x1  }
0x1d0: {  	v5 =	vadd.f32 v5, v7;
	_ =	sdelay $0x1  }
0x1d1: {  	[tilespmem:$0x12100] =	vst v5  }
0x1d2: {  	v6 =	vld [tilespmem:s0+$0x690];
	_ =	sdelay $0x4  }
0x1d3: {  	v7 =	vshra.s32 v6, $0x1F  }
0x1d4: {  	v7 =	vshrl.u32 v7, $0x19  }
0x1d5: {  	v7 =	vadd.s32 v7, v6  }
0x1d6: {  	v62 =	vand.u32 $0xFFFFFF80, v7  }
0x1d7: {  	vm14 =	vlt.s32 v6, $0x1;
	vm15 =	vne.s32 v6, v62  }
0x1d8: {  	s31 =	sor.u32 $0x10, s0;
	vm0 =	vmand vm14, vm15  }
0x1d9: {  	v63 =	vld [tilespmem:s31+$0x0];
	v7 =	vshrl.u32 v7, $0x7;
	v9 =	vsel vm0, $0xFFFFFFFF, v3  }
0x1da: {  	v7 =	vadd.s32 v9, v7  }
0x1db: {  	v6 =	vand.u32 $0x7F, v6;
	v7 =	vshll.u32 v7, $0x7  }
0x1dc: {  	v6 =	vor.u32 v6, v7  }
0x1dd: {  	v6 =	vadd.s32 v4, v6;
	_ =	sdelay $0x3  }
0x1de: {  	v7 =	vld.idx.msk [tilespmem:v63+s20+$0x0], $0xffff  }
0x1df: {  	v6 =	vld.idx.msk [tilespmem:v6+s22+$0x0], $0xffff;
	_ =	sdelay $0x4  }
0x1e0: {  	v6 =	vsub.f32 v7, v6;
	_ =	sdelay $0x1  }
0x1e1: {  	v5 =	vadd.f32 v6, v5;
	_ =	sdelay $0x1  }
0x1e2: {  	[tilespmem:$0x12100] =	vst v5  }
0x1e3: {  	_ =	swait.ge [sflag:s23], $0x8000  }
0x1e4: {  	[sflag:s23] =	ssyncset.done $0x0  }
0x1e5: {  	[sflag:s23] =	ssyncadd.s32 $0xFFFF8000  }
0x1e6: {  	_ =	swait.ge [sflag:s29], $0x1000  }
0x1e7: {  	[sflag:s29] =	ssyncset.done $0x0  }
0x1e8: {  	[sflag:s29] =	ssyncadd.s32 $0xFFFFF000  }
0x1e9: {  	_ =	swait.ge [sflag:s29], $0x1000  }
0x1ea: {  	[sflag:s29] =	ssyncset.done $0x0  }
0x1eb: {  	[sflag:s29] =	ssyncadd.s32 $0xFFFFF000  }
0x1ec: {  	_ =	swait.ge [sflag:s29], $0x1000  }
0x1ed: {  	[sflag:s29] =	ssyncset.done $0x0  }
0x1ee: {  	[sflag:s29] =	ssyncadd.s32 $0xFFFFF000  }
0x1ef: {  	_ =	swait.ge [sflag:s29], $0x1000  }
0x1f0: {  	[sflag:s29] =	ssyncset.done $0x0  }
0x1f1: {  	[sflag:s29] =	ssyncadd.s32 $0xFFFFF000  }
0x1f2: {  	_ =	swait.ge [sflag:s29], $0x1000  }
0x1f3: {  	[sflag:s29] =	ssyncset.done $0x0  }
0x1f4: {  	[sflag:s29] =	ssyncadd.s32 $0xFFFFF000  }
0x1f5: {  	_ =	swait.ge [sflag:s29], $0x1000  }
0x1f6: {  	[sflag:s29] =	ssyncset.done $0x0  }
0x1f7: {  	[sflag:s29] =	ssyncadd.s32 $0xFFFFF000  }
0x1f8: {  	_ =	swait.ge [sflag:s29], $0x1000  }
0x1f9: {  	[sflag:s29] =	ssyncset.done $0x0  }
0x1fa: {  	p0 =	seq.s32 s1, $0x18;
	[sflag:s29] =	ssyncadd.s32 $0xFFFFF000  }
0x1fb: {  	s8 =	simm.s32 @!p0 $0x1100;
	s19 =	sor.u32 $0x20, s0;
	_ =	swait.ge [sflag:s29], $0x1000  }
0x1fc: {  	s5 =	sadd.s32 @!p0 $0x40, s0;
	s7 =	sadd.s32 s3, s19;
	[sflag:s29] =	ssyncset.done $0x0  }
0x1fd: {  	s30 =	sshll.u32 s7, $0x7;
	s7 =	simm.s32 @!p0 $0x20;
	[sflag:s29] =	ssyncadd.s32 $0xFFFFF000  }
0x1fe: {  	[tilespmem:s8], [sflag:$0x1] =	stream.indirect.gather @!p0 [hbm4b:s2+s7], $0x400, s5, s7, $0xb8;
	[tilespmem:$0x12180] =	vst v63  }
0x1ff: {  	s7 =	sadd.s32 s6, s30;
	s8 =	simm.s32 $0x9100  }
0x200: {  	[hbm4b:s7+s4] =	stream.linear.scatter [tilespmem:s8], [sflag:$0x2], $0x80, $0x38;
	[tilespmem:$0x12180] =	vst v63  }
0x201: {  	s16 =	simm.s32 $0x9500;
	s17 =	sadd.s32 $0x10, s7  }
0x202: {  	[hbm4b:s17+s4] =	stream.linear.scatter [tilespmem:s16], [sflag:$0x2], $0x80, $0x38;
	[tilespmem:$0x12180] =	vst v63  }
0x203: {  	s18 =	simm.s32 $0x9900;
	s5 =	simm.s32 $0x2000;
	s31 =	sadd.s32 $0x20, s7  }
0x204: {  	[hbm4b:s31+s4] =	stream.linear.scatter [tilespmem:s18], [sflag:$0x2], $0x80, $0x38;
	[tilespmem:$0x12180] =	vst v63  }
0x205: {  	s8 =	simm.s32 $0x10000;
	s16 =	simm.s32 $0x9D00;
	s17 =	sadd.s32 $0x30, s7  }
0x206: {  	[hbm4b:s17+s4] =	stream.linear.scatter [tilespmem:s16], [sflag:$0x2], $0x80, $0x38;
	[tilespmem:$0x12180] =	vst v63  }
0x207: {  	s18 =	simm.s32 $0xA100;
	s31 =	sadd.s32 $0x40, s7;
	s16 =	simm.s32 $0xA500  }
0x208: {  	[hbm4b:s31+s4] =	stream.linear.scatter [tilespmem:s18], [sflag:$0x2], $0x80, $0x38;
	[tilespmem:$0x12180] =	vst v63  }
0x209: {  	s17 =	sadd.s32 $0x50, s7;
	s18 =	simm.s32 $0xA900;
	s31 =	sadd.s32 $0x60, s7  }
0x20a: {  	[hbm4b:s17+s4] =	stream.linear.scatter [tilespmem:s16], [sflag:$0x2], $0x80, $0x38;
	[tilespmem:$0x12180] =	vst v63  }
0x20b: {  	s16 =	simm.s32 $0xAD00;
	s17 =	sadd.s32 $0x70, s7;
	s7 =	sadd.s32 $0x400, s7  }
0x20c: {  	[hbm4b:s31+s4] =	stream.linear.scatter [tilespmem:s18], [sflag:$0x2], $0x80, $0x38;
	[tilespmem:$0x12180] =	vst v63  }
.LBB2_19:
0x20d: {  	[hbm4b:s17+s4] =	stream.linear.scatter [tilespmem:s16], [sflag:$0x2], $0x80, $0x38;
	[tilespmem:$0x12180] =	vst v63  }
0x20e: {  	s16 =	smov.u32 s5;
	s5 =	smov.u32 s8  }
0x20f: {  	s18 =	sadd.s32 $0x8000, s8;
	s5 =	sshra.s32 s5, $0x2;
	s17 =	sadd.s32 $0x9100, s16  }
0x210: {  	[hbm4b:s7+s4] =	stream.linear.scatter [tilespmem:s17], [sflag:$0x2], $0x80, $0x38;
	[tilespmem:$0x12180] =	vst v63  }
0x211: {  	p0 =	sne.s32 s8, $0x18000;
	s8 =	sadd.s32 $0x9500, s16;
	s17 =	sadd.s32 $0x10, s7  }
0x212: {  	[hbm4b:s17+s4] =	stream.linear.scatter [tilespmem:s8], [sflag:$0x2], $0x80, $0x38;
	[tilespmem:$0x12180] =	vst v63  }
0x213: {  	s8 =	sadd.s32 $0x9900, s16;
	s17 =	sadd.s32 $0x20, s7  }
0x214: {  	[hbm4b:s17+s4] =	stream.linear.scatter [tilespmem:s8], [sflag:$0x2], $0x80, $0x38;
	[tilespmem:$0x12180] =	vst v63  }
0x215: {  	s8 =	sadd.s32 $0x9D00, s16;
	s17 =	sadd.s32 $0x30, s7  }
0x216: {  	[hbm4b:s17+s4] =	stream.linear.scatter [tilespmem:s8], [sflag:$0x2], $0x80, $0x38;
	[tilespmem:$0x12180] =	vst v63  }
0x217: {  	s8 =	sadd.s32 $0xA100, s16;
	s17 =	sadd.s32 $0x40, s7  }
0x218: {  	[hbm4b:s17+s4] =	stream.linear.scatter [tilespmem:s8], [sflag:$0x2], $0x80, $0x38;
	[tilespmem:$0x12180] =	vst v63  }
.Ltmp8:
0x219: {  	s8 =	sadd.s32 $0xA500, s16;
	s17 =	sadd.s32 $0x50, s7;
	(pc) =	sbr.rel @p0 .LBB2_19-.Ltmp8, $4  }
0x21a: {  	[hbm4b:s17+s4] =	stream.linear.scatter [tilespmem:s8], [sflag:$0x2], $0x80, $0x38;
	[tilespmem:$0x12180] =	vst v63  }
0x21b: {  	s8 =	sadd.s32 $0xA900, s16;
	s17 =	sadd.s32 $0x60, s7;
	s16 =	sadd.s32 $0xAD00, s16  }
0x21c: {  	[hbm4b:s17+s4] =	stream.linear.scatter [tilespmem:s8], [sflag:$0x2], $0x80, $0x38;
	[tilespmem:$0x12180] =	vst v63  }
0x21d: {  	s17 =	sadd.s32 $0x70, s7;
	s7 =	sadd.s32 $0x400, s7;
	s8 =	smov.u32 s18  }
0x21e: {  	[hbm4b:s17+s4] =	stream.linear.scatter [tilespmem:s16], [sflag:$0x2], $0x80, $0x38;
	[tilespmem:$0x12180] =	vst v63  }
0x21f: {  	s8 =	sadd.s32 $0x9100, s5  }
0x220: {  	[hbm4b:s7+s4] =	stream.linear.scatter [tilespmem:s8], [sflag:$0x2], $0x80, $0x38;
	[tilespmem:$0x12180] =	vst v63  }
0x221: {  	s18 =	sadd.s32 $0x9500, s5;
	s31 =	sadd.s32 $0x10, s7  }
0x222: {  	[hbm4b:s31+s4] =	stream.linear.scatter [tilespmem:s18], [sflag:$0x2], $0x80, $0x38;
	[tilespmem:$0x12180] =	vst v63  }
0x223: {  	s16 =	sadd.s32 $0x9900, s5;
	s17 =	sadd.s32 $0x20, s7  }
0x224: {  	[hbm4b:s17+s4] =	stream.linear.scatter [tilespmem:s16], [sflag:$0x2], $0x80, $0x38;
	[tilespmem:$0x12180] =	vst v63  }
0x225: {  	s18 =	sadd.s32 $0x9D00, s5;
	s31 =	sadd.s32 $0x30, s7  }
0x226: {  	[hbm4b:s31+s4] =	stream.linear.scatter [tilespmem:s18], [sflag:$0x2], $0x80, $0x38;
	[tilespmem:$0x12180] =	vst v63  }
0x227: {  	s16 =	sadd.s32 $0xA100, s5;
	s17 =	sadd.s32 $0x40, s7  }
0x228: {  	[hbm4b:s17+s4] =	stream.linear.scatter [tilespmem:s16], [sflag:$0x2], $0x80, $0x38;
	[tilespmem:$0x12180] =	vst v63  }
0x229: {  	s18 =	sadd.s32 $0xA500, s5;
	s31 =	sadd.s32 $0x50, s7  }
0x22a: {  	[hbm4b:s31+s4] =	stream.linear.scatter [tilespmem:s18], [sflag:$0x2], $0x80, $0x38;
	[tilespmem:$0x12180] =	vst v63  }
0x22b: {  	s16 =	sadd.s32 $0xA900, s5;
	s17 =	sadd.s32 $0x60, s7  }
0x22c: {  	[hbm4b:s17+s4] =	stream.linear.scatter [tilespmem:s16], [sflag:$0x2], $0x80, $0x38;
	[tilespmem:$0x12180] =	vst v63  }
0x22d: {  	s18 =	sadd.s32 $0xAD00, s5;
	s31 =	sadd.s32 $0x70, s7  }
0x22e: {  	[hbm4b:s31+s4] =	stream.linear.scatter [tilespmem:s18], [sflag:$0x2], $0x80, $0x38;
	[tilespmem:$0x12180] =	vst v63  }
0x22f: {  	s8 =	simm.s32 $0x9180;
	s7 =	sadd.s32 s30, s9  }
0x230: {  	[hbm4b:s7+s4] =	stream.linear.scatter [tilespmem:s8], [sflag:$0x2], $0x80, $0x38;
	[tilespmem:$0x12180] =	vst v63  }
0x231: {  	s16 =	simm.s32 $0x9580;
	s17 =	sadd.s32 $0x10, s7  }
0x232: {  	[hbm4b:s17+s4] =	stream.linear.scatter [tilespmem:s16], [sflag:$0x2], $0x80, $0x38;
	[tilespmem:$0x12180] =	vst v63  }
0x233: {  	s5 =	simm.s32 $0x2000;
	s18 =	simm.s32 $0x9980;
	s31 =	sadd.s32 $0x20, s7  }
0x234: {  	[hbm4b:s31+s4] =	stream.linear.scatter [tilespmem:s18], [sflag:$0x2], $0x80, $0x38;
	[tilespmem:$0x12180] =	vst v63  }
0x235: {  	s8 =	simm.s32 $0x10000;
	s16 =	simm.s32 $0x9D80;
	s17 =	sadd.s32 $0x30, s7  }
0x236: {  	[hbm4b:s17+s4] =	stream.linear.scatter [tilespmem:s16], [sflag:$0x2], $0x80, $0x38;
	[tilespmem:$0x12180] =	vst v63  }
0x237: {  	s18 =	simm.s32 $0xA180;
	s31 =	sadd.s32 $0x40, s7;
	s16 =	simm.s32 $0xA580  }
0x238: {  	[hbm4b:s31+s4] =	stream.linear.scatter [tilespmem:s18], [sflag:$0x2], $0x80, $0x38;
	[tilespmem:$0x12180] =	vst v63  }
0x239: {  	s17 =	sadd.s32 $0x50, s7;
	s18 =	simm.s32 $0xA980;
	s31 =	sadd.s32 $0x60, s7  }
0x23a: {  	[hbm4b:s17+s4] =	stream.linear.scatter [tilespmem:s16], [sflag:$0x2], $0x80, $0x38;
	[tilespmem:$0x12180] =	vst v63  }
0x23b: {  	s16 =	simm.s32 $0xAD80;
	s17 =	sadd.s32 $0x70, s7;
	s7 =	sadd.s32 $0x400, s7  }
0x23c: {  	[hbm4b:s31+s4] =	stream.linear.scatter [tilespmem:s18], [sflag:$0x2], $0x80, $0x38;
	[tilespmem:$0x12180] =	vst v63  }
.LBB2_21:
0x23d: {  	[hbm4b:s17+s4] =	stream.linear.scatter [tilespmem:s16], [sflag:$0x2], $0x80, $0x38;
	[tilespmem:$0x12180] =	vst v63  }
0x23e: {  	s16 =	smov.u32 s5;
	s5 =	smov.u32 s8  }
0x23f: {  	s18 =	sadd.s32 $0x8000, s8;
	s5 =	sshra.s32 s5, $0x2;
	s17 =	sadd.s32 $0x9180, s16  }
0x240: {  	[hbm4b:s7+s4] =	stream.linear.scatter [tilespmem:s17], [sflag:$0x2], $0x80, $0x38;
	[tilespmem:$0x12180] =	vst v63  }
0x241: {  	p0 =	sne.s32 s8, $0x18000;
	s8 =	sadd.s32 $0x9580, s16;
	s17 =	sadd.s32 $0x10, s7  }
0x242: {  	[hbm4b:s17+s4] =	stream.linear.scatter [tilespmem:s8], [sflag:$0x2], $0x80, $0x38;
	[tilespmem:$0x12180] =	vst v63  }
0x243: {  	s8 =	sadd.s32 $0x9980, s16;
	s17 =	sadd.s32 $0x20, s7  }
0x244: {  	[hbm4b:s17+s4] =	stream.linear.scatter [tilespmem:s8], [sflag:$0x2], $0x80, $0x38;
	[tilespmem:$0x12180] =	vst v63  }
0x245: {  	s8 =	sadd.s32 $0x9D80, s16;
	s17 =	sadd.s32 $0x30, s7  }
0x246: {  	[hbm4b:s17+s4] =	stream.linear.scatter [tilespmem:s8], [sflag:$0x2], $0x80, $0x38;
	[tilespmem:$0x12180] =	vst v63  }
0x247: {  	s8 =	sadd.s32 $0xA180, s16;
	s17 =	sadd.s32 $0x40, s7  }
0x248: {  	[hbm4b:s17+s4] =	stream.linear.scatter [tilespmem:s8], [sflag:$0x2], $0x80, $0x38;
	[tilespmem:$0x12180] =	vst v63  }
.Ltmp9:
0x249: {  	s8 =	sadd.s32 $0xA580, s16;
	s17 =	sadd.s32 $0x50, s7;
	(pc) =	sbr.rel @p0 .LBB2_21-.Ltmp9, $4  }
0x24a: {  	[hbm4b:s17+s4] =	stream.linear.scatter [tilespmem:s8], [sflag:$0x2], $0x80, $0x38;
	[tilespmem:$0x12180] =	vst v63  }
0x24b: {  	s8 =	sadd.s32 $0xA980, s16;
	s17 =	sadd.s32 $0x60, s7;
	s16 =	sadd.s32 $0xAD80, s16  }
0x24c: {  	[hbm4b:s17+s4] =	stream.linear.scatter [tilespmem:s8], [sflag:$0x2], $0x80, $0x38;
	[tilespmem:$0x12180] =	vst v63  }
0x24d: {  	s17 =	sadd.s32 $0x70, s7;
	s7 =	sadd.s32 $0x400, s7;
	s8 =	smov.u32 s18  }
0x24e: {  	[hbm4b:s17+s4] =	stream.linear.scatter [tilespmem:s16], [sflag:$0x2], $0x80, $0x38;
	[tilespmem:$0x12180] =	vst v63  }
0x24f: {  	s8 =	sadd.s32 $0x9180, s5  }
0x250: {  	[hbm4b:s7+s4] =	stream.linear.scatter [tilespmem:s8], [sflag:$0x2], $0x80, $0x38;
	[tilespmem:$0x12180] =	vst v63  }
0x251: {  	s18 =	sadd.s32 $0x9580, s5;
	s31 =	sadd.s32 $0x10, s7  }
0x252: {  	[hbm4b:s31+s4] =	stream.linear.scatter [tilespmem:s18], [sflag:$0x2], $0x80, $0x38;
	[tilespmem:$0x12180] =	vst v63  }
0x253: {  	s16 =	sadd.s32 $0x9980, s5;
	s17 =	sadd.s32 $0x20, s7  }
0x254: {  	[hbm4b:s17+s4] =	stream.linear.scatter [tilespmem:s16], [sflag:$0x2], $0x80, $0x38;
	[tilespmem:$0x12180] =	vst v63  }
0x255: {  	s18 =	sadd.s32 $0x9D80, s5;
	s31 =	sadd.s32 $0x30, s7  }
0x256: {  	[hbm4b:s31+s4] =	stream.linear.scatter [tilespmem:s18], [sflag:$0x2], $0x80, $0x38;
	[tilespmem:$0x12180] =	vst v63  }
0x257: {  	s16 =	sadd.s32 $0xA180, s5;
	s17 =	sadd.s32 $0x40, s7  }
0x258: {  	[hbm4b:s17+s4] =	stream.linear.scatter [tilespmem:s16], [sflag:$0x2], $0x80, $0x38;
	[tilespmem:$0x12180] =	vst v63  }
0x259: {  	s18 =	sadd.s32 $0xA580, s5;
	s31 =	sadd.s32 $0x50, s7  }
0x25a: {  	[hbm4b:s31+s4] =	stream.linear.scatter [tilespmem:s18], [sflag:$0x2], $0x80, $0x38;
	[tilespmem:$0x12180] =	vst v63  }
0x25b: {  	s16 =	sadd.s32 $0xA980, s5;
	s17 =	sadd.s32 $0x60, s7  }
0x25c: {  	[hbm4b:s17+s4] =	stream.linear.scatter [tilespmem:s16], [sflag:$0x2], $0x80, $0x38;
	[tilespmem:$0x12180] =	vst v63  }
0x25d: {  	s18 =	sadd.s32 $0xAD80, s5;
	s31 =	sadd.s32 $0x70, s7  }
0x25e: {  	[hbm4b:s31+s4] =	stream.linear.scatter [tilespmem:s18], [sflag:$0x2], $0x80, $0x38;
	[tilespmem:$0x12180] =	vst v63  }
0x25f: {  	s8 =	simm.s32 $0x9200;
	s7 =	sadd.s32 s30, s10  }
0x260: {  	[hbm4b:s7+s4] =	stream.linear.scatter [tilespmem:s8], [sflag:$0x2], $0x80, $0x38;
	[tilespmem:$0x12180] =	vst v63  }
0x261: {  	s16 =	simm.s32 $0x9600;
	s17 =	sadd.s32 $0x10, s7  }
0x262: {  	[hbm4b:s17+s4] =	stream.linear.scatter [tilespmem:s16], [sflag:$0x2], $0x80, $0x38;
	[tilespmem:$0x12180] =	vst v63  }
0x263: {  	s5 =	simm.s32 $0x2000;
	s18 =	simm.s32 $0x9A00;
	s31 =	sadd.s32 $0x20, s7  }
0x264: {  	[hbm4b:s31+s4] =	stream.linear.scatter [tilespmem:s18], [sflag:$0x2], $0x80, $0x38;
	[tilespmem:$0x12180] =	vst v63  }
0x265: {  	s8 =	simm.s32 $0x10000;
	s16 =	simm.s32 $0x9E00;
	s17 =	sadd.s32 $0x30, s7  }
0x266: {  	[hbm4b:s17+s4] =	stream.linear.scatter [tilespmem:s16], [sflag:$0x2], $0x80, $0x38;
	[tilespmem:$0x12180] =	vst v63  }
0x267: {  	s18 =	simm.s32 $0xA200;
	s31 =	sadd.s32 $0x40, s7;
	s16 =	simm.s32 $0xA600  }
0x268: {  	[hbm4b:s31+s4] =	stream.linear.scatter [tilespmem:s18], [sflag:$0x2], $0x80, $0x38;
	[tilespmem:$0x12180] =	vst v63  }
0x269: {  	s17 =	sadd.s32 $0x50, s7;
	s18 =	simm.s32 $0xAA00;
	s31 =	sadd.s32 $0x60, s7  }
0x26a: {  	[hbm4b:s17+s4] =	stream.linear.scatter [tilespmem:s16], [sflag:$0x2], $0x80, $0x38;
	[tilespmem:$0x12180] =	vst v63  }
0x26b: {  	s16 =	simm.s32 $0xAE00;
	s17 =	sadd.s32 $0x70, s7;
	s7 =	sadd.s32 $0x400, s7  }
0x26c: {  	[hbm4b:s31+s4] =	stream.linear.scatter [tilespmem:s18], [sflag:$0x2], $0x80, $0x38;
	[tilespmem:$0x12180] =	vst v63  }
.LBB2_23:
0x26d: {  	[hbm4b:s17+s4] =	stream.linear.scatter [tilespmem:s16], [sflag:$0x2], $0x80, $0x38;
	[tilespmem:$0x12180] =	vst v63  }
0x26e: {  	s16 =	smov.u32 s5;
	s5 =	smov.u32 s8  }
0x26f: {  	s18 =	sadd.s32 $0x8000, s8;
	s5 =	sshra.s32 s5, $0x2;
	s17 =	sadd.s32 $0x9200, s16  }
0x270: {  	[hbm4b:s7+s4] =	stream.linear.scatter [tilespmem:s17], [sflag:$0x2], $0x80, $0x38;
	[tilespmem:$0x12180] =	vst v63  }
0x271: {  	p0 =	sne.s32 s8, $0x18000;
	s8 =	sadd.s32 $0x9600, s16;
	s17 =	sadd.s32 $0x10, s7  }
0x272: {  	[hbm4b:s17+s4] =	stream.linear.scatter [tilespmem:s8], [sflag:$0x2], $0x80, $0x38;
	[tilespmem:$0x12180] =	vst v63  }
0x273: {  	s8 =	sadd.s32 $0x9A00, s16;
	s17 =	sadd.s32 $0x20, s7  }
0x274: {  	[hbm4b:s17+s4] =	stream.linear.scatter [tilespmem:s8], [sflag:$0x2], $0x80, $0x38;
	[tilespmem:$0x12180] =	vst v63  }
0x275: {  	s8 =	sadd.s32 $0x9E00, s16;
	s17 =	sadd.s32 $0x30, s7  }
0x276: {  	[hbm4b:s17+s4] =	stream.linear.scatter [tilespmem:s8], [sflag:$0x2], $0x80, $0x38;
	[tilespmem:$0x12180] =	vst v63  }
0x277: {  	s8 =	sadd.s32 $0xA200, s16;
	s17 =	sadd.s32 $0x40, s7  }
0x278: {  	[hbm4b:s17+s4] =	stream.linear.scatter [tilespmem:s8], [sflag:$0x2], $0x80, $0x38;
	[tilespmem:$0x12180] =	vst v63  }
.Ltmp10:
0x279: {  	s8 =	sadd.s32 $0xA600, s16;
	s17 =	sadd.s32 $0x50, s7;
	(pc) =	sbr.rel @p0 .LBB2_23-.Ltmp10, $4  }
0x27a: {  	[hbm4b:s17+s4] =	stream.linear.scatter [tilespmem:s8], [sflag:$0x2], $0x80, $0x38;
	[tilespmem:$0x12180] =	vst v63  }
0x27b: {  	s8 =	sadd.s32 $0xAA00, s16;
	s17 =	sadd.s32 $0x60, s7;
	s16 =	sadd.s32 $0xAE00, s16  }
0x27c: {  	[hbm4b:s17+s4] =	stream.linear.scatter [tilespmem:s8], [sflag:$0x2], $0x80, $0x38;
	[tilespmem:$0x12180] =	vst v63  }
0x27d: {  	s17 =	sadd.s32 $0x70, s7;
	s7 =	sadd.s32 $0x400, s7;
	s8 =	smov.u32 s18  }
0x27e: {  	[hbm4b:s17+s4] =	stream.linear.scatter [tilespmem:s16], [sflag:$0x2], $0x80, $0x38;
	[tilespmem:$0x12180] =	vst v63  }
0x27f: {  	s8 =	sadd.s32 $0x9200, s5  }
0x280: {  	[hbm4b:s7+s4] =	stream.linear.scatter [tilespmem:s8], [sflag:$0x2], $0x80, $0x38;
	[tilespmem:$0x12180] =	vst v63  }
0x281: {  	s18 =	sadd.s32 $0x9600, s5;
	s31 =	sadd.s32 $0x10, s7  }
0x282: {  	[hbm4b:s31+s4] =	stream.linear.scatter [tilespmem:s18], [sflag:$0x2], $0x80, $0x38;
	[tilespmem:$0x12180] =	vst v63  }
0x283: {  	s16 =	sadd.s32 $0x9A00, s5;
	s17 =	sadd.s32 $0x20, s7  }
0x284: {  	[hbm4b:s17+s4] =	stream.linear.scatter [tilespmem:s16], [sflag:$0x2], $0x80, $0x38;
	[tilespmem:$0x12180] =	vst v63  }
0x285: {  	s18 =	sadd.s32 $0x9E00, s5;
	s31 =	sadd.s32 $0x30, s7  }
0x286: {  	[hbm4b:s31+s4] =	stream.linear.scatter [tilespmem:s18], [sflag:$0x2], $0x80, $0x38;
	[tilespmem:$0x12180] =	vst v63  }
0x287: {  	s16 =	sadd.s32 $0xA200, s5;
	s17 =	sadd.s32 $0x40, s7  }
0x288: {  	[hbm4b:s17+s4] =	stream.linear.scatter [tilespmem:s16], [sflag:$0x2], $0x80, $0x38;
	[tilespmem:$0x12180] =	vst v63  }
0x289: {  	s18 =	sadd.s32 $0xA600, s5;
	s31 =	sadd.s32 $0x50, s7  }
0x28a: {  	[hbm4b:s31+s4] =	stream.linear.scatter [tilespmem:s18], [sflag:$0x2], $0x80, $0x38;
	[tilespmem:$0x12180] =	vst v63  }
0x28b: {  	s16 =	sadd.s32 $0xAA00, s5;
	s17 =	sadd.s32 $0x60, s7  }
0x28c: {  	[hbm4b:s17+s4] =	stream.linear.scatter [tilespmem:s16], [sflag:$0x2], $0x80, $0x38;
	[tilespmem:$0x12180] =	vst v63  }
0x28d: {  	s18 =	sadd.s32 $0xAE00, s5;
	s31 =	sadd.s32 $0x70, s7  }
0x28e: {  	[hbm4b:s31+s4] =	stream.linear.scatter [tilespmem:s18], [sflag:$0x2], $0x80, $0x38;
	[tilespmem:$0x12180] =	vst v63  }
0x28f: {  	s8 =	simm.s32 $0x9280;
	s7 =	sadd.s32 s30, s11  }
0x290: {  	[hbm4b:s7+s4] =	stream.linear.scatter [tilespmem:s8], [sflag:$0x2], $0x80, $0x38;
	[tilespmem:$0x12180] =	vst v63  }
0x291: {  	s16 =	simm.s32 $0x9680;
	s17 =	sadd.s32 $0x10, s7  }
0x292: {  	[hbm4b:s17+s4] =	stream.linear.scatter [tilespmem:s16], [sflag:$0x2], $0x80, $0x38;
	[tilespmem:$0x12180] =	vst v63  }
0x293: {  	s5 =	simm.s32 $0x2000;
	s18 =	simm.s32 $0x9A80;
	s31 =	sadd.s32 $0x20, s7  }
0x294: {  	[hbm4b:s31+s4] =	stream.linear.scatter [tilespmem:s18], [sflag:$0x2], $0x80, $0x38;
	[tilespmem:$0x12180] =	vst v63  }
0x295: {  	s8 =	simm.s32 $0x10000;
	s16 =	simm.s32 $0x9E80;
	s17 =	sadd.s32 $0x30, s7  }
0x296: {  	[hbm4b:s17+s4] =	stream.linear.scatter [tilespmem:s16], [sflag:$0x2], $0x80, $0x38;
	[tilespmem:$0x12180] =	vst v63  }
0x297: {  	s18 =	simm.s32 $0xA280;
	s31 =	sadd.s32 $0x40, s7;
	s16 =	simm.s32 $0xA680  }
0x298: {  	[hbm4b:s31+s4] =	stream.linear.scatter [tilespmem:s18], [sflag:$0x2], $0x80, $0x38;
	[tilespmem:$0x12180] =	vst v63  }
0x299: {  	s17 =	sadd.s32 $0x50, s7;
	s18 =	simm.s32 $0xAA80;
	s31 =	sadd.s32 $0x60, s7  }
0x29a: {  	[hbm4b:s17+s4] =	stream.linear.scatter [tilespmem:s16], [sflag:$0x2], $0x80, $0x38;
	[tilespmem:$0x12180] =	vst v63  }
0x29b: {  	s16 =	simm.s32 $0xAE80;
	s17 =	sadd.s32 $0x70, s7;
	s7 =	sadd.s32 $0x400, s7  }
0x29c: {  	[hbm4b:s31+s4] =	stream.linear.scatter [tilespmem:s18], [sflag:$0x2], $0x80, $0x38;
	[tilespmem:$0x12180] =	vst v63  }
.LBB2_25:
0x29d: {  	[hbm4b:s17+s4] =	stream.linear.scatter [tilespmem:s16], [sflag:$0x2], $0x80, $0x38;
	[tilespmem:$0x12180] =	vst v63  }
0x29e: {  	s16 =	smov.u32 s5;
	s5 =	smov.u32 s8  }
0x29f: {  	s18 =	sadd.s32 $0x8000, s8;
	s5 =	sshra.s32 s5, $0x2;
	s17 =	sadd.s32 $0x9280, s16  }
0x2a0: {  	[hbm4b:s7+s4] =	stream.linear.scatter [tilespmem:s17], [sflag:$0x2], $0x80, $0x38;
	[tilespmem:$0x12180] =	vst v63  }
0x2a1: {  	p0 =	sne.s32 s8, $0x18000;
	s8 =	sadd.s32 $0x9680, s16;
	s17 =	sadd.s32 $0x10, s7  }
0x2a2: {  	[hbm4b:s17+s4] =	stream.linear.scatter [tilespmem:s8], [sflag:$0x2], $0x80, $0x38;
	[tilespmem:$0x12180] =	vst v63  }
0x2a3: {  	s8 =	sadd.s32 $0x9A80, s16;
	s17 =	sadd.s32 $0x20, s7  }
0x2a4: {  	[hbm4b:s17+s4] =	stream.linear.scatter [tilespmem:s8], [sflag:$0x2], $0x80, $0x38;
	[tilespmem:$0x12180] =	vst v63  }
0x2a5: {  	s8 =	sadd.s32 $0x9E80, s16;
	s17 =	sadd.s32 $0x30, s7  }
0x2a6: {  	[hbm4b:s17+s4] =	stream.linear.scatter [tilespmem:s8], [sflag:$0x2], $0x80, $0x38;
	[tilespmem:$0x12180] =	vst v63  }
0x2a7: {  	s8 =	sadd.s32 $0xA280, s16;
	s17 =	sadd.s32 $0x40, s7  }
0x2a8: {  	[hbm4b:s17+s4] =	stream.linear.scatter [tilespmem:s8], [sflag:$0x2], $0x80, $0x38;
	[tilespmem:$0x12180] =	vst v63  }
.Ltmp11:
0x2a9: {  	s8 =	sadd.s32 $0xA680, s16;
	s17 =	sadd.s32 $0x50, s7;
	(pc) =	sbr.rel @p0 .LBB2_25-.Ltmp11, $4  }
0x2aa: {  	[hbm4b:s17+s4] =	stream.linear.scatter [tilespmem:s8], [sflag:$0x2], $0x80, $0x38;
	[tilespmem:$0x12180] =	vst v63  }
0x2ab: {  	s8 =	sadd.s32 $0xAA80, s16;
	s17 =	sadd.s32 $0x60, s7;
	s16 =	sadd.s32 $0xAE80, s16  }
0x2ac: {  	[hbm4b:s17+s4] =	stream.linear.scatter [tilespmem:s8], [sflag:$0x2], $0x80, $0x38;
	[tilespmem:$0x12180] =	vst v63  }
0x2ad: {  	s17 =	sadd.s32 $0x70, s7;
	s7 =	sadd.s32 $0x400, s7;
	s8 =	smov.u32 s18  }
0x2ae: {  	[hbm4b:s17+s4] =	stream.linear.scatter [tilespmem:s16], [sflag:$0x2], $0x80, $0x38;
	[tilespmem:$0x12180] =	vst v63  }
0x2af: {  	s8 =	sadd.s32 $0x9280, s5  }
0x2b0: {  	[hbm4b:s7+s4] =	stream.linear.scatter [tilespmem:s8], [sflag:$0x2], $0x80, $0x38;
	[tilespmem:$0x12180] =	vst v63  }
0x2b1: {  	s18 =	sadd.s32 $0x9680, s5;
	s31 =	sadd.s32 $0x10, s7  }
0x2b2: {  	[hbm4b:s31+s4] =	stream.linear.scatter [tilespmem:s18], [sflag:$0x2], $0x80, $0x38;
	[tilespmem:$0x12180] =	vst v63  }
0x2b3: {  	s16 =	sadd.s32 $0x9A80, s5;
	s17 =	sadd.s32 $0x20, s7  }
0x2b4: {  	[hbm4b:s17+s4] =	stream.linear.scatter [tilespmem:s16], [sflag:$0x2], $0x80, $0x38;
	[tilespmem:$0x12180] =	vst v63  }
0x2b5: {  	s18 =	sadd.s32 $0x9E80, s5;
	s31 =	sadd.s32 $0x30, s7  }
0x2b6: {  	[hbm4b:s31+s4] =	stream.linear.scatter [tilespmem:s18], [sflag:$0x2], $0x80, $0x38;
	[tilespmem:$0x12180] =	vst v63  }
0x2b7: {  	s16 =	sadd.s32 $0xA280, s5;
	s17 =	sadd.s32 $0x40, s7  }
0x2b8: {  	[hbm4b:s17+s4] =	stream.linear.scatter [tilespmem:s16], [sflag:$0x2], $0x80, $0x38;
	[tilespmem:$0x12180] =	vst v63  }
0x2b9: {  	s18 =	sadd.s32 $0xA680, s5;
	s31 =	sadd.s32 $0x50, s7  }
0x2ba: {  	[hbm4b:s31+s4] =	stream.linear.scatter [tilespmem:s18], [sflag:$0x2], $0x80, $0x38;
	[tilespmem:$0x12180] =	vst v63  }
0x2bb: {  	s16 =	sadd.s32 $0xAA80, s5;
	s17 =	sadd.s32 $0x60, s7  }
0x2bc: {  	[hbm4b:s17+s4] =	stream.linear.scatter [tilespmem:s16], [sflag:$0x2], $0x80, $0x38;
	[tilespmem:$0x12180] =	vst v63  }
0x2bd: {  	s18 =	sadd.s32 $0xAE80, s5;
	s31 =	sadd.s32 $0x70, s7  }
0x2be: {  	[hbm4b:s31+s4] =	stream.linear.scatter [tilespmem:s18], [sflag:$0x2], $0x80, $0x38;
	[tilespmem:$0x12180] =	vst v63  }
0x2bf: {  	s8 =	simm.s32 $0x9300;
	s7 =	sadd.s32 s30, s12  }
0x2c0: {  	[hbm4b:s7+s4] =	stream.linear.scatter [tilespmem:s8], [sflag:$0x2], $0x80, $0x38;
	[tilespmem:$0x12180] =	vst v63  }
0x2c1: {  	s16 =	simm.s32 $0x9700;
	s17 =	sadd.s32 $0x10, s7  }
0x2c2: {  	[hbm4b:s17+s4] =	stream.linear.scatter [tilespmem:s16], [sflag:$0x2], $0x80, $0x38;
	[tilespmem:$0x12180] =	vst v63  }
0x2c3: {  	s5 =	simm.s32 $0x2000;
	s18 =	simm.s32 $0x9B00;
	s31 =	sadd.s32 $0x20, s7  }
0x2c4: {  	[hbm4b:s31+s4] =	stream.linear.scatter [tilespmem:s18], [sflag:$0x2], $0x80, $0x38;
	[tilespmem:$0x12180] =	vst v63  }
0x2c5: {  	s8 =	simm.s32 $0x10000;
	s16 =	simm.s32 $0x9F00;
	s17 =	sadd.s32 $0x30, s7  }
0x2c6: {  	[hbm4b:s17+s4] =	stream.linear.scatter [tilespmem:s16], [sflag:$0x2], $0x80, $0x38;
	[tilespmem:$0x12180] =	vst v63  }
0x2c7: {  	s18 =	simm.s32 $0xA300;
	s31 =	sadd.s32 $0x40, s7;
	s16 =	simm.s32 $0xA700  }
0x2c8: {  	[hbm4b:s31+s4] =	stream.linear.scatter [tilespmem:s18], [sflag:$0x2], $0x80, $0x38;
	[tilespmem:$0x12180] =	vst v63  }
0x2c9: {  	s17 =	sadd.s32 $0x50, s7;
	s18 =	simm.s32 $0xAB00;
	s31 =	sadd.s32 $0x60, s7  }
0x2ca: {  	[hbm4b:s17+s4] =	stream.linear.scatter [tilespmem:s16], [sflag:$0x2], $0x80, $0x38;
	[tilespmem:$0x12180] =	vst v63  }
0x2cb: {  	s16 =	simm.s32 $0xAF00;
	s17 =	sadd.s32 $0x70, s7;
	s7 =	sadd.s32 $0x400, s7  }
0x2cc: {  	[hbm4b:s31+s4] =	stream.linear.scatter [tilespmem:s18], [sflag:$0x2], $0x80, $0x38;
	[tilespmem:$0x12180] =	vst v63  }
.LBB2_27:
0x2cd: {  	[hbm4b:s17+s4] =	stream.linear.scatter [tilespmem:s16], [sflag:$0x2], $0x80, $0x38;
	[tilespmem:$0x12180] =	vst v63  }
0x2ce: {  	s16 =	smov.u32 s5;
	s5 =	smov.u32 s8  }
0x2cf: {  	s18 =	sadd.s32 $0x8000, s8;
	s5 =	sshra.s32 s5, $0x2;
	s17 =	sadd.s32 $0x9300, s16  }
0x2d0: {  	[hbm4b:s7+s4] =	stream.linear.scatter [tilespmem:s17], [sflag:$0x2], $0x80, $0x38;
	[tilespmem:$0x12180] =	vst v63  }
0x2d1: {  	p0 =	sne.s32 s8, $0x18000;
	s8 =	sadd.s32 $0x9700, s16;
	s17 =	sadd.s32 $0x10, s7  }
0x2d2: {  	[hbm4b:s17+s4] =	stream.linear.scatter [tilespmem:s8], [sflag:$0x2], $0x80, $0x38;
	[tilespmem:$0x12180] =	vst v63  }
0x2d3: {  	s8 =	sadd.s32 $0x9B00, s16;
	s17 =	sadd.s32 $0x20, s7  }
0x2d4: {  	[hbm4b:s17+s4] =	stream.linear.scatter [tilespmem:s8], [sflag:$0x2], $0x80, $0x38;
	[tilespmem:$0x12180] =	vst v63  }
0x2d5: {  	s8 =	sadd.s32 $0x9F00, s16;
	s17 =	sadd.s32 $0x30, s7  }
0x2d6: {  	[hbm4b:s17+s4] =	stream.linear.scatter [tilespmem:s8], [sflag:$0x2], $0x80, $0x38;
	[tilespmem:$0x12180] =	vst v63  }
0x2d7: {  	s8 =	sadd.s32 $0xA300, s16;
	s17 =	sadd.s32 $0x40, s7  }
0x2d8: {  	[hbm4b:s17+s4] =	stream.linear.scatter [tilespmem:s8], [sflag:$0x2], $0x80, $0x38;
	[tilespmem:$0x12180] =	vst v63  }
.Ltmp12:
0x2d9: {  	s8 =	sadd.s32 $0xA700, s16;
	s17 =	sadd.s32 $0x50, s7;
	(pc) =	sbr.rel @p0 .LBB2_27-.Ltmp12, $4  }
0x2da: {  	[hbm4b:s17+s4] =	stream.linear.scatter [tilespmem:s8], [sflag:$0x2], $0x80, $0x38;
	[tilespmem:$0x12180] =	vst v63  }
0x2db: {  	s8 =	sadd.s32 $0xAB00, s16;
	s17 =	sadd.s32 $0x60, s7;
	s16 =	sadd.s32 $0xAF00, s16  }
0x2dc: {  	[hbm4b:s17+s4] =	stream.linear.scatter [tilespmem:s8], [sflag:$0x2], $0x80, $0x38;
	[tilespmem:$0x12180] =	vst v63  }
0x2dd: {  	s17 =	sadd.s32 $0x70, s7;
	s7 =	sadd.s32 $0x400, s7;
	s8 =	smov.u32 s18  }
0x2de: {  	[hbm4b:s17+s4] =	stream.linear.scatter [tilespmem:s16], [sflag:$0x2], $0x80, $0x38;
	[tilespmem:$0x12180] =	vst v63  }
0x2df: {  	s8 =	sadd.s32 $0x9300, s5  }
0x2e0: {  	[hbm4b:s7+s4] =	stream.linear.scatter [tilespmem:s8], [sflag:$0x2], $0x80, $0x38;
	[tilespmem:$0x12180] =	vst v63  }
0x2e1: {  	s18 =	sadd.s32 $0x9700, s5;
	s31 =	sadd.s32 $0x10, s7  }
0x2e2: {  	[hbm4b:s31+s4] =	stream.linear.scatter [tilespmem:s18], [sflag:$0x2], $0x80, $0x38;
	[tilespmem:$0x12180] =	vst v63  }
0x2e3: {  	s16 =	sadd.s32 $0x9B00, s5;
	s17 =	sadd.s32 $0x20, s7  }
0x2e4: {  	[hbm4b:s17+s4] =	stream.linear.scatter [tilespmem:s16], [sflag:$0x2], $0x80, $0x38;
	[tilespmem:$0x12180] =	vst v63  }
0x2e5: {  	s18 =	sadd.s32 $0x9F00, s5;
	s31 =	sadd.s32 $0x30, s7  }
0x2e6: {  	[hbm4b:s31+s4] =	stream.linear.scatter [tilespmem:s18], [sflag:$0x2], $0x80, $0x38;
	[tilespmem:$0x12180] =	vst v63  }
0x2e7: {  	s16 =	sadd.s32 $0xA300, s5;
	s17 =	sadd.s32 $0x40, s7  }
0x2e8: {  	[hbm4b:s17+s4] =	stream.linear.scatter [tilespmem:s16], [sflag:$0x2], $0x80, $0x38;
	[tilespmem:$0x12180] =	vst v63  }
0x2e9: {  	s18 =	sadd.s32 $0xA700, s5;
	s31 =	sadd.s32 $0x50, s7  }
0x2ea: {  	[hbm4b:s31+s4] =	stream.linear.scatter [tilespmem:s18], [sflag:$0x2], $0x80, $0x38;
	[tilespmem:$0x12180] =	vst v63  }
0x2eb: {  	s16 =	sadd.s32 $0xAB00, s5;
	s17 =	sadd.s32 $0x60, s7  }
0x2ec: {  	[hbm4b:s17+s4] =	stream.linear.scatter [tilespmem:s16], [sflag:$0x2], $0x80, $0x38;
	[tilespmem:$0x12180] =	vst v63  }
0x2ed: {  	s18 =	sadd.s32 $0xAF00, s5;
	s31 =	sadd.s32 $0x70, s7  }
0x2ee: {  	[hbm4b:s31+s4] =	stream.linear.scatter [tilespmem:s18], [sflag:$0x2], $0x80, $0x38;
	[tilespmem:$0x12180] =	vst v63  }
0x2ef: {  	s8 =	simm.s32 $0x9380;
	s7 =	sadd.s32 s30, s13  }
0x2f0: {  	[hbm4b:s7+s4] =	stream.linear.scatter [tilespmem:s8], [sflag:$0x2], $0x80, $0x38;
	[tilespmem:$0x12180] =	vst v63  }
0x2f1: {  	s16 =	simm.s32 $0x9780;
	s17 =	sadd.s32 $0x10, s7  }
0x2f2: {  	[hbm4b:s17+s4] =	stream.linear.scatter [tilespmem:s16], [sflag:$0x2], $0x80, $0x38;
	[tilespmem:$0x12180] =	vst v63  }
0x2f3: {  	s5 =	simm.s32 $0x2000;
	s18 =	simm.s32 $0x9B80;
	s31 =	sadd.s32 $0x20, s7  }
0x2f4: {  	[hbm4b:s31+s4] =	stream.linear.scatter [tilespmem:s18], [sflag:$0x2], $0x80, $0x38;
	[tilespmem:$0x12180] =	vst v63  }
0x2f5: {  	s8 =	simm.s32 $0x10000;
	s16 =	simm.s32 $0x9F80;
	s17 =	sadd.s32 $0x30, s7  }
0x2f6: {  	[hbm4b:s17+s4] =	stream.linear.scatter [tilespmem:s16], [sflag:$0x2], $0x80, $0x38;
	[tilespmem:$0x12180] =	vst v63  }
0x2f7: {  	s18 =	simm.s32 $0xA380;
	s31 =	sadd.s32 $0x40, s7;
	s16 =	simm.s32 $0xA780  }
0x2f8: {  	[hbm4b:s31+s4] =	stream.linear.scatter [tilespmem:s18], [sflag:$0x2], $0x80, $0x38;
	[tilespmem:$0x12180] =	vst v63  }
0x2f9: {  	s17 =	sadd.s32 $0x50, s7;
	s18 =	simm.s32 $0xAB80;
	s31 =	sadd.s32 $0x60, s7  }
0x2fa: {  	[hbm4b:s17+s4] =	stream.linear.scatter [tilespmem:s16], [sflag:$0x2], $0x80, $0x38;
	[tilespmem:$0x12180] =	vst v63  }
0x2fb: {  	s16 =	simm.s32 $0xAF80;
	s17 =	sadd.s32 $0x70, s7;
	s7 =	sadd.s32 $0x400, s7  }
0x2fc: {  	[hbm4b:s31+s4] =	stream.linear.scatter [tilespmem:s18], [sflag:$0x2], $0x80, $0x38;
	[tilespmem:$0x12180] =	vst v63  }
.LBB2_29:
0x2fd: {  	[hbm4b:s17+s4] =	stream.linear.scatter [tilespmem:s16], [sflag:$0x2], $0x80, $0x38;
	[tilespmem:$0x12180] =	vst v63  }
0x2fe: {  	s16 =	smov.u32 s5;
	s5 =	smov.u32 s8  }
0x2ff: {  	s18 =	sadd.s32 $0x8000, s8;
	s5 =	sshra.s32 s5, $0x2;
	s17 =	sadd.s32 $0x9380, s16  }
0x300: {  	[hbm4b:s7+s4] =	stream.linear.scatter [tilespmem:s17], [sflag:$0x2], $0x80, $0x38;
	[tilespmem:$0x12180] =	vst v63  }
0x301: {  	p0 =	sne.s32 s8, $0x18000;
	s8 =	sadd.s32 $0x9780, s16;
	s17 =	sadd.s32 $0x10, s7  }
0x302: {  	[hbm4b:s17+s4] =	stream.linear.scatter [tilespmem:s8], [sflag:$0x2], $0x80, $0x38;
	[tilespmem:$0x12180] =	vst v63  }
0x303: {  	s8 =	sadd.s32 $0x9B80, s16;
	s17 =	sadd.s32 $0x20, s7  }
0x304: {  	[hbm4b:s17+s4] =	stream.linear.scatter [tilespmem:s8], [sflag:$0x2], $0x80, $0x38;
	[tilespmem:$0x12180] =	vst v63  }
0x305: {  	s8 =	sadd.s32 $0x9F80, s16;
	s17 =	sadd.s32 $0x30, s7  }
0x306: {  	[hbm4b:s17+s4] =	stream.linear.scatter [tilespmem:s8], [sflag:$0x2], $0x80, $0x38;
	[tilespmem:$0x12180] =	vst v63  }
0x307: {  	s8 =	sadd.s32 $0xA380, s16;
	s17 =	sadd.s32 $0x40, s7  }
0x308: {  	[hbm4b:s17+s4] =	stream.linear.scatter [tilespmem:s8], [sflag:$0x2], $0x80, $0x38;
	[tilespmem:$0x12180] =	vst v63  }
.Ltmp13:
0x309: {  	s8 =	sadd.s32 $0xA780, s16;
	s17 =	sadd.s32 $0x50, s7;
	(pc) =	sbr.rel @p0 .LBB2_29-.Ltmp13, $4  }
0x30a: {  	[hbm4b:s17+s4] =	stream.linear.scatter [tilespmem:s8], [sflag:$0x2], $0x80, $0x38;
	[tilespmem:$0x12180] =	vst v63  }
0x30b: {  	s8 =	sadd.s32 $0xAB80, s16;
	s17 =	sadd.s32 $0x60, s7;
	s16 =	sadd.s32 $0xAF80, s16  }
0x30c: {  	[hbm4b:s17+s4] =	stream.linear.scatter [tilespmem:s8], [sflag:$0x2], $0x80, $0x38;
	[tilespmem:$0x12180] =	vst v63  }
0x30d: {  	s17 =	sadd.s32 $0x70, s7;
	s7 =	sadd.s32 $0x400, s7;
	s8 =	smov.u32 s18  }
0x30e: {  	[hbm4b:s17+s4] =	stream.linear.scatter [tilespmem:s16], [sflag:$0x2], $0x80, $0x38;
	[tilespmem:$0x12180] =	vst v63  }
0x30f: {  	s8 =	sadd.s32 $0x9380, s5  }
0x310: {  	[hbm4b:s7+s4] =	stream.linear.scatter [tilespmem:s8], [sflag:$0x2], $0x80, $0x38;
	[tilespmem:$0x12180] =	vst v63  }
0x311: {  	s16 =	sadd.s32 $0x9780, s5;
	s17 =	sadd.s32 $0x10, s7  }
0x312: {  	[hbm4b:s17+s4] =	stream.linear.scatter [tilespmem:s16], [sflag:$0x2], $0x80, $0x38;
	[tilespmem:$0x12180] =	vst v63  }
0x313: {  	s18 =	sadd.s32 $0x9B80, s5;
	s31 =	sadd.s32 $0x20, s7  }
0x314: {  	[hbm4b:s31+s4] =	stream.linear.scatter [tilespmem:s18], [sflag:$0x2], $0x80, $0x38;
	[tilespmem:$0x12180] =	vst v63  }
0x315: {  	s16 =	sadd.s32 $0x9F80, s5;
	s17 =	sadd.s32 $0x30, s7  }
0x316: {  	[hbm4b:s17+s4] =	stream.linear.scatter [tilespmem:s16], [sflag:$0x2], $0x80, $0x38;
	[tilespmem:$0x12180] =	vst v63  }
0x317: {  	s18 =	sadd.s32 $0xA380, s5;
	s31 =	sadd.s32 $0x40, s7  }
0x318: {  	[hbm4b:s31+s4] =	stream.linear.scatter [tilespmem:s18], [sflag:$0x2], $0x80, $0x38;
	[tilespmem:$0x12180] =	vst v63  }
0x319: {  	s16 =	sadd.s32 $0xA780, s5;
	s17 =	sadd.s32 $0x50, s7  }
0x31a: {  	[hbm4b:s17+s4] =	stream.linear.scatter [tilespmem:s16], [sflag:$0x2], $0x80, $0x38;
	[tilespmem:$0x12180] =	vst v63  }
0x31b: {  	s18 =	sadd.s32 $0xAB80, s5;
	s31 =	sadd.s32 $0x60, s7  }
0x31c: {  	[hbm4b:s31+s4] =	stream.linear.scatter [tilespmem:s18], [sflag:$0x2], $0x80, $0x38;
	[tilespmem:$0x12180] =	vst v63  }
0x31d: {  	s17 =	sadd.s32 $0xAF80, s5;
	s18 =	sadd.s32 $0x70, s7  }
0x31e: {  	[hbm4b:s18+s4] =	stream.linear.scatter [tilespmem:s17], [sflag:$0x2], $0x80, $0x38;
	[tilespmem:$0x12180] =	vst v63  }
0x31f: {  	s8 =	sadd.s32 s30, s14;
	s5 =	simm.s32 $0x0;
	s31 =	simm.s32 $0x9400  }
0x320: {  	[hbm4b:s8+s5] =	stream.linear.scatter [tilespmem:s31], [sflag:$0x2], $0x80, $0x38;
	[tilespmem:$0x12180] =	vst v63  }
0x321: {  	s16 =	simm.s32 $0x9800;
	s17 =	sadd.s32 $0x10, s8  }
0x322: {  	[hbm4b:s17+s5] =	stream.linear.scatter [tilespmem:s16], [sflag:$0x2], $0x80, $0x38;
	[tilespmem:$0x12180] =	vst v63  }
0x323: {  	s18 =	simm.s32 $0x9C00;
	s31 =	sadd.s32 $0x20, s8  }
0x324: {  	[hbm4b:s31+s5] =	stream.linear.scatter [tilespmem:s18], [sflag:$0x2], $0x80, $0x38;
	[tilespmem:$0x12180] =	vst v63  }
0x325: {  	s16 =	simm.s32 $0xA000;
	s17 =	sadd.s32 $0x30, s8  }
0x326: {  	[hbm4b:s17+s5] =	stream.linear.scatter [tilespmem:s16], [sflag:$0x2], $0x80, $0x38;
	[tilespmem:$0x12180] =	vst v63  }
0x327: {  	s18 =	simm.s32 $0xA400;
	s31 =	sadd.s32 $0x40, s8  }
0x328: {  	[hbm4b:s31+s5] =	stream.linear.scatter [tilespmem:s18], [sflag:$0x2], $0x80, $0x38;
	[tilespmem:$0x12180] =	vst v63  }
0x329: {  	s7 =	simm.s32 $0x2000;
	s16 =	simm.s32 $0xA800;
	s17 =	sadd.s32 $0x50, s8  }
0x32a: {  	[hbm4b:s17+s5] =	stream.linear.scatter [tilespmem:s16], [sflag:$0x2], $0x80, $0x38;
	[tilespmem:$0x12180] =	vst v63  }
0x32b: {  	s18 =	simm.s32 $0xAC00;
	s31 =	sadd.s32 $0x60, s8;
	s16 =	simm.s32 $0x10000  }
0x32c: {  	[hbm4b:s31+s5] =	stream.linear.scatter [tilespmem:s18], [sflag:$0x2], $0x80, $0x38;
	[tilespmem:$0x12180] =	vst v63  }
0x32d: {  	s17 =	simm.s32 $0xB000;
	s18 =	sadd.s32 $0x70, s8;
	s8 =	sadd.s32 $0x400, s8  }
.LBB2_31:
0x32e: {  	[hbm4b:s18+s5] =	stream.linear.scatter [tilespmem:s17], [sflag:$0x2], $0x80, $0x38;
	[tilespmem:$0x12180] =	vst v63  }
0x32f: {  	s17 =	smov.u32 s7;
	s7 =	smov.u32 s16  }
0x330: {  	s31 =	sadd.s32 $0x8000, s16;
	s7 =	sshra.s32 s7, $0x2;
	s18 =	sadd.s32 $0x9400, s17  }
0x331: {  	[hbm4b:s8+s5] =	stream.linear.scatter [tilespmem:s18], [sflag:$0x2], $0x80, $0x38;
	[tilespmem:$0x12180] =	vst v63  }
0x332: {  	p0 =	sne.s32 s16, $0x18000;
	s16 =	sadd.s32 $0x9800, s17;
	s18 =	sadd.s32 $0x10, s8  }
0x333: {  	[hbm4b:s18+s5] =	stream.linear.scatter [tilespmem:s16], [sflag:$0x2], $0x80, $0x38;
	[tilespmem:$0x12180] =	vst v63  }
0x334: {  	s16 =	sadd.s32 $0x9C00, s17;
	s18 =	sadd.s32 $0x20, s8  }
0x335: {  	[hbm4b:s18+s5] =	stream.linear.scatter [tilespmem:s16], [sflag:$0x2], $0x80, $0x38;
	[tilespmem:$0x12180] =	vst v63  }
0x336: {  	s16 =	sadd.s32 $0xA000, s17;
	s18 =	sadd.s32 $0x30, s8  }
0x337: {  	[hbm4b:s18+s5] =	stream.linear.scatter [tilespmem:s16], [sflag:$0x2], $0x80, $0x38;
	[tilespmem:$0x12180] =	vst v63  }
0x338: {  	s16 =	sadd.s32 $0xA400, s17;
	s18 =	sadd.s32 $0x40, s8  }
0x339: {  	[hbm4b:s18+s5] =	stream.linear.scatter [tilespmem:s16], [sflag:$0x2], $0x80, $0x38;
	[tilespmem:$0x12180] =	vst v63  }
.Ltmp14:
0x33a: {  	s16 =	sadd.s32 $0xA800, s17;
	s18 =	sadd.s32 $0x50, s8;
	(pc) =	sbr.rel @p0 .LBB2_31-.Ltmp14, $4  }
0x33b: {  	[hbm4b:s18+s5] =	stream.linear.scatter [tilespmem:s16], [sflag:$0x2], $0x80, $0x38;
	[tilespmem:$0x12180] =	vst v63  }
0x33c: {  	s16 =	sadd.s32 $0xAC00, s17;
	s18 =	sadd.s32 $0x60, s8;
	s17 =	sadd.s32 $0xB000, s17  }
0x33d: {  	[hbm4b:s18+s5] =	stream.linear.scatter [tilespmem:s16], [sflag:$0x2], $0x80, $0x38;
	[tilespmem:$0x12180] =	vst v63  }
0x33e: {  	s18 =	sadd.s32 $0x70, s8;
	s8 =	sadd.s32 $0x400, s8;
	s16 =	smov.u32 s31  }
0x33f: {  	[hbm4b:s18+s5] =	stream.linear.scatter [tilespmem:s17], [sflag:$0x2], $0x80, $0x38;
	[tilespmem:$0x12180] =	vst v63  }
0x340: {  	s16 =	sadd.s32 $0x9400, s7  }
0x341: {  	[hbm4b:s8+s5] =	stream.linear.scatter [tilespmem:s16], [sflag:$0x2], $0x80, $0x38;
	[tilespmem:$0x12180] =	vst v63  }
0x342: {  	s18 =	sadd.s32 $0x9800, s7;
	s31 =	sadd.s32 $0x10, s8  }
0x343: {  	[hbm4b:s31+s5] =	stream.linear.scatter [tilespmem:s18], [sflag:$0x2], $0x80, $0x38;
	[tilespmem:$0x12180] =	vst v63  }
0x344: {  	s18 =	sadd.s32 $0x9C00, s7;
	s31 =	sadd.s32 $0x20, s8  }
0x345: {  	[hbm4b:s31+s5] =	stream.linear.scatter [tilespmem:s18], [sflag:$0x2], $0x80, $0x38;
	[tilespmem:$0x12180] =	vst v63  }
0x346: {  	s18 =	sadd.s32 $0xA000, s7;
	s31 =	sadd.s32 $0x30, s8  }
0x347: {  	[hbm4b:s31+s5] =	stream.linear.scatter [tilespmem:s18], [sflag:$0x2], $0x80, $0x38;
	[tilespmem:$0x12180] =	vst v63  }
0x348: {  	s18 =	sadd.s32 $0xA400, s7;
	s31 =	sadd.s32 $0x40, s8  }
0x349: {  	[hbm4b:s31+s5] =	stream.linear.scatter [tilespmem:s18], [sflag:$0x2], $0x80, $0x38;
	[tilespmem:$0x12180] =	vst v63  }
0x34a: {  	s18 =	sadd.s32 $0xA800, s7;
	s31 =	sadd.s32 $0x50, s8  }
0x34b: {  	[hbm4b:s31+s5] =	stream.linear.scatter [tilespmem:s18], [sflag:$0x2], $0x80, $0x38;
	[tilespmem:$0x12180] =	vst v63  }
0x34c: {  	s18 =	sadd.s32 $0xAC00, s7;
	s31 =	sadd.s32 $0x60, s8  }
0x34d: {  	[hbm4b:s31+s5] =	stream.linear.scatter [tilespmem:s18], [sflag:$0x2], $0x80, $0x38;
	[tilespmem:$0x12180] =	vst v63  }
0x34e: {  	s17 =	sadd.s32 $0x70, s8;
	s16 =	sadd.s32 $0xB000, s7;
	s18 =	simm.s32 $0x94E0  }
0x34f: {  	[hbm4b:s17+s5] =	stream.linear.scatter [tilespmem:s16], [sflag:$0x2], $0x80, $0x38;
	[tilespmem:$0x12180] =	vst v63  }
0x350: {  	v5 =	vld [tilespmem:s18+$0xFFFFFFA0];
	_ =	sdelay $0x3  }
0x351: {  	s5 =	simm.s32 $0x11130  }
0x352: {  	[tilespmem:s5+$0xFFFFFFD0] =	vst v5  }
0x353: {  	v5 =	vld [tilespmem:s18+$0xFFFFFFB0];
	_ =	sdelay $0x4  }
0x354: {  	[tilespmem:s5+$0xFFFFFFE0] =	vst v5  }
0x355: {  	v5 =	vld [tilespmem:s18+$0xFFFFFFC0];
	_ =	sdelay $0x4  }
0x356: {  	[tilespmem:s5+$0xFFFFFFF0] =	vst v5  }
0x357: {  	v5 =	vld [tilespmem:s18+$0xFFFFFFD0];
	_ =	sdelay $0x4  }
0x358: {  	[tilespmem:s5+$0x0] =	vst v5  }
0x359: {  	v5 =	vld [tilespmem:s18+$0xFFFFFFE0];
	_ =	sdelay $0x4  }
0x35a: {  	[tilespmem:s5+$0x10] =	vst v5  }
0x35b: {  	v5 =	vld [tilespmem:s18+$0xFFFFFFF0];
	_ =	sdelay $0x4  }
0x35c: {  	s31 =	simm.s32 $0x0;
	[tilespmem:s5+$0x20] =	vst v5  }
0x35d: {  	v6 =	vor.u32 s31, v2;
	v5 =	vld [tilespmem:s18+$0x0];
	_ =	sdelay $0x4  }
0x35e: {  	s7 =	simm.s32 $0x98E0;
	[tilespmem:v6+s25+$0x0] =	vst.idx.msk $0xff, v5  }
0x35f: {  	s8 =	simm.s32 $0x1;
	s16 =	simm.s32 $0x2;
	v5 =	vld [tilespmem:s7+$0xFFFFFFA0]  }
.LBB2_33:
0x360: {  	p0 =	sne.s32 s16, $0x1F;
	_ =	sdelay $0x2  }
0x361: {  	s5 =	sadd.s32 $0x80, s5  }
0x362: {  	[tilespmem:s5+$0xFFFFFFD0] =	vst v5  }
0x363: {  	v5 =	vld [tilespmem:s7+$0xFFFFFFB0];
	_ =	sdelay $0x4  }
0x364: {  	[tilespmem:s5+$0xFFFFFFE0] =	vst v5  }
0x365: {  	v5 =	vld [tilespmem:s7+$0xFFFFFFC0];
	_ =	sdelay $0x4  }
0x366: {  	[tilespmem:s5+$0xFFFFFFF0] =	vst v5  }
0x367: {  	v5 =	vld [tilespmem:s7+$0xFFFFFFD0];
	_ =	sdelay $0x4  }
0x368: {  	[tilespmem:s5+$0x0] =	vst v5  }
0x369: {  	v5 =	vld [tilespmem:s7+$0xFFFFFFE0];
	_ =	sdelay $0x4  }
0x36a: {  	[tilespmem:s5+$0x10] =	vst v5  }
0x36b: {  	v5 =	vld [tilespmem:s7+$0xFFFFFFF0];
	_ =	sdelay $0x4  }
0x36c: {  	s17 =	sshll.u32 s8, $0x7;
	s8 =	smov.u32 s16;
	[tilespmem:s5+$0x20] =	vst v5  }
0x36d: {  	v6 =	vor.u32 s17, v2;
	v5 =	vld [tilespmem:s7+$0x0];
	_ =	sdelay $0x1  }
.Ltmp15:
0x36e: {  	(pc) =	sbr.rel @p0 .LBB2_33-.Ltmp15, $3  }
0x36f: {  	_ =	sdelay $0x1  }
0x370: {  	s7 =	sadd.s32 $0x400, s7;
	[tilespmem:v6+s25+$0x0] =	vst.idx.msk $0xff, v5  }
0x371: {  	s16 =	sadd.s32 $0x1, s16;
	v5 =	vld [tilespmem:s7+$0xFFFFFFA0]  }
0x372: {  	_ =	sdelay $0x2  }
0x373: {  	s5 =	sadd.s32 $0x80, s5  }
0x374: {  	[tilespmem:s5+$0xFFFFFFD0] =	vst v5  }
0x375: {  	v5 =	vld [tilespmem:s7+$0xFFFFFFB0];
	_ =	sdelay $0x4  }
0x376: {  	[tilespmem:s5+$0xFFFFFFE0] =	vst v5  }
0x377: {  	v5 =	vld [tilespmem:s7+$0xFFFFFFC0];
	_ =	sdelay $0x4  }
0x378: {  	[tilespmem:s5+$0xFFFFFFF0] =	vst v5  }
0x379: {  	v5 =	vld [tilespmem:s7+$0xFFFFFFD0];
	_ =	sdelay $0x4  }
0x37a: {  	[tilespmem:s5+$0x0] =	vst v5  }
0x37b: {  	v5 =	vld [tilespmem:s7+$0xFFFFFFE0];
	_ =	sdelay $0x4  }
0x37c: {  	[tilespmem:s5+$0x10] =	vst v5  }
0x37d: {  	v5 =	vld [tilespmem:s7+$0xFFFFFFF0];
	_ =	sdelay $0x4  }
0x37e: {  	s18 =	sshll.u32 s8, $0x7;
	[tilespmem:s5+$0x20] =	vst v5  }
0x37f: {  	v6 =	vor.u32 s18, v2;
	v5 =	vld [tilespmem:s7+$0x0];
	_ =	sdelay $0x4  }
0x380: {  	s30 =	sadd.s32 s30, s15;
	[tilespmem:v6+s25+$0x0] =	vst.idx.msk $0xff, v5  }
0x381: {  	[hbm4b:s30+s26] =	stream.strided.scatter [tilespmem:s25], [sflag:$0x2], $0x1000, s28, s26, $0x38;
	[tilespmem:$0x12180] =	vst v63  }
0x382: {  	v5 =	vld [tilespmem:s19+$0x680];
	_ =	sdelay $0x4  }
0x383: {  	v6 =	vshra.s32 v5, $0x1F  }
0x384: {  	v6 =	vshrl.u32 v6, $0x19  }
0x385: {  	v6 =	vadd.s32 v6, v5  }
0x386: {  	v6 =	vshra.s32 v6, $0x7  }
0x387: {  	v7 =	vshll.u32 v6, $0x7  }
0x388: {  	vm0 =	vlt.s32 v5, $0x1;
	vm1 =	vne.s32 v5, v7  }
0x389: {  	vm0 =	vmand vm0, vm1  }
0x38a: {  	v7 =	vld [tilespmem:s19+$0x0];
	v8 =	vsel vm0, $0xFFFFFFFF, v3  }
0x38b: {  	v6 =	vadd.s32 v8, v6  }
0x38c: {  	v5 =	vand.u32 $0x7F, v5;
	v6 =	vshll.u32 v6, $0x7  }
0x38d: {  	v5 =	vor.u32 v5, v6  }
0x38e: {  	v5 =	vadd.s32 v0, v5;
	_ =	sdelay $0x3  }
0x38f: {  	v6 =	vld.idx.msk [tilespmem:v7+s20+$0x0], $0xffff  }
0x390: {  	v5 =	vld.idx.msk [tilespmem:v5+s24+$0x0], $0xffff;
	_ =	sdelay $0x1  }
0x391: {  	v7 =	vld [tilespmem:$0x12100];
	_ =	sdelay $0x2  }
0x392: {  	v5 =	vsub.f32 v6, v5;
	_ =	sdelay $0x1  }
0x393: {  	v5 =	vadd.f32 v5, v7;
	_ =	sdelay $0x1  }
0x394: {  	[tilespmem:$0x12100] =	vst v5  }
0x395: {  	v6 =	vld [tilespmem:s0+$0x6B0];
	_ =	sdelay $0x4  }
0x396: {  	v7 =	vshra.s32 v6, $0x1F  }
0x397: {  	v7 =	vshrl.u32 v7, $0x19  }
0x398: {  	v7 =	vadd.s32 v7, v6  }
0x399: {  	v62 =	vand.u32 $0xFFFFFF80, v7  }
0x39a: {  	vm14 =	vlt.s32 v6, $0x1;
	vm15 =	vne.s32 v6, v62  }
0x39b: {  	s31 =	sor.u32 $0x30, s0;
	vm0 =	vmand vm14, vm15  }
0x39c: {  	v63 =	vld [tilespmem:s31+$0x0];
	v7 =	vshrl.u32 v7, $0x7;
	v9 =	vsel vm0, $0xFFFFFFFF, v3  }
0x39d: {  	v7 =	vadd.s32 v9, v7  }
0x39e: {  	v6 =	vand.u32 $0x7F, v6;
	v7 =	vshll.u32 v7, $0x7  }
0x39f: {  	v6 =	vor.u32 v6, v7  }
0x3a0: {  	v6 =	vadd.s32 v4, v6;
	_ =	sdelay $0x3  }
0x3a1: {  	v7 =	vld.idx.msk [tilespmem:v63+s20+$0x0], $0xffff  }
0x3a2: {  	v6 =	vld.idx.msk [tilespmem:v6+s24+$0x0], $0xffff;
	_ =	sdelay $0x2  }
0x3a3: {  	s1 =	sadd.s32 $0x1, s1  }
0x3a4: {  	p0 =	sne.s32 s1, $0x19  }
.Ltmp16:
0x3a5: {  	v6 =	vsub.f32 v7, v6;
	(pc) =	sbr.rel @p0 .LBB2_2-.Ltmp16, $3  }
0x3a6: {  	_ = 	snop  }
0x3a7: {  	v5 =	vadd.f32 v6, v5;
	_ =	sdelay $0x1  }
0x3a8: {  	[tilespmem:$0x12100] =	vst v5  }
0x3a9: {  	_ =	swait.ge [sflag:s29], $0x1000  }
0x3aa: {  	[sflag:s29] =	ssyncset.done $0x0  }
0x3ab: {  	[sflag:s29] =	ssyncadd.s32 $0xFFFFF000  }
0x3ac: {  	_ =	swait.ge [sflag:s29], $0x1000  }
0x3ad: {  	[sflag:s29] =	ssyncset.done $0x0  }
0x3ae: {  	[sflag:s29] =	ssyncadd.s32 $0xFFFFF000  }
0x3af: {  	_ =	swait.ge [sflag:s29], $0x1000  }
0x3b0: {  	[sflag:s29] =	ssyncset.done $0x0  }
0x3b1: {  	[sflag:s29] =	ssyncadd.s32 $0xFFFFF000  }
0x3b2: {  	_ =	swait.ge [sflag:s29], $0x1000  }
0x3b3: {  	[sflag:s29] =	ssyncset.done $0x0  }
0x3b4: {  	[sflag:s29] =	ssyncadd.s32 $0xFFFFF000  }
0x3b5: {  	_ =	swait.ge [sflag:s29], $0x1000  }
0x3b6: {  	[sflag:s29] =	ssyncset.done $0x0  }
0x3b7: {  	[sflag:s29] =	ssyncadd.s32 $0xFFFFF000  }
0x3b8: {  	_ =	swait.ge [sflag:s29], $0x1000  }
0x3b9: {  	[sflag:s29] =	ssyncset.done $0x0  }
0x3ba: {  	[sflag:s29] =	ssyncadd.s32 $0xFFFFF000  }
0x3bb: {  	_ =	swait.ge [sflag:s29], $0x1000  }
0x3bc: {  	[sflag:s29] =	ssyncset.done $0x0  }
0x3bd: {  	[sflag:s29] =	ssyncadd.s32 $0xFFFFF000  }
0x3be: {  	_ =	swait.ge [sflag:s29], $0x1000  }
0x3bf: {  	[sflag:s29] =	ssyncset.done $0x0  }
0x3c0: {  	s1 =	simm.s32 $0x12100;
	s0 =	rddreg [dreg:$0x6];
	[sflag:s29] =	ssyncadd.s32 $0xFFFFF000  }
0x3c1: {  	[hbm4b:s0+s4] =	stream.linear.scatter [tilespmem:s1], [sflag:$0x3], $0x80, $0x38;
	[tilespmem:$0x12180] =	vst v63  }
0x3c2: {  	s1 =	simm.s32 $0x3  }
0x3c3: {  	_ =	swait.ge [sflag:s1], $0x80  }
0x3c4: {  	s5 =	rddreg [dreg:$0x8]  }
0x3c5: {  	s31 =	rddreg [dreg:$0x7];
	s5 =	sadd.s32 $0x1, s5  }
0x3c6: {  	p0 =	sne.s32 s5, s31  }
.Ltmp17:
0x3c7: {  	_ = 	snop;
	(pc) =	sbr.rel @p0 .LBB2_1-.Ltmp17, $3  }
0x3c8: {  	_ =	sdelay $0x1  }
0x3c9: {  	[sflag:s1] =	ssyncset.done $0x0  }
0x3ca: {  	[sflag:s1] =	ssyncadd.s32 $0xFFFFFF80  }
0x3cb: {  	_ =	sfence.sel $0x180000  }
0x3cc: {  	[bflag:$0x0] =	sbarrier.arrive $0xFFFF  }
0x3cd: {  	_ =	strace $0x90000047  }
0x3ce: {  	s0 =	stileid.u32;
	[bflag:$0x2] =	sbarrier.arrive $0xFFFF  }
0x3cf: {  	p0 =	sne.s32 s0, $0x0;
	s0 =	rddreg [dreg:$0x2]  }
0x3d0: {  	s0 =	sadd.s32 @!p0 $0x100000, s0  }
0x3d1: {  	[sflag:s0] =	ssyncadd.tile.s32 @!p0 $0x1;
	_ =	shalt  }
.Lfunc_end2:
_tile_overlayer_lowered:
.L_overlay_start_2:
0x3d2: {  	(tag) =	ssettag $0x2  }
0x3d3: {  	s0 =	rddreg [dreg:$0x0];
	s2 =	stileid.u32  }
0x3d4: {  	s1 =	rddreg [dreg:$0x1];
	p0 =	sne.s32 s2, $0x0  }
0x3d5: {  	s3 =	rddreg [dreg:$0x2];
	[bflag:$0x3] =	sbarrier.arrive $0xFFFF;
	s2 =	simm.s32 @!p0 $0x1C03  }
0x3d6: {  	[timem:s3], [sflag:s2] =	dma.local @!p0 [hbm:s0], s1  }
0x3d7: {  	s0 =	simm.s32 @!p0 $0x3  }
0x3d8: {  	_ =	swait.ge @!p0 [sflag:s0], s1  }
0x3d9: {  	s1 =	ssub.s32 @!p0 $0x0, s1;
	[sflag:s0] =	ssyncset.done @!p0 $0x0  }
0x3da: {  	[sflag:s0] =	ssyncadd.s32 @!p0 s1  }
0x3db: {  	[bflag:$0x3] =	sbarrier.arrive $0xFFFF  }
0x3dc: {  	_ =	shalt  }

</sc_bundles>
